<compile_context>
chip_gen: v7x
topology: tpu7x:2x2x1
jax: 0.10.2.dev20260603
libtpu: 0.0.44.dev20260713+nightly
codegen_flags: <defaults>
</compile_context>

<pallas_src>
import functools

import jax
import jax.numpy as jnp
from jax.experimental import pallas as pl



def _fps_kernel(xyzt_ref, out_ref, *, npoint):
    pts = xyzt_ref[0]
    N = pts.shape[1]
    x = pts[0:1, :]
    y = pts[1:2, :]
    z = pts[2:3, :]
    iota = jax.lax.broadcasted_iota(jnp.int32, (1, N), 1)
    iota_p = jax.lax.broadcasted_iota(jnp.int32, (1, npoint), 1)

    def body(i, carry):
        dist, far, out_vec = carry
        out_vec = jnp.where(iota_p == i, far, out_vec)
        oh = (iota == far).astype(jnp.float32)
        cx = jnp.sum(x * oh)
        cy = jnp.sum(y * oh)
        cz = jnp.sum(z * oh)
        d = (x - cx) ** 2 + (y - cy) ** 2 + (z - cz) ** 2
        dist = jnp.minimum(dist, d)
        mx = jnp.max(dist)
        far = jnp.min(jnp.where(dist == mx, iota, N))
        return dist, far, out_vec

    dist0 = jnp.full((1, N), 1e10, jnp.float32)
    out0 = jnp.zeros((1, npoint), jnp.int32)
    _, _, out_vec = jax.lax.fori_loop(
        0, npoint, body, (dist0, jnp.int32(0), out0))
    out_ref[0] = out_vec


def _ball_kernel(nxyz_ref, xyzt_ref, out_ref, *, radius2, nsample):
    s = nxyz_ref[0]
    xt = xyzt_ref[0]
    N = xt.shape[1]
    sn = jnp.sum(s * s, axis=1, keepdims=True)
    xn = jnp.sum(xt * xt, axis=0, keepdims=True)
    d = -2.0 * jnp.dot(s, xt, preferred_element_type=jnp.float32)
    d = d + sn
    d = d + xn
    keep = jnp.logical_not(d > radius2)
    iota = jax.lax.broadcasted_iota(jnp.int32, (1, N), 1)
    prev = jnp.full((s.shape[0], 1), -1, jnp.int32)
    cols = []
    for _ in range(nsample):
        cand = jnp.where(keep & (iota > prev), iota, N)
        nk = jnp.min(cand, axis=1, keepdims=True)
        cols.append(nk)
        prev = nk
    idx = jnp.concatenate(cols, axis=1)
    first = idx[:, :1]
    out_ref[0] = jnp.where(idx == N, first, idx)


def _knn3_kernel(d_ref, p2_ref, out_ref):
    d = d_ref[0]
    p2 = p2_ref[0]
    S2 = d.shape[1]
    iota = jax.lax.broadcasted_iota(jnp.int32, (1, S2), 1)
    dcur = d
    vals = []
    idxs = []
    for _ in range(3):
        mv = jnp.min(dcur, axis=1, keepdims=True)
        aj = jnp.min(jnp.where(dcur == mv, iota, S2), axis=1, keepdims=True)
        vals.append(mv)
        idxs.append(aj)
        dcur = jnp.where(iota == aj, 1e30, dcur)
    d3 = jnp.concatenate(vals, axis=1)
    recip = 1.0 / (d3 + 1e-8)
    norm = jnp.sum(recip, axis=1, keepdims=True)
    w = recip / norm
    m = jnp.zeros(d.shape, jnp.float32)
    for j in range(3):
        m = m + jnp.where(iota == idxs[j], w[:, j:j + 1], 0.0)
    out_ref[0] = jnp.dot(m, p2, precision=jax.lax.Precision.HIGHEST,
                         preferred_element_type=jnp.float32)



def _fps(xyz, npoint):
    B, N, _ = xyz.shape
    xt = jnp.transpose(xyz, (0, 2, 1))
    out = pl.pallas_call(
        functools.partial(_fps_kernel, npoint=npoint),
        grid=(B,),
        in_specs=[pl.BlockSpec((1, 3, N), lambda b: (b, 0, 0))],
        out_specs=pl.BlockSpec((1, 1, npoint), lambda b: (b, 0, 0)),
        out_shape=jax.ShapeDtypeStruct((B, 1, npoint), jnp.int32),
    )(xt)
    return out[:, 0, :]


def _ball(radius, nsample, xyz, new_xyz):
    B, N, _ = xyz.shape
    S = new_xyz.shape[1]
    sb = min(S, 128)
    xt = jnp.transpose(xyz, (0, 2, 1))
    out = pl.pallas_call(
        functools.partial(_ball_kernel, radius2=radius * radius,
                          nsample=nsample),
        grid=(B, S // sb),
        in_specs=[
            pl.BlockSpec((1, sb, 3), lambda b, s: (b, s, 0)),
            pl.BlockSpec((1, 3, N), lambda b, s: (b, 0, 0)),
        ],
        out_specs=pl.BlockSpec((1, sb, nsample), lambda b, s: (b, s, 0)),
        out_shape=jax.ShapeDtypeStruct((B, S, nsample), jnp.int32),
    )(new_xyz, xt)
    return out


def _sqdist(src, dst):
    d = -2.0 * jnp.einsum('bnc,bmc->bnm', src, dst)
    d = d + jnp.sum(src ** 2, axis=-1)[:, :, None]
    d = d + jnp.sum(dst ** 2, axis=-1)[:, None, :]
    return d


def _knn3_interp(xyz1, xyz2, points2):
    B, N1, _ = xyz1.shape
    S2 = xyz2.shape[1]
    C2 = points2.shape[2]
    nb = min(N1, 512)
    x1b, x2b = jax.lax.optimization_barrier((xyz1, xyz2))
    dists = jax.lax.optimization_barrier(_sqdist(x1b, x2b))
    out = pl.pallas_call(
        _knn3_kernel,
        grid=(B, N1 // nb),
        in_specs=[
            pl.BlockSpec((1, nb, S2), lambda b, n: (b, n, 0)),
            pl.BlockSpec((1, S2, C2), lambda b, n: (b, 0, 0)),
        ],
        out_specs=pl.BlockSpec((1, nb, C2), lambda b, n: (b, n, 0)),
        out_shape=jax.ShapeDtypeStruct((B, N1, C2), jnp.float32),
    )(dists, points2)
    return out



def _gather(points, idx):
    return jax.vmap(lambda p, i: p[i])(points, idx)


def _mlp(x, layers, axes):
    for (W, b, g, bt) in layers:
        x = x @ W + b
        m = jnp.mean(x, axis=axes, keepdims=True)
        v = jnp.var(x, axis=axes, keepdims=True)
        x = (x - m) / jnp.sqrt(v + 1e-5) * g + bt
        x = jax.nn.relu(x)
    return x


def _set_abstraction(xyz, points, npoint, radius, nsample, layers):
    fps_idx = _fps(xyz, npoint)
    new_xyz = _gather(xyz, fps_idx)
    idx = _ball(radius, nsample, xyz, new_xyz)
    grouped_xyz = _gather(xyz, idx)
    grouped_norm = grouped_xyz - new_xyz[:, :, None, :]
    grouped_points = _gather(points, idx)
    new_points = jnp.concatenate([grouped_norm, grouped_points], axis=-1)
    new_points = _mlp(new_points, layers, (0, 1, 2))
    return new_xyz, jnp.max(new_points, axis=2)


def _feature_propagation(xyz1, xyz2, points1, points2, layers):
    interpolated = _knn3_interp(xyz1, xyz2, points2)
    if points1 is not None:
        new_points = jnp.concatenate([points1, interpolated], axis=-1)
    else:
        new_points = interpolated
    return _mlp(new_points, layers, (0, 1))


def kernel(xyz, params):
    bar = jax.lax.optimization_barrier
    l0_points = jnp.transpose(xyz, (0, 2, 1))
    l0_xyz = l0_points[:, :, :3]
    l0_xyz, l0_points = bar((l0_xyz, l0_points))
    l1_xyz, l1_points = bar(_set_abstraction(l0_xyz, l0_points, 1024, 0.1,
                                             32, params['sa1']))
    l2_xyz, l2_points = bar(_set_abstraction(l1_xyz, l1_points, 256, 0.2,
                                             32, params['sa2']))
    l3_xyz, l3_points = bar(_set_abstraction(l2_xyz, l2_points, 64, 0.4,
                                             32, params['sa3']))
    l4_xyz, l4_points = bar(_set_abstraction(l3_xyz, l3_points, 16, 0.8,
                                             32, params['sa4']))
    l3_points = bar(_feature_propagation(l3_xyz, l4_xyz, l3_points,
                                         l4_points, params['fp4']))
    l2_points = bar(_feature_propagation(l2_xyz, l3_xyz, l2_points,
                                         l3_points, params['fp3']))
    l1_points = bar(_feature_propagation(l1_xyz, l2_xyz, l1_points,
                                         l2_points, params['fp2']))
    l0_feats = bar(_feature_propagation(l0_xyz, l1_xyz, None, l1_points,
                                        params['fp1']))
    h = _mlp(l0_feats, params['conv1'], (0, 1))
    W2, b2 = params['conv2']
    x = h @ W2 + b2
    Wm, bm = params['head_mlp']
    f = jax.nn.leaky_relu(x @ Wm + bm, 0.1)
    Wc, bc = params['head_center']
    c = jax.nn.sigmoid(f @ Wc + bc)
    Wv, bv = params['head_var']
    v = jax.nn.relu(jax.nn.leaky_relu(f @ Wv + bv, 0.1))
    Ws, bs = params['head_softmax']
    xo = jax.nn.leaky_relu(f @ Ws + bs, 0.1)
    return (xo, c, v, f)

# --- scband reference (transcript-rebuilt; emitter-appended) ---
"""Pipeline reference for scband-point-net2-32598801777041 (READ-ONLY COPY).

The authoritative reference and input builder live on the scoring server;
editing this copy changes nothing except your own understanding.
"""

import jax, jax.numpy as jnp
import numpy as np

def square_distance(src, dst):
    d = -2.0 * jnp.einsum('bnc,bmc->bnm', src, dst)
    d = d + jnp.sum(src ** 2, axis=-1)[:, :, None]
    d = d + jnp.sum(dst ** 2, axis=-1)[:, None, :]
    return d

def index_points(points, idx):
    return jax.vmap(lambda p, i: p[i])(points, idx)

def farthest_point_sample(xyz, npoint):
    xyz = jax.lax.stop_gradient(xyz)
    B, N, _ = xyz.shape
    distance = jnp.full((B, N), 1e10, dtype=xyz.dtype)
    farthest = jnp.zeros((B,), dtype=jnp.int32)
    def step(state, _):
        dist_acc, far = state
        centroid = index_points(xyz, far[:, None])
        d = jnp.sum((xyz - centroid) ** 2, axis=-1)
        dist_acc = jnp.minimum(dist_acc, d)
        new_far = jnp.argmax(dist_acc, axis=-1).astype(jnp.int32)
        return (dist_acc, new_far), far
    _, cent = jax.lax.scan(step, (distance, farthest), None, length=npoint)
    return jnp.transpose(cent, (1, 0))

def query_ball_point(radius, nsample, xyz, new_xyz):
    B, N, _ = xyz.shape
    S = new_xyz.shape[1]
    sqr = square_distance(jax.lax.stop_gradient(new_xyz), jax.lax.stop_gradient(xyz))
    gidx = jnp.broadcast_to(jnp.arange(N, dtype=jnp.int32), (B, S, N))
    gidx = jnp.where(sqr > radius ** 2, N, gidx)
    gidx = jnp.sort(gidx, axis=-1)[:, :, :nsample]
    first = gidx[:, :, :1]
    gidx = jnp.where(gidx == N, jnp.broadcast_to(first, gidx.shape), gidx)
    return gidx

def run_mlp(x, layers, axes):
    for (W, b, g, bt) in layers:
        x = x @ W + b
        m = jnp.mean(x, axis=axes, keepdims=True)
        v = jnp.var(x, axis=axes, keepdims=True)
        x = (x - m) / jnp.sqrt(v + 1e-5) * g + bt
        x = jax.nn.relu(x)
    return x

def set_abstraction(xyz, points, npoint, radius, nsample, layers):
    fps_idx = farthest_point_sample(xyz, npoint)
    new_xyz = index_points(xyz, fps_idx)
    idx = query_ball_point(radius, nsample, xyz, new_xyz)
    grouped_xyz = index_points(xyz, idx)
    grouped_norm = grouped_xyz - new_xyz[:, :, None, :]
    grouped_points = index_points(points, idx)
    new_points = jnp.concatenate([grouped_norm, grouped_points], axis=-1)
    new_points = run_mlp(new_points, layers, (0, 1, 2))
    return new_xyz, jnp.max(new_points, axis=2)

def feature_propagation(xyz1, xyz2, points1, points2, layers):
    B, N, _ = xyz1.shape
    S = xyz2.shape[1]
    if S == 1:
        interpolated = jnp.broadcast_to(points2, (B, N, points2.shape[-1]))
    else:
        dists = square_distance(xyz1, xyz2)
        idx = jnp.argsort(dists, axis=-1)[:, :, :3]
        d3 = jnp.take_along_axis(dists, idx, axis=-1)
        recip = 1.0 / (d3 + 1e-8)
        norm = jnp.sum(recip, axis=2, keepdims=True)
        weight = recip / norm
        interpolated = jnp.sum(index_points(points2, idx) * weight[..., None], axis=2)
    if points1 is not None:
        new_points = jnp.concatenate([points1, interpolated], axis=-1)
    else:
        new_points = interpolated
    return run_mlp(new_points, layers, (0, 1))

def forward_net(xyz, params):
    l0_points = jnp.transpose(xyz, (0, 2, 1))
    l0_xyz = l0_points[:, :, :3]
    l1_xyz, l1_points = set_abstraction(l0_xyz, l0_points, 1024, 0.1, 32, params['sa1'])
    l2_xyz, l2_points = set_abstraction(l1_xyz, l1_points, 256, 0.2, 32, params['sa2'])
    l3_xyz, l3_points = set_abstraction(l2_xyz, l2_points, 64, 0.4, 32, params['sa3'])
    l4_xyz, l4_points = set_abstraction(l3_xyz, l3_points, 16, 0.8, 32, params['sa4'])
    l3_points = feature_propagation(l3_xyz, l4_xyz, l3_points, l4_points, params['fp4'])
    l2_points = feature_propagation(l2_xyz, l3_xyz, l2_points, l3_points, params['fp3'])
    l1_points = feature_propagation(l1_xyz, l2_xyz, l1_points, l2_points, params['fp2'])
    l0_feats = feature_propagation(l0_xyz, l1_xyz, None, l1_points, params['fp1'])
    h = run_mlp(l0_feats, params['conv1'], (0, 1))
    W2, b2 = params['conv2']
    x = h @ W2 + b2
    Wm, bm = params['head_mlp']
    f = jax.nn.leaky_relu(x @ Wm + bm, 0.1)
    Wc, bc = params['head_center']
    c = jax.nn.sigmoid(f @ Wc + bc)
    Wv, bv = params['head_var']
    v = jax.nn.relu(jax.nn.leaky_relu(f @ Wv + bv, 0.1))
    Ws, bs = params['head_softmax']
    xo = jax.nn.leaky_relu(f @ Ws + bs, 0.1)
    return (xo, c, v, f)

def setup_inputs(seed: int = 0):
    key = jax.random.key(seed)
    k_x, key = jax.random.split(key)
    xyz = jax.random.normal(k_x, (2, 9, 8192), dtype=jnp.float32)
    def mlp_params(key, in_c, chans):
        layers = []
        for out_c in chans:
            key, k1 = jax.random.split(key)
            W = jax.random.normal(k1, (in_c, out_c), dtype=jnp.float32) / np.sqrt(in_c).astype(np.float32)
            layers.append((W, jnp.zeros((out_c,), jnp.float32), jnp.ones((out_c,), jnp.float32), jnp.zeros((out_c,), jnp.float32)))
            in_c = out_c
        return key, layers
    def lin(key, in_c, out_c):
        key, k1 = jax.random.split(key)
        W = jax.random.normal(k1, (in_c, out_c), dtype=jnp.float32) / np.sqrt(in_c).astype(np.float32)
        return key, (W, jnp.zeros((out_c,), jnp.float32))
    params = {}
    key, params['sa1'] = mlp_params(key, 12, [32, 32, 64])
    key, params['sa2'] = mlp_params(key, 67, [64, 64, 128])
    key, params['sa3'] = mlp_params(key, 131, [128, 128, 256])
    key, params['sa4'] = mlp_params(key, 259, [256, 256, 512])
    key, params['fp4'] = mlp_params(key, 768, [256, 256])
    key, params['fp3'] = mlp_params(key, 384, [256, 256])
    key, params['fp2'] = mlp_params(key, 320, [256, 128])
    key, params['fp1'] = mlp_params(key, 128, [128, 128, 128])
    key, params['conv1'] = mlp_params(key, 128, [128])
    key, params['conv2'] = lin(key, 128, 256)
    key, params['head_mlp'] = lin(key, 256, 256)
    key, params['head_center'] = lin(key, 256, 1)
    key, params['head_var'] = lin(key, 256, 260)
    key, params['head_softmax'] = lin(key, 256, 19)
    return {'xyz': xyz, 'params': params}

def reference(xyz, params):
    return forward_net(xyz, params)

if __name__ == "__main__":
    import jax
    _d = setup_inputs()
    print(jax.jit(kernel)(*tuple(_d.values())))

</pallas_src>

<mosaic_0001>
module attributes {stable_mosaic.version = 14 : i64} {
  func.func @_fps_kernel(%arg0: i32, %arg1: memref<1x3x8192xf32, #tpu.memory_space<vmem>>, %arg2: memref<1x1x1024xi32, #tpu.memory_space<vmem>>) attributes {dimension_semantics = [#tpu.dimension_semantics<arbitrary>], iteration_bounds = array<i64: 2>, scalar_prefetch = 0 : i64, scratch_operands = 0 : i64, tpu.core_type = #tpu.core_type<tc>, window_params = [{transform_indices = @transform_0, window_bounds = array<i64: 1, 3, 8192>}, {transform_indices = @transform_1, window_bounds = array<i64: 1, 1, 1024>}]} {
    %get3A = arith.constant 0 : index
    %get3A_0 = arith.constant 0 : index
    %get3A_1 = arith.constant 0 : index
    %get3A_2 = vector.load %arg1[%get3A, %get3A_0, %get3A_1] : memref<1x3x8192xf32, #tpu.memory_space<vmem>>, vector<1x3x8192xf32>
    %get3A_3 = vector.shape_cast %get3A_2 : vector<1x3x8192xf32> to vector<3x8192xf32>
    %slice3A = vector.extract_strided_slice %get3A_3 {offsets = [0, 0], sizes = [1, 8192], strides = [1, 1]} : vector<3x8192xf32> to vector<1x8192xf32>
    %slice3A_4 = vector.extract_strided_slice %get3A_3 {offsets = [1, 0], sizes = [1, 8192], strides = [1, 1]} : vector<3x8192xf32> to vector<1x8192xf32>
    %slice3A_5 = vector.extract_strided_slice %get3A_3 {offsets = [2, 0], sizes = [1, 8192], strides = [1, 1]} : vector<3x8192xf32> to vector<1x8192xf32>
    %iota3A = tpu.iota {dimensions = array<i32: 1>} : vector<1x8192xi32>
    %iota3A_6 = tpu.iota {dimensions = array<i32: 1>} : vector<1x1024xi32>
    %broadcast_in_dim3A = arith.constant 1.000000e+10 : f32
    %broadcast_in_dim3A_7 = vector.broadcast %broadcast_in_dim3A : f32 to vector<1x8192xf32>
    %broadcast_in_dim3A_8 = arith.constant 0 : i32
    %broadcast_in_dim3A_9 = vector.broadcast %broadcast_in_dim3A_8 : i32 to vector<1x1024xi32>
    %scan3A = arith.constant 0 : i32
    %scan3A_10 = arith.constant 0 : i32
    %scan3A_11 = arith.constant 1024 : i32
    %scan3A_12 = arith.addi %scan3A_10, %scan3A_11 : i32
    %scan3A_13 = arith.constant 1 : i32
    %scan3A_14:3 = scf.for %scan3A_21 = %scan3A_10 to %scan3A_12 step %scan3A_13 iter_args(%scan3A_22 = %broadcast_in_dim3A_7, %scan3A_23 = %scan3A, %scan3A_24 = %broadcast_in_dim3A_9) -> (vector<1x8192xf32>, i32, vector<1x1024xi32>)  : i32 {
      %eq3A = vector.broadcast %scan3A_21 : i32 to vector<1x1024xi32>
      %eq3A_25 = arith.cmpi eq, %iota3A_6, %eq3A : vector<1x1024xi32>
      %broadcast_in_dim3A_26 = vector.broadcast %scan3A_23 : i32 to vector<1x1024xi32>
      %select_n3A = arith.select %eq3A_25, %broadcast_in_dim3A_26, %scan3A_24 : vector<1x1024xi1>, vector<1x1024xi32>
      %eq3A_27 = vector.broadcast %scan3A_23 : i32 to vector<1x8192xi32>
      %eq3A_28 = arith.cmpi eq, %iota3A, %eq3A_27 : vector<1x8192xi32>
      %convert_element_type3A = arith.extui %eq3A_28 : vector<1x8192xi1> to vector<1x8192xi32>
      %convert_element_type3A_29 = arith.sitofp %convert_element_type3A : vector<1x8192xi32> to vector<1x8192xf32>
      %mul3A = arith.mulf %slice3A, %convert_element_type3A_29 : vector<1x8192xf32>
      %reduce_sum3A = vector.shape_cast %mul3A : vector<1x8192xf32> to vector<1x1x8192xf32>
      %reduce_sum3A_30 = arith.constant dense<0.000000e+00> : vector<1xf32>
      %reduce_sum3A_31 = vector.multi_reduction <add>, %reduce_sum3A, %reduce_sum3A_30 [1, 2] : vector<1x1x8192xf32> to vector<1xf32>
      %reduce_sum3A_32 = vector.shape_cast %reduce_sum3A_31 : vector<1xf32> to vector<1x1x1xf32>
      %reduce_sum3A_33 = vector.extract %reduce_sum3A_32[0, 0, 0] : f32 from vector<1x1x1xf32>
      %mul3A_34 = arith.mulf %slice3A_4, %convert_element_type3A_29 : vector<1x8192xf32>
      %reduce_sum3A_35 = vector.shape_cast %mul3A_34 : vector<1x8192xf32> to vector<1x1x8192xf32>
      %reduce_sum3A_36 = arith.constant dense<0.000000e+00> : vector<1xf32>
      %reduce_sum3A_37 = vector.multi_reduction <add>, %reduce_sum3A_35, %reduce_sum3A_36 [1, 2] : vector<1x1x8192xf32> to vector<1xf32>
      %reduce_sum3A_38 = vector.shape_cast %reduce_sum3A_37 : vector<1xf32> to vector<1x1x1xf32>
      %reduce_sum3A_39 = vector.extract %reduce_sum3A_38[0, 0, 0] : f32 from vector<1x1x1xf32>
      %mul3A_40 = arith.mulf %slice3A_5, %convert_element_type3A_29 : vector<1x8192xf32>
      %reduce_sum3A_41 = vector.shape_cast %mul3A_40 : vector<1x8192xf32> to vector<1x1x8192xf32>
      %reduce_sum3A_42 = arith.constant dense<0.000000e+00> : vector<1xf32>
      %reduce_sum3A_43 = vector.multi_reduction <add>, %reduce_sum3A_41, %reduce_sum3A_42 [1, 2] : vector<1x1x8192xf32> to vector<1xf32>
      %reduce_sum3A_44 = vector.shape_cast %reduce_sum3A_43 : vector<1xf32> to vector<1x1x1xf32>
      %reduce_sum3A_45 = vector.extract %reduce_sum3A_44[0, 0, 0] : f32 from vector<1x1x1xf32>
      %sub3A = vector.broadcast %reduce_sum3A_33 : f32 to vector<1x8192xf32>
      %sub3A_46 = arith.subf %slice3A, %sub3A : vector<1x8192xf32>
      %integer_pow3A = arith.mulf %sub3A_46, %sub3A_46 : vector<1x8192xf32>
      %sub3A_47 = vector.broadcast %reduce_sum3A_39 : f32 to vector<1x8192xf32>
      %sub3A_48 = arith.subf %slice3A_4, %sub3A_47 : vector<1x8192xf32>
      %integer_pow3A_49 = arith.mulf %sub3A_48, %sub3A_48 : vector<1x8192xf32>
      %add3A = arith.addf %integer_pow3A, %integer_pow3A_49 : vector<1x8192xf32>
      %sub3A_50 = vector.broadcast %reduce_sum3A_45 : f32 to vector<1x8192xf32>
      %sub3A_51 = arith.subf %slice3A_5, %sub3A_50 : vector<1x8192xf32>
      %integer_pow3A_52 = arith.mulf %sub3A_51, %sub3A_51 : vector<1x8192xf32>
      %add3A_53 = arith.addf %add3A, %integer_pow3A_52 : vector<1x8192xf32>
      %min3A = arith.minimumf %scan3A_22, %add3A_53 : vector<1x8192xf32>
      %reduce_max3A = vector.shape_cast %min3A : vector<1x8192xf32> to vector<1x1x8192xf32>
      %reduce_max3A_54 = arith.constant dense<0xFF800000> : vector<1xf32>
      %reduce_max3A_55 = vector.multi_reduction <maximumf>, %reduce_max3A, %reduce_max3A_54 [1, 2] : vector<1x1x8192xf32> to vector<1xf32>
      %reduce_max3A_56 = vector.shape_cast %reduce_max3A_55 : vector<1xf32> to vector<1x1x1xf32>
      %reduce_max3A_57 = vector.extract %reduce_max3A_56[0, 0, 0] : f32 from vector<1x1x1xf32>
      %eq3A_58 = vector.broadcast %reduce_max3A_57 : f32 to vector<1x8192xf32>
      %eq3A_59 = arith.cmpf oeq, %min3A, %eq3A_58 : vector<1x8192xf32>
      %jit3A = arith.constant 8192 : i32
      %broadcast_in_dim3A_60 = vector.broadcast %jit3A : i32 to vector<1x8192xi32>
      %select_n3A_61 = arith.select %eq3A_59, %iota3A, %broadcast_in_dim3A_60 : vector<1x8192xi1>, vector<1x8192xi32>
      %reduce_min3A = vector.shape_cast %select_n3A_61 : vector<1x8192xi32> to vector<1x1x8192xi32>
      %reduce_min3A_62 = arith.constant dense<2147483647> : vector<1xi32>
      %reduce_min3A_63 = vector.multi_reduction <minsi>, %reduce_min3A, %reduce_min3A_62 [1, 2] : vector<1x1x8192xi32> to vector<1xi32>
      %reduce_min3A_64 = vector.shape_cast %reduce_min3A_63 : vector<1xi32> to vector<1x1x1xi32>
      %reduce_min3A_65 = vector.extract %reduce_min3A_64[0, 0, 0] : i32 from vector<1x1x1xi32>
      scf.yield %min3A, %reduce_min3A_65, %select_n3A : vector<1x8192xf32>, i32, vector<1x1024xi32>
    }
    %scan3A_15 = arith.constant 1024 : i32
    %swap3A = arith.constant 0 : index
    %swap3A_16 = arith.constant 0 : index
    %swap3A_17 = arith.constant 0 : index
    %swap3A_18 = vector.load %arg2[%swap3A, %swap3A_16, %swap3A_17] : memref<1x1x1024xi32, #tpu.memory_space<vmem>>, vector<1x1x1024xi32>
    %swap3A_19 = vector.shape_cast %swap3A_18 : vector<1x1x1024xi32> to vector<1x1024xi32>
    %swap3A_20 = vector.shape_cast %scan3A_14#2 : vector<1x1024xi32> to vector<1x1x1024xi32>
    tpu.vector_store %arg2[%swap3A, %swap3A_16, %swap3A_17], %swap3A_20 {strides = array<i32>} : memref<1x1x1024xi32, #tpu.memory_space<vmem>>, vector<1x1x1024xi32>,
    return
  }
  func.func @transform_0(%arg0: i32) -> (i32, i32, i32) {
    %c0_i32 = arith.constant 0 : i32
    %c0_i32_0 = arith.constant 0 : i32
    %c0_i32_1 = arith.constant 0 : i32
    return %arg0, %c0_i32, %c0_i32_0 : i32, i32, i32
  }
  func.func @transform_1(%arg0: i32) -> (i32, i32, i32) {
    %c0_i32 = arith.constant 0 : i32
    %c0_i32_0 = arith.constant 0 : i32
    %c0_i32_1 = arith.constant 0 : i32
    return %arg0, %c0_i32, %c0_i32_0 : i32, i32, i32
  }
}

module attributes {stable_mosaic.version = 14 : i64} {
  func.func @_ball_kernel(%arg0: i32, %arg1: i32, %arg2: memref<1x128x3xf32, #tpu.memory_space<vmem>>, %arg3: memref<1x3x8192xf32, #tpu.memory_space<vmem>>, %arg4: memref<1x128x32xi32, #tpu.memory_space<vmem>>) attributes {dimension_semantics = [#tpu.dimension_semantics<arbitrary>, #tpu.dimension_semantics<arbitrary>], iteration_bounds = array<i64: 2, 8>, scalar_prefetch = 0 : i64, scratch_operands = 0 : i64, tpu.core_type = #tpu.core_type<tc>, window_params = [{transform_indices = @transform_0, window_bounds = array<i64: 1, 128, 3>}, {transform_indices = @transform_1, window_bounds = array<i64: 1, 3, 8192>}, {transform_indices = @transform_2, window_bounds = array<i64: 1, 128, 32>}]} {
    %get3A = arith.constant 0 : index
    %get3A_0 = arith.constant 0 : index
    %get3A_1 = arith.constant 0 : index
    %get3A_2 = vector.load %arg2[%get3A, %get3A_0, %get3A_1] : memref<1x128x3xf32, #tpu.memory_space<vmem>>, vector<1x128x3xf32>
    %get3A_3 = vector.shape_cast %get3A_2 : vector<1x128x3xf32> to vector<128x3xf32>
    %get3A_4 = arith.constant 0 : index
    %get3A_5 = arith.constant 0 : index
    %get3A_6 = arith.constant 0 : index
    %get3A_7 = vector.load %arg3[%get3A_4, %get3A_5, %get3A_6] : memref<1x3x8192xf32, #tpu.memory_space<vmem>>, vector<1x3x8192xf32>
    %get3A_8 = vector.shape_cast %get3A_7 : vector<1x3x8192xf32> to vector<3x8192xf32>
    %mul3A = arith.mulf %get3A_3, %get3A_3 : vector<128x3xf32>
    %reduce_sum3A = arith.constant dense<0.000000e+00> : vector<128xf32>
    %reduce_sum3A_9 = vector.multi_reduction <add>, %mul3A, %reduce_sum3A [1] : vector<128x3xf32> to vector<128xf32>
    %broadcast_in_dim3A = vector.shape_cast %reduce_sum3A_9 : vector<128xf32> to vector<128x1xf32>
    %mul3A_10 = arith.mulf %get3A_8, %get3A_8 : vector<3x8192xf32>
    %reduce_sum3A_11 = arith.constant dense<0.000000e+00> : vector<8192xf32>
    %reduce_sum3A_12 = vector.multi_reduction <add>, %mul3A_10, %reduce_sum3A_11 [0] : vector<3x8192xf32> to vector<8192xf32>
    %broadcast_in_dim3A_13 = vector.shape_cast %reduce_sum3A_12 : vector<8192xf32> to vector<1x8192xf32>
    %dot_general3A = arith.constant dense<0.000000e+00> : vector<128x8192xf32>
    %dot_general3A_14 = tpu.matmul %get3A_3, %get3A_8, %dot_general3A {dimension_numbers = #tpu.dot_dimension_numbers<[1], [0], [0], [1], [0, 0, 1, 1], [], []>, transpose_lhs_hint = false} : vector<128x3xf32>, vector<3x8192xf32>, vector<128x8192xf32> -> vector<128x8192xf32>
    %mul3A_15 = arith.constant -2.000000e+00 : f32
    %mul3A_16 = vector.broadcast %mul3A_15 : f32 to vector<128x8192xf32>
    %mul3A_17 = arith.mulf %mul3A_16, %dot_general3A_14 : vector<128x8192xf32>
    %add3A = vector.broadcast %broadcast_in_dim3A : vector<128x1xf32> to vector<128x8192xf32>
    %add3A_18 = arith.addf %mul3A_17, %add3A : vector<128x8192xf32>
    %add3A_19 = vector.broadcast %broadcast_in_dim3A_13 : vector<1x8192xf32> to vector<128x8192xf32>
    %add3A_20 = arith.addf %add3A_18, %add3A_19 : vector<128x8192xf32>
    %gt3A = arith.constant 0.00999999977 : f32
    %gt3A_21 = vector.broadcast %gt3A : f32 to vector<128x8192xf32>
    %gt3A_22 = arith.cmpf ogt, %add3A_20, %gt3A_21 : vector<128x8192xf32>
    %not3A = arith.constant dense<true> : vector<128x8192xi1>
    %not3A_23 = arith.xori %gt3A_22, %not3A : vector<128x8192xi1>
    %iota3A = tpu.iota {dimensions = array<i32: 1>} : vector<1x8192xi32>
    %broadcast_in_dim3A_24 = arith.constant -1 : i32
    %broadcast_in_dim3A_25 = vector.broadcast %broadcast_in_dim3A_24 : i32 to vector<128x1xi32>
    %gt3A_26 = vector.broadcast %iota3A : vector<1x8192xi32> to vector<128x8192xi32>
    %gt3A_27 = vector.broadcast %broadcast_in_dim3A_25 : vector<128x1xi32> to vector<128x8192xi32>
    %gt3A_28 = arith.cmpi sgt, %gt3A_26, %gt3A_27 : vector<128x8192xi32>
    %and3A = arith.andi %not3A_23, %gt3A_28 : vector<128x8192xi1>
    %jit3A = arith.constant 8192 : i32
    %broadcast_in_dim3A_29 = vector.shape_cast %iota3A : vector<1x8192xi32> to vector<1x8192xi32>
    %broadcast_in_dim3A_30 = vector.broadcast %broadcast_in_dim3A_29 : vector<1x8192xi32> to vector<128x8192xi32>
    %broadcast_in_dim3A_31 = vector.broadcast %jit3A : i32 to vector<128x8192xi32>
    %select_n3A = arith.select %and3A, %broadcast_in_dim3A_30, %broadcast_in_dim3A_31 : vector<128x8192xi1>, vector<128x8192xi32>
    %reduce_min3A = arith.constant dense<2147483647> : vector<128xi32>
    %reduce_min3A_32 = vector.multi_reduction <minsi>, %select_n3A, %reduce_min3A [1] : vector<128x8192xi32> to vector<128xi32>
    %broadcast_in_dim3A_33 = vector.shape_cast %reduce_min3A_32 : vector<128xi32> to vector<128x1xi32>
    %gt3A_34 = vector.broadcast %iota3A : vector<1x8192xi32> to vector<128x8192xi32>
    %gt3A_35 = vector.broadcast %broadcast_in_dim3A_33 : vector<128x1xi32> to vector<128x8192xi32>
    %gt3A_36 = arith.cmpi sgt, %gt3A_34, %gt3A_35 : vector<128x8192xi32>
    %and3A_37 = arith.andi %not3A_23, %gt3A_36 : vector<128x8192xi1>
    %jit3A_38 = arith.constant 8192 : i32
    %broadcast_in_dim3A_39 = vector.shape_cast %iota3A : vector<1x8192xi32> to vector<1x8192xi32>
    %broadcast_in_dim3A_40 = vector.broadcast %broadcast_in_dim3A_39 : vector<1x8192xi32> to vector<128x8192xi32>
    %broadcast_in_dim3A_41 = vector.broadcast %jit3A_38 : i32 to vector<128x8192xi32>
    %select_n3A_42 = arith.select %and3A_37, %broadcast_in_dim3A_40, %broadcast_in_dim3A_41 : vector<128x8192xi1>, vector<128x8192xi32>
    %reduce_min3A_43 = arith.constant dense<2147483647> : vector<128xi32>
    %reduce_min3A_44 = vector.multi_reduction <minsi>, %select_n3A_42, %reduce_min3A_43 [1] : vector<128x8192xi32> to vector<128xi32>
    %broadcast_in_dim3A_45 = vector.shape_cast %reduce_min3A_44 : vector<128xi32> to vector<128x1xi32>
    %gt3A_46 = vector.broadcast %iota3A : vector<1x8192xi32> to vector<128x8192xi32>
    %gt3A_47 = vector.broadcast %broadcast_in_dim3A_45 : vector<128x1xi32> to vector<128x8192xi32>
    %gt3A_48 = arith.cmpi sgt, %gt3A_46, %gt3A_47 : vector<128x8192xi32>
    %and3A_49 = arith.andi %not3A_23, %gt3A_48 : vector<128x8192xi1>
    %jit3A_50 = arith.constant 8192 : i32
    %broadcast_in_dim3A_51 = vector.shape_cast %iota3A : vector<1x8192xi32> to vector<1x8192xi32>
    %broadcast_in_dim3A_52 = vector.broadcast %broadcast_in_dim3A_51 : vector<1x8192xi32> to vector<128x8192xi32>
    %broadcast_in_dim3A_53 = vector.broadcast %jit3A_50 : i32 to vector<128x8192xi32>
    %select_n3A_54 = arith.select %and3A_49, %broadcast_in_dim3A_52, %broadcast_in_dim3A_53 : vector<128x8192xi1>, vector<128x8192xi32>
    %reduce_min3A_55 = arith.constant dense<2147483647> : vector<128xi32>
    %reduce_min3A_56 = vector.multi_reduction <minsi>, %select_n3A_54, %reduce_min3A_55 [1] : vector<128x8192xi32> to vector<128xi32>
    %broadcast_in_dim3A_57 = vector.shape_cast %reduce_min3A_56 : vector<128xi32> to vector<128x1xi32>
    %gt3A_58 = vector.broadcast %iota3A : vector<1x8192xi32> to vector<128x8192xi32>
    %gt3A_59 = vector.broadcast %broadcast_in_dim3A_57 : vector<128x1xi32> to vector<128x8192xi32>
    %gt3A_60 = arith.cmpi sgt, %gt3A_58, %gt3A_59 : vector<128x8192xi32>
    %and3A_61 = arith.andi %not3A_23, %gt3A_60 : vector<128x8192xi1>
    %jit3A_62 = arith.constant 8192 : i32
    %broadcast_in_dim3A_63 = vector.shape_cast %iota3A : vector<1x8192xi32> to vector<1x8192xi32>
    %broadcast_in_dim3A_64 = vector.broadcast %broadcast_in_dim3A_63 : vector<1x8192xi32> to vector<128x8192xi32>
    %broadcast_in_dim3A_65 = vector.broadcast %jit3A_62 : i32 to vector<128x8192xi32>
    %select_n3A_66 = arith.select %and3A_61, %broadcast_in_dim3A_64, %broadcast_in_dim3A_65 : vector<128x8192xi1>, vector<128x8192xi32>
    %reduce_min3A_67 = arith.constant dense<2147483647> : vector<128xi32>
    %reduce_min3A_68 = vector.multi_reduction <minsi>, %select_n3A_66, %reduce_min3A_67 [1] : vector<128x8192xi32> to vector<128xi32>
    %broadcast_in_dim3A_69 = vector.shape_cast %reduce_min3A_68 : vector<128xi32> to vector<128x1xi32>
    %gt3A_70 = vector.broadcast %iota3A : vector<1x8192xi32> to vector<128x8192xi32>
    %gt3A_71 = vector.broadcast %broadcast_in_dim3A_69 : vector<128x1xi32> to vector<128x8192xi32>
    %gt3A_72 = arith.cmpi sgt, %gt3A_70, %gt3A_71 : vector<128x8192xi32>
    %and3A_73 = arith.andi %not3A_23, %gt3A_72 : vector<128x8192xi1>
    %jit3A_74 = arith.constant 8192 : i32
    %broadcast_in_dim3A_75 = vector.shape_cast %iota3A : vector<1x8192xi32> to vector<1x8192xi32>
    %broadcast_in_dim3A_76 = vector.broadcast %broadcast_in_dim3A_75 : vector<1x8192xi32> to vector<128x8192xi32>
    %broadcast_in_dim3A_77 = vector.broadcast %jit3A_74 : i32 to vector<128x8192xi32>
    %select_n3A_78 = arith.select %and3A_73, %broadcast_in_dim3A_76, %broadcast_in_dim3A_77 : vector<128x8192xi1>, vector<128x8192xi32>
    %reduce_min3A_79 = arith.constant dense<2147483647> : vector<128xi32>
    %reduce_min3A_80 = vector.multi_reduction <minsi>, %select_n3A_78, %reduce_min3A_79 [1] : vector<128x8192xi32> to vector<128xi32>
    %broadcast_in_dim3A_81 = vector.shape_cast %reduce_min3A_80 : vector<128xi32> to vector<128x1xi32>
    %gt3A_82 = vector.broadcast %iota3A : vector<1x8192xi32> to vector<128x8192xi32>
    %gt3A_83 = vector.broadcast %broadcast_in_dim3A_81 : vector<128x1xi32> to vector<128x8192xi32>
    %gt3A_84 = arith.cmpi sgt, %gt3A_82, %gt3A_83 : vector<128x8192xi32>
    %and3A_85 = arith.andi %not3A_23, %gt3A_84 : vector<128x8192xi1>
    %jit3A_86 = arith.constant 8192 : i32
    %broadcast_in_dim3A_87 = vector.shape_cast %iota3A : vector<1x8192xi32> to vector<1x8192xi32>
    %broadcast_in_dim3A_88 = vector.broadcast %broadcast_in_dim3A_87 : vector<1x8192xi32> to vector<128x8192xi32>
    %broadcast_in_dim3A_89 = vector.broadcast %jit3A_86 : i32 to vector<128x8192xi32>
    %select_n3A_90 = arith.select %and3A_85, %broadcast_in_dim3A_88, %broadcast_in_dim3A_89 : vector<128x8192xi1>, vector<128x8192xi32>
    %reduce_min3A_91 = arith.constant dense<2147483647> : vector<128xi32>
    %reduce_min3A_92 = vector.multi_reduction <minsi>, %select_n3A_90, %reduce_min3A_91 [1] : vector<128x8192xi32> to vector<128xi32>
    %broadcast_in_dim3A_93 = vector.shape_cast %reduce_min3A_92 : vector<128xi32> to vector<128x1xi32>
    %gt3A_94 = vector.broadcast %iota3A : vector<1x8192xi32> to vector<128x8192xi32>
    %gt3A_95 = vector.broadcast %broadcast_in_dim3A_93 : vector<128x1xi32> to vector<128x8192xi32>
    %gt3A_96 = arith.cmpi sgt, %gt3A_94, %gt3A_95 : vector<128x8192xi32>
    %and3A_97 = arith.andi %not3A_23, %gt3A_96 : vector<128x8192xi1>
    %jit3A_98 = arith.constant 8192 : i32
    %broadcast_in_dim3A_99 = vector.shape_cast %iota3A : vector<1x8192xi32> to vector<1x8192xi32>
    %broadcast_in_dim3A_100 = vector.broadcast %broadcast_in_dim3A_99 : vector<1x8192xi32> to vector<128x8192xi32>
    %broadcast_in_dim3A_101 = vector.broadcast %jit3A_98 : i32 to vector<128x8192xi32>
    %select_n3A_102 = arith.select %and3A_97, %broadcast_in_dim3A_100, %broadcast_in_dim3A_101 : vector<128x8192xi1>, vector<128x8192xi32>
    %reduce_min3A_103 = arith.constant dense<2147483647> : vector<128xi32>
    %reduce_min3A_104 = vector.multi_reduction <minsi>, %select_n3A_102, %reduce_min3A_103 [1] : vector<128x8192xi32> to vector<128xi32>
    %broadcast_in_dim3A_105 = vector.shape_cast %reduce_min3A_104 : vector<128xi32> to vector<128x1xi32>
    %gt3A_106 = vector.broadcast %iota3A : vector<1x8192xi32> to vector<128x8192xi32>
    %gt3A_107 = vector.broadcast %broadcast_in_dim3A_105 : vector<128x1xi32> to vector<128x8192xi32>
    %gt3A_108 = arith.cmpi sgt, %gt3A_106, %gt3A_107 : vector<128x8192xi32>
    %and3A_109 = arith.andi %not3A_23, %gt3A_108 : vector<128x8192xi1>
    %jit3A_110 = arith.constant 8192 : i32
    %broadcast_in_dim3A_111 = vector.shape_cast %iota3A : vector<1x8192xi32> to vector<1x8192xi32>
    %broadcast_in_dim3A_112 = vector.broadcast %broadcast_in_dim3A_111 : vector<1x8192xi32> to vector<128x8192xi32>
    %broadcast_in_dim3A_113 = vector.broadcast %jit3A_110 : i32 to vector<128x8192xi32>
    %select_n3A_114 = arith.select %and3A_109, %broadcast_in_dim3A_112, %broadcast_in_dim3A_113 : vector<128x8192xi1>, vector<128x8192xi32>
    %reduce_min3A_115 = arith.constant dense<2147483647> : vector<128xi32>
    %reduce_min3A_116 = vector.multi_reduction <minsi>, %select_n3A_114, %reduce_min3A_115 [1] : vector<128x8192xi32> to vector<128xi32>
    %broadcast_in_dim3A_117 = vector.shape_cast %reduce_min3A_116 : vector<128xi32> to vector<128x1xi32>
    %gt3A_118 = vector.broadcast %iota3A : vector<1x8192xi32> to vector<128x8192xi32>
    %gt3A_119 = vector.broadcast %broadcast_in_dim3A_117 : vector<128x1xi32> to vector<128x8192xi32>
    %gt3A_120 = arith.cmpi sgt, %gt3A_118, %gt3A_119 : vector<128x8192xi32>
    %and3A_121 = arith.andi %not3A_23, %gt3A_120 : vector<128x8192xi1>
    %jit3A_122 = arith.constant 8192 : i32
    %broadcast_in_dim3A_123 = vector.shape_cast %iota3A : vector<1x8192xi32> to vector<1x8192xi32>
    %broadcast_in_dim3A_124 = vector.broadcast %broadcast_in_dim3A_123 : vector<1x8192xi32> to vector<128x8192xi32>
    %broadcast_in_dim3A_125 = vector.broadcast %jit3A_122 : i32 to vector<128x8192xi32>
    %select_n3A_126 = arith.select %and3A_121, %broadcast_in_dim3A_124, %broadcast_in_dim3A_125 : vector<128x8192xi1>, vector<128x8192xi32>
    %reduce_min3A_127 = arith.constant dense<2147483647> : vector<128xi32>
    %reduce_min3A_128 = vector.multi_reduction <minsi>, %select_n3A_126, %reduce_min3A_127 [1] : vector<128x8192xi32> to vector<128xi32>
    %broadcast_in_dim3A_129 = vector.shape_cast %reduce_min3A_128 : vector<128xi32> to vector<128x1xi32>
    %gt3A_130 = vector.broadcast %iota3A : vector<1x8192xi32> to vector<128x8192xi32>
    %gt3A_131 = vector.broadcast %broadcast_in_dim3A_129 : vector<128x1xi32> to vector<128x8192xi32>
    %gt3A_132 = arith.cmpi sgt, %gt3A_130, %gt3A_131 : vector<128x8192xi32>
    %and3A_133 = arith.andi %not3A_23, %gt3A_132 : vector<128x8192xi1>
    %jit3A_134 = arith.constant 8192 : i32
    %broadcast_in_dim3A_135 = vector.shape_cast %iota3A : vector<1x8192xi32> to vector<1x8192xi32>
    %broadcast_in_dim3A_136 = vector.broadcast %broadcast_in_dim3A_135 : vector<1x8192xi32> to vector<128x8192xi32>
    %broadcast_in_dim3A_137 = vector.broadcast %jit3A_134 : i32 to vector<128x8192xi32>
    %select_n3A_138 = arith.select %and3A_133, %broadcast_in_dim3A_136, %broadcast_in_dim3A_137 : vector<128x8192xi1>, vector<128x8192xi32>
    %reduce_min3A_139 = arith.constant dense<2147483647> : vector<128xi32>
    %reduce_min3A_140 = vector.multi_reduction <minsi>, %select_n3A_138, %reduce_min3A_139 [1] : vector<128x8192xi32> to vector<128xi32>
    %broadcast_in_dim3A_141 = vector.shape_cast %reduce_min3A_140 : vector<128xi32> to vector<128x1xi32>
    %gt3A_142 = vector.broadcast %iota3A : vector<1x8192xi32> to vector<128x8192xi32>
    %gt3A_143 = vector.broadcast %broadcast_in_dim3A_141 : vector<128x1xi32> to vector<128x8192xi32>
    %gt3A_144 = arith.cmpi sgt, %gt3A_142, %gt3A_143 : vector<128x8192xi32>
    %and3A_145 = arith.andi %not3A_23, %gt3A_144 : vector<128x8192xi1>
    %jit3A_146 = arith.constant 8192 : i32
    %broadcast_in_dim3A_147 = vector.shape_cast %iota3A : vector<1x8192xi32> to vector<1x8192xi32>
    %broadcast_in_dim3A_148 = vector.broadcast %broadcast_in_dim3A_147 : vector<1x8192xi32> to vector<128x8192xi32>
    %broadcast_in_dim3A_149 = vector.broadcast %jit3A_146 : i32 to vector<128x8192xi32>
    %select_n3A_150 = arith.select %and3A_145, %broadcast_in_dim3A_148, %broadcast_in_dim3A_149 : vector<128x8192xi1>, vector<128x8192xi32>
    %reduce_min3A_151 = arith.constant dense<2147483647> : vector<128xi32>
    %reduce_min3A_152 = vector.multi_reduction <minsi>, %select_n3A_150, %reduce_min3A_151 [1] : vector<128x8192xi32> to vector<128xi32>
    %broadcast_in_dim3A_153 = vector.shape_cast %reduce_min3A_152 : vector<128xi32> to vector<128x1xi32>
    %gt3A_154 = vector.broadcast %iota3A : vector<1x8192xi32> to vector<128x8192xi32>
    %gt3A_155 = vector.broadcast %broadcast_in_dim3A_153 : vector<128x1xi32> to vector<128x8192xi32>
    %gt3A_156 = arith.cmpi sgt, %gt3A_154, %gt3A_155 : vector<128x8192xi32>
    %and3A_157 = arith.andi %not3A_23, %gt3A_156 : vector<128x8192xi1>
    %jit3A_158 = arith.constant 8192 : i32
    %broadcast_in_dim3A_159 = vector.shape_cast %iota3A : vector<1x8192xi32> to vector<1x8192xi32>
    %broadcast_in_dim3A_160 = vector.broadcast %broadcast_in_dim3A_159 : vector<1x8192xi32> to vector<128x8192xi32>
    %broadcast_in_dim3A_161 = vector.broadcast %jit3A_158 : i32 to vector<128x8192xi32>
    %select_n3A_162 = arith.select %and3A_157, %broadcast_in_dim3A_160, %broadcast_in_dim3A_161 : vector<128x8192xi1>, vector<128x8192xi32>
    %reduce_min3A_163 = arith.constant dense<2147483647> : vector<128xi32>
    %reduce_min3A_164 = vector.multi_reduction <minsi>, %select_n3A_162, %reduce_min3A_163 [1] : vector<128x8192xi32> to vector<128xi32>
    %broadcast_in_dim3A_165 = vector.shape_cast %reduce_min3A_164 : vector<128xi32> to vector<128x1xi32>
    %gt3A_166 = vector.broadcast %iota3A : vector<1x8192xi32> to vector<128x8192xi32>
    %gt3A_167 = vector.broadcast %broadcast_in_dim3A_165 : vector<128x1xi32> to vector<128x8192xi32>
    %gt3A_168 = arith.cmpi sgt, %gt3A_166, %gt3A_167 : vector<128x8192xi32>
    %and3A_169 = arith.andi %not3A_23, %gt3A_168 : vector<128x8192xi1>
    %jit3A_170 = arith.constant 8192 : i32
    %broadcast_in_dim3A_171 = vector.shape_cast %iota3A : vector<1x8192xi32> to vector<1x8192xi32>
    %broadcast_in_dim3A_172 = vector.broadcast %broadcast_in_dim3A_171 : vector<1x8192xi32> to vector<128x8192xi32>
    %broadcast_in_dim3A_173 = vector.broadcast %jit3A_170 : i32 to vector<128x8192xi32>
    %select_n3A_174 = arith.select %and3A_169, %broadcast_in_dim3A_172, %broadcast_in_dim3A_173 : vector<128x8192xi1>, vector<128x8192xi32>
    %reduce_min3A_175 = arith.constant dense<2147483647> : vector<128xi32>
    %reduce_min3A_176 = vector.multi_reduction <minsi>, %select_n3A_174, %reduce_min3A_175 [1] : vector<128x8192xi32> to vector<128xi32>
    %broadcast_in_dim3A_177 = vector.shape_cast %reduce_min3A_176 : vector<128xi32> to vector<128x1xi32>
    %gt3A_178 = vector.broadcast %iota3A : vector<1x8192xi32> to vector<128x8192xi32>
    %gt3A_179 = vector.broadcast %broadcast_in_dim3A_177 : vector<128x1xi32> to vector<128x8192xi32>
    %gt3A_180 = arith.cmpi sgt, %gt3A_178, %gt3A_179 : vector<128x8192xi32>
    %and3A_181 = arith.andi %not3A_23, %gt3A_180 : vector<128x8192xi1>
    %jit3A_182 = arith.constant 8192 : i32
    %broadcast_in_dim3A_183 = vector.shape_cast %iota3A : vector<1x8192xi32> to vector<1x8192xi32>
    %broadcast_in_dim3A_184 = vector.broadcast %broadcast_in_dim3A_183 : vector<1x8192xi32> to vector<128x8192xi32>
    %broadcast_in_dim3A_185 = vector.broadcast %jit3A_182 : i32 to vector<128x8192xi32>
    %select_n3A_186 = arith.select %and3A_181, %broadcast_in_dim3A_184, %broadcast_in_dim3A_185 : vector<128x8192xi1>, vector<128x8192xi32>
    %reduce_min3A_187 = arith.constant dense<2147483647> : vector<128xi32>
    %reduce_min3A_188 = vector.multi_reduction <minsi>, %select_n3A_186, %reduce_min3A_187 [1] : vector<128x8192xi32> to vector<128xi32>
    %broadcast_in_dim3A_189 = vector.shape_cast %reduce_min3A_188 : vector<128xi32> to vector<128x1xi32>
    %gt3A_190 = vector.broadcast %iota3A : vector<1x8192xi32> to vector<128x8192xi32>
    %gt3A_191 = vector.broadcast %broadcast_in_dim3A_189 : vector<128x1xi32> to vector<128x8192xi32>
    %gt3A_192 = arith.cmpi sgt, %gt3A_190, %gt3A_191 : vector<128x8192xi32>
    %and3A_193 = arith.andi %not3A_23, %gt3A_192 : vector<128x8192xi1>
    %jit3A_194 = arith.constant 8192 : i32
    %broadcast_in_dim3A_195 = vector.shape_cast %iota3A : vector<1x8192xi32> to vector<1x8192xi32>
    %broadcast_in_dim3A_196 = vector.broadcast %broadcast_in_dim3A_195 : vector<1x8192xi32> to vector<128x8192xi32>
    %broadcast_in_dim3A_197 = vector.broadcast %jit3A_194 : i32 to vector<128x8192xi32>
    %select_n3A_198 = arith.select %and3A_193, %broadcast_in_dim3A_196, %broadcast_in_dim3A_197 : vector<128x8192xi1>, vector<128x8192xi32>
    %reduce_min3A_199 = arith.constant dense<2147483647> : vector<128xi32>
    %reduce_min3A_200 = vector.multi_reduction <minsi>, %select_n3A_198, %reduce_min3A_199 [1] : vector<128x8192xi32> to vector<128xi32>
    %broadcast_in_dim3A_201 = vector.shape_cast %reduce_min3A_200 : vector<128xi32> to vector<128x1xi32>
    %gt3A_202 = vector.broadcast %iota3A : vector<1x8192xi32> to vector<128x8192xi32>
    %gt3A_203 = vector.broadcast %broadcast_in_dim3A_201 : vector<128x1xi32> to vector<128x8192xi32>
    %gt3A_204 = arith.cmpi sgt, %gt3A_202, %gt3A_203 : vector<128x8192xi32>
    %and3A_205 = arith.andi %not3A_23, %gt3A_204 : vector<128x8192xi1>
    %jit3A_206 = arith.constant 8192 : i32
    %broadcast_in_dim3A_207 = vector.shape_cast %iota3A : vector<1x8192xi32> to vector<1x8192xi32>
    %broadcast_in_dim3A_208 = vector.broadcast %broadcast_in_dim3A_207 : vector<1x8192xi32> to vector<128x8192xi32>
    %broadcast_in_dim3A_209 = vector.broadcast %jit3A_206 : i32 to vector<128x8192xi32>
    %select_n3A_210 = arith.select %and3A_205, %broadcast_in_dim3A_208, %broadcast_in_dim3A_209 : vector<128x8192xi1>, vector<128x8192xi32>
    %reduce_min3A_211 = arith.constant dense<2147483647> : vector<128xi32>
    %reduce_min3A_212 = vector.multi_reduction <minsi>, %select_n3A_210, %reduce_min3A_211 [1] : vector<128x8192xi32> to vector<128xi32>
    %broadcast_in_dim3A_213 = vector.shape_cast %reduce_min3A_212 : vector<128xi32> to vector<128x1xi32>
    %gt3A_214 = vector.broadcast %iota3A : vector<1x8192xi32> to vector<128x8192xi32>
    %gt3A_215 = vector.broadcast %broadcast_in_dim3A_213 : vector<128x1xi32> to vector<128x8192xi32>
    %gt3A_216 = arith.cmpi sgt, %gt3A_214, %gt3A_215 : vector<128x8192xi32>
    %and3A_217 = arith.andi %not3A_23, %gt3A_216 : vector<128x8192xi1>
    %jit3A_218 = arith.constant 8192 : i32
    %broadcast_in_dim3A_219 = vector.shape_cast %iota3A : vector<1x8192xi32> to vector<1x8192xi32>
    %broadcast_in_dim3A_220 = vector.broadcast %broadcast_in_dim3A_219 : vector<1x8192xi32> to vector<128x8192xi32>
    %broadcast_in_dim3A_221 = vector.broadcast %jit3A_218 : i32 to vector<128x8192xi32>
    %select_n3A_222 = arith.select %and3A_217, %broadcast_in_dim3A_220, %broadcast_in_dim3A_221 : vector<128x8192xi1>, vector<128x8192xi32>
    %reduce_min3A_223 = arith.constant dense<2147483647> : vector<128xi32>
    %reduce_min3A_224 = vector.multi_reduction <minsi>, %select_n3A_222, %reduce_min3A_223 [1] : vector<128x8192xi32> to vector<128xi32>
    %broadcast_in_dim3A_225 = vector.shape_cast %reduce_min3A_224 : vector<128xi32> to vector<128x1xi32>
    %gt3A_226 = vector.broadcast %iota3A : vector<1x8192xi32> to vector<128x8192xi32>
    %gt3A_227 = vector.broadcast %broadcast_in_dim3A_225 : vector<128x1xi32> to vector<128x8192xi32>
    %gt3A_228 = arith.cmpi sgt, %gt3A_226, %gt3A_227 : vector<128x8192xi32>
    %and3A_229 = arith.andi %not3A_23, %gt3A_228 : vector<128x8192xi1>
    %jit3A_230 = arith.constant 8192 : i32
    %broadcast_in_dim3A_231 = vector.shape_cast %iota3A : vector<1x8192xi32> to vector<1x8192xi32>
    %broadcast_in_dim3A_232 = vector.broadcast %broadcast_in_dim3A_231 : vector<1x8192xi32> to vector<128x8192xi32>
    %broadcast_in_dim3A_233 = vector.broadcast %jit3A_230 : i32 to vector<128x8192xi32>
    %select_n3A_234 = arith.select %and3A_229, %broadcast_in_dim3A_232, %broadcast_in_dim3A_233 : vector<128x8192xi1>, vector<128x8192xi32>
    %reduce_min3A_235 = arith.constant dense<2147483647> : vector<128xi32>
    %reduce_min3A_236 = vector.multi_reduction <minsi>, %select_n3A_234, %reduce_min3A_235 [1] : vector<128x8192xi32> to vector<128xi32>
    %broadcast_in_dim3A_237 = vector.shape_cast %reduce_min3A_236 : vector<128xi32> to vector<128x1xi32>
    %gt3A_238 = vector.broadcast %iota3A : vector<1x8192xi32> to vector<128x8192xi32>
    %gt3A_239 = vector.broadcast %broadcast_in_dim3A_237 : vector<128x1xi32> to vector<128x8192xi32>
    %gt3A_240 = arith.cmpi sgt, %gt3A_238, %gt3A_239 : vector<128x8192xi32>
    %and3A_241 = arith.andi %not3A_23, %gt3A_240 : vector<128x8192xi1>
    %jit3A_242 = arith.constant 8192 : i32
    %broadcast_in_dim3A_243 = vector.shape_cast %iota3A : vector<1x8192xi32> to vector<1x8192xi32>
    %broadcast_in_dim3A_244 = vector.broadcast %broadcast_in_dim3A_243 : vector<1x8192xi32> to vector<128x8192xi32>
    %broadcast_in_dim3A_245 = vector.broadcast %jit3A_242 : i32 to vector<128x8192xi32>
    %select_n3A_246 = arith.select %and3A_241, %broadcast_in_dim3A_244, %broadcast_in_dim3A_245 : vector<128x8192xi1>, vector<128x8192xi32>
    %reduce_min3A_247 = arith.constant dense<2147483647> : vector<128xi32>
    %reduce_min3A_248 = vector.multi_reduction <minsi>, %select_n3A_246, %reduce_min3A_247 [1] : vector<128x8192xi32> to vector<128xi32>
    %broadcast_in_dim3A_249 = vector.shape_cast %reduce_min3A_248 : vector<128xi32> to vector<128x1xi32>
    %gt3A_250 = vector.broadcast %iota3A : vector<1x8192xi32> to vector<128x8192xi32>
    %gt3A_251 = vector.broadcast %broadcast_in_dim3A_249 : vector<128x1xi32> to vector<128x8192xi32>
    %gt3A_252 = arith.cmpi sgt, %gt3A_250, %gt3A_251 : vector<128x8192xi32>
    %and3A_253 = arith.andi %not3A_23, %gt3A_252 : vector<128x8192xi1>
    %jit3A_254 = arith.constant 8192 : i32
    %broadcast_in_dim3A_255 = vector.shape_cast %iota3A : vector<1x8192xi32> to vector<1x8192xi32>
    %broadcast_in_dim3A_256 = vector.broadcast %broadcast_in_dim3A_255 : vector<1x8192xi32> to vector<128x8192xi32>
    %broadcast_in_dim3A_257 = vector.broadcast %jit3A_254 : i32 to vector<128x8192xi32>
    %select_n3A_258 = arith.select %and3A_253, %broadcast_in_dim3A_256, %broadcast_in_dim3A_257 : vector<128x8192xi1>, vector<128x8192xi32>
    %reduce_min3A_259 = arith.constant dense<2147483647> : vector<128xi32>
    %reduce_min3A_260 = vector.multi_reduction <minsi>, %select_n3A_258, %reduce_min3A_259 [1] : vector<128x8192xi32> to vector<128xi32>
    %broadcast_in_dim3A_261 = vector.shape_cast %reduce_min3A_260 : vector<128xi32> to vector<128x1xi32>
    %gt3A_262 = vector.broadcast %iota3A : vector<1x8192xi32> to vector<128x8192xi32>
    %gt3A_263 = vector.broadcast %broadcast_in_dim3A_261 : vector<128x1xi32> to vector<128x8192xi32>
    %gt3A_264 = arith.cmpi sgt, %gt3A_262, %gt3A_263 : vector<128x8192xi32>
    %and3A_265 = arith.andi %not3A_23, %gt3A_264 : vector<128x8192xi1>
    %jit3A_266 = arith.constant 8192 : i32
    %broadcast_in_dim3A_267 = vector.shape_cast %iota3A : vector<1x8192xi32> to vector<1x8192xi32>
    %broadcast_in_dim3A_268 = vector.broadcast %broadcast_in_dim3A_267 : vector<1x8192xi32> to vector<128x8192xi32>
    %broadcast_in_dim3A_269 = vector.broadcast %jit3A_266 : i32 to vector<128x8192xi32>
    %select_n3A_270 = arith.select %and3A_265, %broadcast_in_dim3A_268, %broadcast_in_dim3A_269 : vector<128x8192xi1>, vector<128x8192xi32>
    %reduce_min3A_271 = arith.constant dense<2147483647> : vector<128xi32>
    %reduce_min3A_272 = vector.multi_reduction <minsi>, %select_n3A_270, %reduce_min3A_271 [1] : vector<128x8192xi32> to vector<128xi32>
    %broadcast_in_dim3A_273 = vector.shape_cast %reduce_min3A_272 : vector<128xi32> to vector<128x1xi32>
    %gt3A_274 = vector.broadcast %iota3A : vector<1x8192xi32> to vector<128x8192xi32>
    %gt3A_275 = vector.broadcast %broadcast_in_dim3A_273 : vector<128x1xi32> to vector<128x8192xi32>
    %gt3A_276 = arith.cmpi sgt, %gt3A_274, %gt3A_275 : vector<128x8192xi32>
    %and3A_277 = arith.andi %not3A_23, %gt3A_276 : vector<128x8192xi1>
    %jit3A_278 = arith.constant 8192 : i32
    %broadcast_in_dim3A_279 = vector.shape_cast %iota3A : vector<1x8192xi32> to vector<1x8192xi32>
    %broadcast_in_dim3A_280 = vector.broadcast %broadcast_in_dim3A_279 : vector<1x8192xi32> to vector<128x8192xi32>
    %broadcast_in_dim3A_281 = vector.broadcast %jit3A_278 : i32 to vector<128x8192xi32>
    %select_n3A_282 = arith.select %and3A_277, %broadcast_in_dim3A_280, %broadcast_in_dim3A_281 : vector<128x8192xi1>, vector<128x8192xi32>
    %reduce_min3A_283 = arith.constant dense<2147483647> : vector<128xi32>
    %reduce_min3A_284 = vector.multi_reduction <minsi>, %select_n3A_282, %reduce_min3A_283 [1] : vector<128x8192xi32> to vector<128xi32>
    %broadcast_in_dim3A_285 = vector.shape_cast %reduce_min3A_284 : vector<128xi32> to vector<128x1xi32>
    %gt3A_286 = vector.broadcast %iota3A : vector<1x8192xi32> to vector<128x8192xi32>
    %gt3A_287 = vector.broadcast %broadcast_in_dim3A_285 : vector<128x1xi32> to vector<128x8192xi32>
    %gt3A_288 = arith.cmpi sgt, %gt3A_286, %gt3A_287 : vector<128x8192xi32>
    %and3A_289 = arith.andi %not3A_23, %gt3A_288 : vector<128x8192xi1>
    %jit3A_290 = arith.constant 8192 : i32
    %broadcast_in_dim3A_291 = vector.shape_cast %iota3A : vector<1x8192xi32> to vector<1x8192xi32>
    %broadcast_in_dim3A_292 = vector.broadcast %broadcast_in_dim3A_291 : vector<1x8192xi32> to vector<128x8192xi32>
    %broadcast_in_dim3A_293 = vector.broadcast %jit3A_290 : i32 to vector<128x8192xi32>
    %select_n3A_294 = arith.select %and3A_289, %broadcast_in_dim3A_292, %broadcast_in_dim3A_293 : vector<128x8192xi1>, vector<128x8192xi32>
    %reduce_min3A_295 = arith.constant dense<2147483647> : vector<128xi32>
    %reduce_min3A_296 = vector.multi_reduction <minsi>, %select_n3A_294, %reduce_min3A_295 [1] : vector<128x8192xi32> to vector<128xi32>
    %broadcast_in_dim3A_297 = vector.shape_cast %reduce_min3A_296 : vector<128xi32> to vector<128x1xi32>
    %gt3A_298 = vector.broadcast %iota3A : vector<1x8192xi32> to vector<128x8192xi32>
    %gt3A_299 = vector.broadcast %broadcast_in_dim3A_297 : vector<128x1xi32> to vector<128x8192xi32>
    %gt3A_300 = arith.cmpi sgt, %gt3A_298, %gt3A_299 : vector<128x8192xi32>
    %and3A_301 = arith.andi %not3A_23, %gt3A_300 : vector<128x8192xi1>
    %jit3A_302 = arith.constant 8192 : i32
    %broadcast_in_dim3A_303 = vector.shape_cast %iota3A : vector<1x8192xi32> to vector<1x8192xi32>
    %broadcast_in_dim3A_304 = vector.broadcast %broadcast_in_dim3A_303 : vector<1x8192xi32> to vector<128x8192xi32>
    %broadcast_in_dim3A_305 = vector.broadcast %jit3A_302 : i32 to vector<128x8192xi32>
    %select_n3A_306 = arith.select %and3A_301, %broadcast_in_dim3A_304, %broadcast_in_dim3A_305 : vector<128x8192xi1>, vector<128x8192xi32>
    %reduce_min3A_307 = arith.constant dense<2147483647> : vector<128xi32>
    %reduce_min3A_308 = vector.multi_reduction <minsi>, %select_n3A_306, %reduce_min3A_307 [1] : vector<128x8192xi32> to vector<128xi32>
    %broadcast_in_dim3A_309 = vector.shape_cast %reduce_min3A_308 : vector<128xi32> to vector<128x1xi32>
    %gt3A_310 = vector.broadcast %iota3A : vector<1x8192xi32> to vector<128x8192xi32>
    %gt3A_311 = vector.broadcast %broadcast_in_dim3A_309 : vector<128x1xi32> to vector<128x8192xi32>
    %gt3A_312 = arith.cmpi sgt, %gt3A_310, %gt3A_311 : vector<128x8192xi32>
    %and3A_313 = arith.andi %not3A_23, %gt3A_312 : vector<128x8192xi1>
    %jit3A_314 = arith.constant 8192 : i32
    %broadcast_in_dim3A_315 = vector.shape_cast %iota3A : vector<1x8192xi32> to vector<1x8192xi32>
    %broadcast_in_dim3A_316 = vector.broadcast %broadcast_in_dim3A_315 : vector<1x8192xi32> to vector<128x8192xi32>
    %broadcast_in_dim3A_317 = vector.broadcast %jit3A_314 : i32 to vector<128x8192xi32>
    %select_n3A_318 = arith.select %and3A_313, %broadcast_in_dim3A_316, %broadcast_in_dim3A_317 : vector<128x8192xi1>, vector<128x8192xi32>
    %reduce_min3A_319 = arith.constant dense<2147483647> : vector<128xi32>
    %reduce_min3A_320 = vector.multi_reduction <minsi>, %select_n3A_318, %reduce_min3A_319 [1] : vector<128x8192xi32> to vector<128xi32>
    %broadcast_in_dim3A_321 = vector.shape_cast %reduce_min3A_320 : vector<128xi32> to vector<128x1xi32>
    %gt3A_322 = vector.broadcast %iota3A : vector<1x8192xi32> to vector<128x8192xi32>
    %gt3A_323 = vector.broadcast %broadcast_in_dim3A_321 : vector<128x1xi32> to vector<128x8192xi32>
    %gt3A_324 = arith.cmpi sgt, %gt3A_322, %gt3A_323 : vector<128x8192xi32>
    %and3A_325 = arith.andi %not3A_23, %gt3A_324 : vector<128x8192xi1>
    %jit3A_326 = arith.constant 8192 : i32
    %broadcast_in_dim3A_327 = vector.shape_cast %iota3A : vector<1x8192xi32> to vector<1x8192xi32>
    %broadcast_in_dim3A_328 = vector.broadcast %broadcast_in_dim3A_327 : vector<1x8192xi32> to vector<128x8192xi32>
    %broadcast_in_dim3A_329 = vector.broadcast %jit3A_326 : i32 to vector<128x8192xi32>
    %select_n3A_330 = arith.select %and3A_325, %broadcast_in_dim3A_328, %broadcast_in_dim3A_329 : vector<128x8192xi1>, vector<128x8192xi32>
    %reduce_min3A_331 = arith.constant dense<2147483647> : vector<128xi32>
    %reduce_min3A_332 = vector.multi_reduction <minsi>, %select_n3A_330, %reduce_min3A_331 [1] : vector<128x8192xi32> to vector<128xi32>
    %broadcast_in_dim3A_333 = vector.shape_cast %reduce_min3A_332 : vector<128xi32> to vector<128x1xi32>
    %gt3A_334 = vector.broadcast %iota3A : vector<1x8192xi32> to vector<128x8192xi32>
    %gt3A_335 = vector.broadcast %broadcast_in_dim3A_333 : vector<128x1xi32> to vector<128x8192xi32>
    %gt3A_336 = arith.cmpi sgt, %gt3A_334, %gt3A_335 : vector<128x8192xi32>
    %and3A_337 = arith.andi %not3A_23, %gt3A_336 : vector<128x8192xi1>
    %jit3A_338 = arith.constant 8192 : i32
    %broadcast_in_dim3A_339 = vector.shape_cast %iota3A : vector<1x8192xi32> to vector<1x8192xi32>
    %broadcast_in_dim3A_340 = vector.broadcast %broadcast_in_dim3A_339 : vector<1x8192xi32> to vector<128x8192xi32>
    %broadcast_in_dim3A_341 = vector.broadcast %jit3A_338 : i32 to vector<128x8192xi32>
    %select_n3A_342 = arith.select %and3A_337, %broadcast_in_dim3A_340, %broadcast_in_dim3A_341 : vector<128x8192xi1>, vector<128x8192xi32>
    %reduce_min3A_343 = arith.constant dense<2147483647> : vector<128xi32>
    %reduce_min3A_344 = vector.multi_reduction <minsi>, %select_n3A_342, %reduce_min3A_343 [1] : vector<128x8192xi32> to vector<128xi32>
    %broadcast_in_dim3A_345 = vector.shape_cast %reduce_min3A_344 : vector<128xi32> to vector<128x1xi32>
    %gt3A_346 = vector.broadcast %iota3A : vector<1x8192xi32> to vector<128x8192xi32>
    %gt3A_347 = vector.broadcast %broadcast_in_dim3A_345 : vector<128x1xi32> to vector<128x8192xi32>
    %gt3A_348 = arith.cmpi sgt, %gt3A_346, %gt3A_347 : vector<128x8192xi32>
    %and3A_349 = arith.andi %not3A_23, %gt3A_348 : vector<128x8192xi1>
    %jit3A_350 = arith.constant 8192 : i32
    %broadcast_in_dim3A_351 = vector.shape_cast %iota3A : vector<1x8192xi32> to vector<1x8192xi32>
    %broadcast_in_dim3A_352 = vector.broadcast %broadcast_in_dim3A_351 : vector<1x8192xi32> to vector<128x8192xi32>
    %broadcast_in_dim3A_353 = vector.broadcast %jit3A_350 : i32 to vector<128x8192xi32>
    %select_n3A_354 = arith.select %and3A_349, %broadcast_in_dim3A_352, %broadcast_in_dim3A_353 : vector<128x8192xi1>, vector<128x8192xi32>
    %reduce_min3A_355 = arith.constant dense<2147483647> : vector<128xi32>
    %reduce_min3A_356 = vector.multi_reduction <minsi>, %select_n3A_354, %reduce_min3A_355 [1] : vector<128x8192xi32> to vector<128xi32>
    %broadcast_in_dim3A_357 = vector.shape_cast %reduce_min3A_356 : vector<128xi32> to vector<128x1xi32>
    %gt3A_358 = vector.broadcast %iota3A : vector<1x8192xi32> to vector<128x8192xi32>
    %gt3A_359 = vector.broadcast %broadcast_in_dim3A_357 : vector<128x1xi32> to vector<128x8192xi32>
    %gt3A_360 = arith.cmpi sgt, %gt3A_358, %gt3A_359 : vector<128x8192xi32>
    %and3A_361 = arith.andi %not3A_23, %gt3A_360 : vector<128x8192xi1>
    %jit3A_362 = arith.constant 8192 : i32
    %broadcast_in_dim3A_363 = vector.shape_cast %iota3A : vector<1x8192xi32> to vector<1x8192xi32>
    %broadcast_in_dim3A_364 = vector.broadcast %broadcast_in_dim3A_363 : vector<1x8192xi32> to vector<128x8192xi32>
    %broadcast_in_dim3A_365 = vector.broadcast %jit3A_362 : i32 to vector<128x8192xi32>
    %select_n3A_366 = arith.select %and3A_361, %broadcast_in_dim3A_364, %broadcast_in_dim3A_365 : vector<128x8192xi1>, vector<128x8192xi32>
    %reduce_min3A_367 = arith.constant dense<2147483647> : vector<128xi32>
    %reduce_min3A_368 = vector.multi_reduction <minsi>, %select_n3A_366, %reduce_min3A_367 [1] : vector<128x8192xi32> to vector<128xi32>
    %broadcast_in_dim3A_369 = vector.shape_cast %reduce_min3A_368 : vector<128xi32> to vector<128x1xi32>
    %gt3A_370 = vector.broadcast %iota3A : vector<1x8192xi32> to vector<128x8192xi32>
    %gt3A_371 = vector.broadcast %broadcast_in_dim3A_369 : vector<128x1xi32> to vector<128x8192xi32>
    %gt3A_372 = arith.cmpi sgt, %gt3A_370, %gt3A_371 : vector<128x8192xi32>
    %and3A_373 = arith.andi %not3A_23, %gt3A_372 : vector<128x8192xi1>
    %jit3A_374 = arith.constant 8192 : i32
    %broadcast_in_dim3A_375 = vector.shape_cast %iota3A : vector<1x8192xi32> to vector<1x8192xi32>
    %broadcast_in_dim3A_376 = vector.broadcast %broadcast_in_dim3A_375 : vector<1x8192xi32> to vector<128x8192xi32>
    %broadcast_in_dim3A_377 = vector.broadcast %jit3A_374 : i32 to vector<128x8192xi32>
    %select_n3A_378 = arith.select %and3A_373, %broadcast_in_dim3A_376, %broadcast_in_dim3A_377 : vector<128x8192xi1>, vector<128x8192xi32>
    %reduce_min3A_379 = arith.constant dense<2147483647> : vector<128xi32>
    %reduce_min3A_380 = vector.multi_reduction <minsi>, %select_n3A_378, %reduce_min3A_379 [1] : vector<128x8192xi32> to vector<128xi32>
    %broadcast_in_dim3A_381 = vector.shape_cast %reduce_min3A_380 : vector<128xi32> to vector<128x1xi32>
    %gt3A_382 = vector.broadcast %iota3A : vector<1x8192xi32> to vector<128x8192xi32>
    %gt3A_383 = vector.broadcast %broadcast_in_dim3A_381 : vector<128x1xi32> to vector<128x8192xi32>
    %gt3A_384 = arith.cmpi sgt, %gt3A_382, %gt3A_383 : vector<128x8192xi32>
    %and3A_385 = arith.andi %not3A_23, %gt3A_384 : vector<128x8192xi1>
    %jit3A_386 = arith.constant 8192 : i32
    %broadcast_in_dim3A_387 = vector.shape_cast %iota3A : vector<1x8192xi32> to vector<1x8192xi32>
    %broadcast_in_dim3A_388 = vector.broadcast %broadcast_in_dim3A_387 : vector<1x8192xi32> to vector<128x8192xi32>
    %broadcast_in_dim3A_389 = vector.broadcast %jit3A_386 : i32 to vector<128x8192xi32>
    %select_n3A_390 = arith.select %and3A_385, %broadcast_in_dim3A_388, %broadcast_in_dim3A_389 : vector<128x8192xi1>, vector<128x8192xi32>
    %reduce_min3A_391 = arith.constant dense<2147483647> : vector<128xi32>
    %reduce_min3A_392 = vector.multi_reduction <minsi>, %select_n3A_390, %reduce_min3A_391 [1] : vector<128x8192xi32> to vector<128xi32>
    %broadcast_in_dim3A_393 = vector.shape_cast %reduce_min3A_392 : vector<128xi32> to vector<128x1xi32>
    %gt3A_394 = vector.broadcast %iota3A : vector<1x8192xi32> to vector<128x8192xi32>
    %gt3A_395 = vector.broadcast %broadcast_in_dim3A_393 : vector<128x1xi32> to vector<128x8192xi32>
    %gt3A_396 = arith.cmpi sgt, %gt3A_394, %gt3A_395 : vector<128x8192xi32>
    %and3A_397 = arith.andi %not3A_23, %gt3A_396 : vector<128x8192xi1>
    %jit3A_398 = arith.constant 8192 : i32
    %broadcast_in_dim3A_399 = vector.shape_cast %iota3A : vector<1x8192xi32> to vector<1x8192xi32>
    %broadcast_in_dim3A_400 = vector.broadcast %broadcast_in_dim3A_399 : vector<1x8192xi32> to vector<128x8192xi32>
    %broadcast_in_dim3A_401 = vector.broadcast %jit3A_398 : i32 to vector<128x8192xi32>
    %select_n3A_402 = arith.select %and3A_397, %broadcast_in_dim3A_400, %broadcast_in_dim3A_401 : vector<128x8192xi1>, vector<128x8192xi32>
    %reduce_min3A_403 = arith.constant dense<2147483647> : vector<128xi32>
    %reduce_min3A_404 = vector.multi_reduction <minsi>, %select_n3A_402, %reduce_min3A_403 [1] : vector<128x8192xi32> to vector<128xi32>
    %broadcast_in_dim3A_405 = vector.shape_cast %reduce_min3A_404 : vector<128xi32> to vector<128x1xi32>
    %concatenate3A = tpu.concatenate %broadcast_in_dim3A_33, %broadcast_in_dim3A_45, %broadcast_in_dim3A_57, %broadcast_in_dim3A_69, %broadcast_in_dim3A_81, %broadcast_in_dim3A_93, %broadcast_in_dim3A_105, %broadcast_in_dim3A_117, %broadcast_in_dim3A_129, %broadcast_in_dim3A_141, %broadcast_in_dim3A_153, %broadcast_in_dim3A_165, %broadcast_in_dim3A_177, %broadcast_in_dim3A_189, %broadcast_in_dim3A_201, %broadcast_in_dim3A_213, %broadcast_in_dim3A_225, %broadcast_in_dim3A_237, %broadcast_in_dim3A_249, %broadcast_in_dim3A_261, %broadcast_in_dim3A_273, %broadcast_in_dim3A_285, %broadcast_in_dim3A_297, %broadcast_in_dim3A_309, %broadcast_in_dim3A_321, %broadcast_in_dim3A_333, %broadcast_in_dim3A_345, %broadcast_in_dim3A_357, %broadcast_in_dim3A_369, %broadcast_in_dim3A_381, %broadcast_in_dim3A_393, %broadcast_in_dim3A_405 in 1 : vector<128x1xi32>, vector<128x1xi32>, vector<128x1xi32>, vector<128x1xi32>, vector<128x1xi32>, vector<128x1xi32>, vector<128x1xi32>, vector<128x1xi32>, vector<128x1xi32>, vector<128x1xi32>, vector<128x1xi32>, vector<128x1xi32>, vector<128x1xi32>, vector<128x1xi32>, vector<128x1xi32>, vector<128x1xi32>, vector<128x1xi32>, vector<128x1xi32>, vector<128x1xi32>, vector<128x1xi32>, vector<128x1xi32>, vector<128x1xi32>, vector<128x1xi32>, vector<128x1xi32>, vector<128x1xi32>, vector<128x1xi32>, vector<128x1xi32>, vector<128x1xi32>, vector<128x1xi32>, vector<128x1xi32>, vector<128x1xi32>, vector<128x1xi32> -> vector<128x32xi32>
    %slice3A = vector.extract_strided_slice %concatenate3A {offsets = [0, 0], sizes = [128, 1], strides = [1, 1]} : vector<128x32xi32> to vector<128x1xi32>
    %eq3A = arith.constant 8192 : i32
    %eq3A_406 = vector.broadcast %eq3A : i32 to vector<128x32xi32>
    %eq3A_407 = arith.cmpi eq, %concatenate3A, %eq3A_406 : vector<128x32xi32>
    %broadcast_in_dim3A_408 = vector.shape_cast %slice3A : vector<128x1xi32> to vector<128x1xi32>
    %broadcast_in_dim3A_409 = vector.broadcast %broadcast_in_dim3A_408 : vector<128x1xi32> to vector<128x32xi32>
    %select_n3A_410 = arith.select %eq3A_407, %broadcast_in_dim3A_409, %concatenate3A : vector<128x32xi1>, vector<128x32xi32>
    %swap3A = arith.constant 0 : index
    %swap3A_411 = arith.constant 0 : index
    %swap3A_412 = arith.constant 0 : index
    %swap3A_413 = vector.load %arg4[%swap3A, %swap3A_411, %swap3A_412] : memref<1x128x32xi32, #tpu.memory_space<vmem>>, vector<1x128x32xi32>
    %swap3A_414 = vector.shape_cast %swap3A_413 : vector<1x128x32xi32> to vector<128x32xi32>
    %swap3A_415 = vector.shape_cast %select_n3A_410 : vector<128x32xi32> to vector<1x128x32xi32>
    tpu.vector_store %arg4[%swap3A, %swap3A_411, %swap3A_412], %swap3A_415 {strides = array<i32>} : memref<1x128x32xi32, #tpu.memory_space<vmem>>, vector<1x128x32xi32>,
    return
  }
  func.func @transform_0(%arg0: i32, %arg1: i32) -> (i32, i32, i32) {
    %c0_i32 = arith.constant 0 : i32
    %c0_i32_0 = arith.constant 0 : i32
    return %arg0, %arg1, %c0_i32 : i32, i32, i32
  }
  func.func @transform_1(%arg0: i32, %arg1: i32) -> (i32, i32, i32) {
    %c0_i32 = arith.constant 0 : i32
    %c0_i32_0 = arith.constant 0 : i32
    %c0_i32_1 = arith.constant 0 : i32
    return %arg0, %c0_i32, %c0_i32_0 : i32, i32, i32
  }
  func.func @transform_2(%arg0: i32, %arg1: i32) -> (i32, i32, i32) {
    %c0_i32 = arith.constant 0 : i32
    %c0_i32_0 = arith.constant 0 : i32
    return %arg0, %arg1, %c0_i32 : i32, i32, i32
  }
}

module attributes {stable_mosaic.version = 14 : i64} {
  func.func @_fps_kernel(%arg0: i32, %arg1: memref<1x3x1024xf32, #tpu.memory_space<vmem>>, %arg2: memref<1x1x256xi32, #tpu.memory_space<vmem>>) attributes {dimension_semantics = [#tpu.dimension_semantics<arbitrary>], iteration_bounds = array<i64: 2>, scalar_prefetch = 0 : i64, scratch_operands = 0 : i64, tpu.core_type = #tpu.core_type<tc>, window_params = [{transform_indices = @transform_0, window_bounds = array<i64: 1, 3, 1024>}, {transform_indices = @transform_1, window_bounds = array<i64: 1, 1, 256>}]} {
    %get3A = arith.constant 0 : index
    %get3A_0 = arith.constant 0 : index
    %get3A_1 = arith.constant 0 : index
    %get3A_2 = vector.load %arg1[%get3A, %get3A_0, %get3A_1] : memref<1x3x1024xf32, #tpu.memory_space<vmem>>, vector<1x3x1024xf32>
    %get3A_3 = vector.shape_cast %get3A_2 : vector<1x3x1024xf32> to vector<3x1024xf32>
    %slice3A = vector.extract_strided_slice %get3A_3 {offsets = [0, 0], sizes = [1, 1024], strides = [1, 1]} : vector<3x1024xf32> to vector<1x1024xf32>
    %slice3A_4 = vector.extract_strided_slice %get3A_3 {offsets = [1, 0], sizes = [1, 1024], strides = [1, 1]} : vector<3x1024xf32> to vector<1x1024xf32>
    %slice3A_5 = vector.extract_strided_slice %get3A_3 {offsets = [2, 0], sizes = [1, 1024], strides = [1, 1]} : vector<3x1024xf32> to vector<1x1024xf32>
    %iota3A = tpu.iota {dimensions = array<i32: 1>} : vector<1x1024xi32>
    %iota3A_6 = tpu.iota {dimensions = array<i32: 1>} : vector<1x256xi32>
    %broadcast_in_dim3A = arith.constant 1.000000e+10 : f32
    %broadcast_in_dim3A_7 = vector.broadcast %broadcast_in_dim3A : f32 to vector<1x1024xf32>
    %broadcast_in_dim3A_8 = arith.constant 0 : i32
    %broadcast_in_dim3A_9 = vector.broadcast %broadcast_in_dim3A_8 : i32 to vector<1x256xi32>
    %scan3A = arith.constant 0 : i32
    %scan3A_10 = arith.constant 0 : i32
    %scan3A_11 = arith.constant 256 : i32
    %scan3A_12 = arith.addi %scan3A_10, %scan3A_11 : i32
    %scan3A_13 = arith.constant 1 : i32
    %scan3A_14:3 = scf.for %scan3A_21 = %scan3A_10 to %scan3A_12 step %scan3A_13 iter_args(%scan3A_22 = %broadcast_in_dim3A_7, %scan3A_23 = %scan3A, %scan3A_24 = %broadcast_in_dim3A_9) -> (vector<1x1024xf32>, i32, vector<1x256xi32>)  : i32 {
      %eq3A = vector.broadcast %scan3A_21 : i32 to vector<1x256xi32>
      %eq3A_25 = arith.cmpi eq, %iota3A_6, %eq3A : vector<1x256xi32>
      %broadcast_in_dim3A_26 = vector.broadcast %scan3A_23 : i32 to vector<1x256xi32>
      %select_n3A = arith.select %eq3A_25, %broadcast_in_dim3A_26, %scan3A_24 : vector<1x256xi1>, vector<1x256xi32>
      %eq3A_27 = vector.broadcast %scan3A_23 : i32 to vector<1x1024xi32>
      %eq3A_28 = arith.cmpi eq, %iota3A, %eq3A_27 : vector<1x1024xi32>
      %convert_element_type3A = arith.extui %eq3A_28 : vector<1x1024xi1> to vector<1x1024xi32>
      %convert_element_type3A_29 = arith.sitofp %convert_element_type3A : vector<1x1024xi32> to vector<1x1024xf32>
      %mul3A = arith.mulf %slice3A, %convert_element_type3A_29 : vector<1x1024xf32>
      %reduce_sum3A = vector.shape_cast %mul3A : vector<1x1024xf32> to vector<1x1x1024xf32>
      %reduce_sum3A_30 = arith.constant dense<0.000000e+00> : vector<1xf32>
      %reduce_sum3A_31 = vector.multi_reduction <add>, %reduce_sum3A, %reduce_sum3A_30 [1, 2] : vector<1x1x1024xf32> to vector<1xf32>
      %reduce_sum3A_32 = vector.shape_cast %reduce_sum3A_31 : vector<1xf32> to vector<1x1x1xf32>
      %reduce_sum3A_33 = vector.extract %reduce_sum3A_32[0, 0, 0] : f32 from vector<1x1x1xf32>
      %mul3A_34 = arith.mulf %slice3A_4, %convert_element_type3A_29 : vector<1x1024xf32>
      %reduce_sum3A_35 = vector.shape_cast %mul3A_34 : vector<1x1024xf32> to vector<1x1x1024xf32>
      %reduce_sum3A_36 = arith.constant dense<0.000000e+00> : vector<1xf32>
      %reduce_sum3A_37 = vector.multi_reduction <add>, %reduce_sum3A_35, %reduce_sum3A_36 [1, 2] : vector<1x1x1024xf32> to vector<1xf32>
      %reduce_sum3A_38 = vector.shape_cast %reduce_sum3A_37 : vector<1xf32> to vector<1x1x1xf32>
      %reduce_sum3A_39 = vector.extract %reduce_sum3A_38[0, 0, 0] : f32 from vector<1x1x1xf32>
      %mul3A_40 = arith.mulf %slice3A_5, %convert_element_type3A_29 : vector<1x1024xf32>
      %reduce_sum3A_41 = vector.shape_cast %mul3A_40 : vector<1x1024xf32> to vector<1x1x1024xf32>
      %reduce_sum3A_42 = arith.constant dense<0.000000e+00> : vector<1xf32>
      %reduce_sum3A_43 = vector.multi_reduction <add>, %reduce_sum3A_41, %reduce_sum3A_42 [1, 2] : vector<1x1x1024xf32> to vector<1xf32>
      %reduce_sum3A_44 = vector.shape_cast %reduce_sum3A_43 : vector<1xf32> to vector<1x1x1xf32>
      %reduce_sum3A_45 = vector.extract %reduce_sum3A_44[0, 0, 0] : f32 from vector<1x1x1xf32>
      %sub3A = vector.broadcast %reduce_sum3A_33 : f32 to vector<1x1024xf32>
      %sub3A_46 = arith.subf %slice3A, %sub3A : vector<1x1024xf32>
      %integer_pow3A = arith.mulf %sub3A_46, %sub3A_46 : vector<1x1024xf32>
      %sub3A_47 = vector.broadcast %reduce_sum3A_39 : f32 to vector<1x1024xf32>
      %sub3A_48 = arith.subf %slice3A_4, %sub3A_47 : vector<1x1024xf32>
      %integer_pow3A_49 = arith.mulf %sub3A_48, %sub3A_48 : vector<1x1024xf32>
      %add3A = arith.addf %integer_pow3A, %integer_pow3A_49 : vector<1x1024xf32>
      %sub3A_50 = vector.broadcast %reduce_sum3A_45 : f32 to vector<1x1024xf32>
      %sub3A_51 = arith.subf %slice3A_5, %sub3A_50 : vector<1x1024xf32>
      %integer_pow3A_52 = arith.mulf %sub3A_51, %sub3A_51 : vector<1x1024xf32>
      %add3A_53 = arith.addf %add3A, %integer_pow3A_52 : vector<1x1024xf32>
      %min3A = arith.minimumf %scan3A_22, %add3A_53 : vector<1x1024xf32>
      %reduce_max3A = vector.shape_cast %min3A : vector<1x1024xf32> to vector<1x1x1024xf32>
      %reduce_max3A_54 = arith.constant dense<0xFF800000> : vector<1xf32>
      %reduce_max3A_55 = vector.multi_reduction <maximumf>, %reduce_max3A, %reduce_max3A_54 [1, 2] : vector<1x1x1024xf32> to vector<1xf32>
      %reduce_max3A_56 = vector.shape_cast %reduce_max3A_55 : vector<1xf32> to vector<1x1x1xf32>
      %reduce_max3A_57 = vector.extract %reduce_max3A_56[0, 0, 0] : f32 from vector<1x1x1xf32>
      %eq3A_58 = vector.broadcast %reduce_max3A_57 : f32 to vector<1x1024xf32>
      %eq3A_59 = arith.cmpf oeq, %min3A, %eq3A_58 : vector<1x1024xf32>
      %jit3A = arith.constant 1024 : i32
      %broadcast_in_dim3A_60 = vector.broadcast %jit3A : i32 to vector<1x1024xi32>
      %select_n3A_61 = arith.select %eq3A_59, %iota3A, %broadcast_in_dim3A_60 : vector<1x1024xi1>, vector<1x1024xi32>
      %reduce_min3A = vector.shape_cast %select_n3A_61 : vector<1x1024xi32> to vector<1x1x1024xi32>
      %reduce_min3A_62 = arith.constant dense<2147483647> : vector<1xi32>
      %reduce_min3A_63 = vector.multi_reduction <minsi>, %reduce_min3A, %reduce_min3A_62 [1, 2] : vector<1x1x1024xi32> to vector<1xi32>
      %reduce_min3A_64 = vector.shape_cast %reduce_min3A_63 : vector<1xi32> to vector<1x1x1xi32>
      %reduce_min3A_65 = vector.extract %reduce_min3A_64[0, 0, 0] : i32 from vector<1x1x1xi32>
      scf.yield %min3A, %reduce_min3A_65, %select_n3A : vector<1x1024xf32>, i32, vector<1x256xi32>
    }
    %scan3A_15 = arith.constant 256 : i32
    %swap3A = arith.constant 0 : index
    %swap3A_16 = arith.constant 0 : index
    %swap3A_17 = arith.constant 0 : index
    %swap3A_18 = vector.load %arg2[%swap3A, %swap3A_16, %swap3A_17] : memref<1x1x256xi32, #tpu.memory_space<vmem>>, vector<1x1x256xi32>
    %swap3A_19 = vector.shape_cast %swap3A_18 : vector<1x1x256xi32> to vector<1x256xi32>
    %swap3A_20 = vector.shape_cast %scan3A_14#2 : vector<1x256xi32> to vector<1x1x256xi32>
    tpu.vector_store %arg2[%swap3A, %swap3A_16, %swap3A_17], %swap3A_20 {strides = array<i32>} : memref<1x1x256xi32, #tpu.memory_space<vmem>>, vector<1x1x256xi32>,
    return
  }
  func.func @transform_0(%arg0: i32) -> (i32, i32, i32) {
    %c0_i32 = arith.constant 0 : i32
    %c0_i32_0 = arith.constant 0 : i32
    %c0_i32_1 = arith.constant 0 : i32
    return %arg0, %c0_i32, %c0_i32_0 : i32, i32, i32
  }
  func.func @transform_1(%arg0: i32) -> (i32, i32, i32) {
    %c0_i32 = arith.constant 0 : i32
    %c0_i32_0 = arith.constant 0 : i32
    %c0_i32_1 = arith.constant 0 : i32
    return %arg0, %c0_i32, %c0_i32_0 : i32, i32, i32
  }
}

module attributes {stable_mosaic.version = 14 : i64} {
  func.func @_ball_kernel(%arg0: i32, %arg1: i32, %arg2: memref<1x128x3xf32, #tpu.memory_space<vmem>>, %arg3: memref<1x3x1024xf32, #tpu.memory_space<vmem>>, %arg4: memref<1x128x32xi32, #tpu.memory_space<vmem>>) attributes {dimension_semantics = [#tpu.dimension_semantics<arbitrary>, #tpu.dimension_semantics<arbitrary>], iteration_bounds = array<i64: 2, 2>, scalar_prefetch = 0 : i64, scratch_operands = 0 : i64, tpu.core_type = #tpu.core_type<tc>, window_params = [{transform_indices = @transform_0, window_bounds = array<i64: 1, 128, 3>}, {transform_indices = @transform_1, window_bounds = array<i64: 1, 3, 1024>}, {transform_indices = @transform_2, window_bounds = array<i64: 1, 128, 32>}]} {
    %get3A = arith.constant 0 : index
    %get3A_0 = arith.constant 0 : index
    %get3A_1 = arith.constant 0 : index
    %get3A_2 = vector.load %arg2[%get3A, %get3A_0, %get3A_1] : memref<1x128x3xf32, #tpu.memory_space<vmem>>, vector<1x128x3xf32>
    %get3A_3 = vector.shape_cast %get3A_2 : vector<1x128x3xf32> to vector<128x3xf32>
    %get3A_4 = arith.constant 0 : index
    %get3A_5 = arith.constant 0 : index
    %get3A_6 = arith.constant 0 : index
    %get3A_7 = vector.load %arg3[%get3A_4, %get3A_5, %get3A_6] : memref<1x3x1024xf32, #tpu.memory_space<vmem>>, vector<1x3x1024xf32>
    %get3A_8 = vector.shape_cast %get3A_7 : vector<1x3x1024xf32> to vector<3x1024xf32>
    %mul3A = arith.mulf %get3A_3, %get3A_3 : vector<128x3xf32>
    %reduce_sum3A = arith.constant dense<0.000000e+00> : vector<128xf32>
    %reduce_sum3A_9 = vector.multi_reduction <add>, %mul3A, %reduce_sum3A [1] : vector<128x3xf32> to vector<128xf32>
    %broadcast_in_dim3A = vector.shape_cast %reduce_sum3A_9 : vector<128xf32> to vector<128x1xf32>
    %mul3A_10 = arith.mulf %get3A_8, %get3A_8 : vector<3x1024xf32>
    %reduce_sum3A_11 = arith.constant dense<0.000000e+00> : vector<1024xf32>
    %reduce_sum3A_12 = vector.multi_reduction <add>, %mul3A_10, %reduce_sum3A_11 [0] : vector<3x1024xf32> to vector<1024xf32>
    %broadcast_in_dim3A_13 = vector.shape_cast %reduce_sum3A_12 : vector<1024xf32> to vector<1x1024xf32>
    %dot_general3A = arith.constant dense<0.000000e+00> : vector<128x1024xf32>
    %dot_general3A_14 = tpu.matmul %get3A_3, %get3A_8, %dot_general3A {dimension_numbers = #tpu.dot_dimension_numbers<[1], [0], [0], [1], [0, 0, 1, 1], [], []>, transpose_lhs_hint = false} : vector<128x3xf32>, vector<3x1024xf32>, vector<128x1024xf32> -> vector<128x1024xf32>
    %mul3A_15 = arith.constant -2.000000e+00 : f32
    %mul3A_16 = vector.broadcast %mul3A_15 : f32 to vector<128x1024xf32>
    %mul3A_17 = arith.mulf %mul3A_16, %dot_general3A_14 : vector<128x1024xf32>
    %add3A = vector.broadcast %broadcast_in_dim3A : vector<128x1xf32> to vector<128x1024xf32>
    %add3A_18 = arith.addf %mul3A_17, %add3A : vector<128x1024xf32>
    %add3A_19 = vector.broadcast %broadcast_in_dim3A_13 : vector<1x1024xf32> to vector<128x1024xf32>
    %add3A_20 = arith.addf %add3A_18, %add3A_19 : vector<128x1024xf32>
    %gt3A = arith.constant 4.000000e-02 : f32
    %gt3A_21 = vector.broadcast %gt3A : f32 to vector<128x1024xf32>
    %gt3A_22 = arith.cmpf ogt, %add3A_20, %gt3A_21 : vector<128x1024xf32>
    %not3A = arith.constant dense<true> : vector<128x1024xi1>
    %not3A_23 = arith.xori %gt3A_22, %not3A : vector<128x1024xi1>
    %iota3A = tpu.iota {dimensions = array<i32: 1>} : vector<1x1024xi32>
    %broadcast_in_dim3A_24 = arith.constant -1 : i32
    %broadcast_in_dim3A_25 = vector.broadcast %broadcast_in_dim3A_24 : i32 to vector<128x1xi32>
    %gt3A_26 = vector.broadcast %iota3A : vector<1x1024xi32> to vector<128x1024xi32>
    %gt3A_27 = vector.broadcast %broadcast_in_dim3A_25 : vector<128x1xi32> to vector<128x1024xi32>
    %gt3A_28 = arith.cmpi sgt, %gt3A_26, %gt3A_27 : vector<128x1024xi32>
    %and3A = arith.andi %not3A_23, %gt3A_28 : vector<128x1024xi1>
    %jit3A = arith.constant 1024 : i32
    %broadcast_in_dim3A_29 = vector.shape_cast %iota3A : vector<1x1024xi32> to vector<1x1024xi32>
    %broadcast_in_dim3A_30 = vector.broadcast %broadcast_in_dim3A_29 : vector<1x1024xi32> to vector<128x1024xi32>
    %broadcast_in_dim3A_31 = vector.broadcast %jit3A : i32 to vector<128x1024xi32>
    %select_n3A = arith.select %and3A, %broadcast_in_dim3A_30, %broadcast_in_dim3A_31 : vector<128x1024xi1>, vector<128x1024xi32>
    %reduce_min3A = arith.constant dense<2147483647> : vector<128xi32>
    %reduce_min3A_32 = vector.multi_reduction <minsi>, %select_n3A, %reduce_min3A [1] : vector<128x1024xi32> to vector<128xi32>
    %broadcast_in_dim3A_33 = vector.shape_cast %reduce_min3A_32 : vector<128xi32> to vector<128x1xi32>
    %gt3A_34 = vector.broadcast %iota3A : vector<1x1024xi32> to vector<128x1024xi32>
    %gt3A_35 = vector.broadcast %broadcast_in_dim3A_33 : vector<128x1xi32> to vector<128x1024xi32>
    %gt3A_36 = arith.cmpi sgt, %gt3A_34, %gt3A_35 : vector<128x1024xi32>
    %and3A_37 = arith.andi %not3A_23, %gt3A_36 : vector<128x1024xi1>
    %jit3A_38 = arith.constant 1024 : i32
    %broadcast_in_dim3A_39 = vector.shape_cast %iota3A : vector<1x1024xi32> to vector<1x1024xi32>
    %broadcast_in_dim3A_40 = vector.broadcast %broadcast_in_dim3A_39 : vector<1x1024xi32> to vector<128x1024xi32>
    %broadcast_in_dim3A_41 = vector.broadcast %jit3A_38 : i32 to vector<128x1024xi32>
    %select_n3A_42 = arith.select %and3A_37, %broadcast_in_dim3A_40, %broadcast_in_dim3A_41 : vector<128x1024xi1>, vector<128x1024xi32>
    %reduce_min3A_43 = arith.constant dense<2147483647> : vector<128xi32>
    %reduce_min3A_44 = vector.multi_reduction <minsi>, %select_n3A_42, %reduce_min3A_43 [1] : vector<128x1024xi32> to vector<128xi32>
    %broadcast_in_dim3A_45 = vector.shape_cast %reduce_min3A_44 : vector<128xi32> to vector<128x1xi32>
    %gt3A_46 = vector.broadcast %iota3A : vector<1x1024xi32> to vector<128x1024xi32>
    %gt3A_47 = vector.broadcast %broadcast_in_dim3A_45 : vector<128x1xi32> to vector<128x1024xi32>
    %gt3A_48 = arith.cmpi sgt, %gt3A_46, %gt3A_47 : vector<128x1024xi32>
    %and3A_49 = arith.andi %not3A_23, %gt3A_48 : vector<128x1024xi1>
    %jit3A_50 = arith.constant 1024 : i32
    %broadcast_in_dim3A_51 = vector.shape_cast %iota3A : vector<1x1024xi32> to vector<1x1024xi32>
    %broadcast_in_dim3A_52 = vector.broadcast %broadcast_in_dim3A_51 : vector<1x1024xi32> to vector<128x1024xi32>
    %broadcast_in_dim3A_53 = vector.broadcast %jit3A_50 : i32 to vector<128x1024xi32>
    %select_n3A_54 = arith.select %and3A_49, %broadcast_in_dim3A_52, %broadcast_in_dim3A_53 : vector<128x1024xi1>, vector<128x1024xi32>
    %reduce_min3A_55 = arith.constant dense<2147483647> : vector<128xi32>
    %reduce_min3A_56 = vector.multi_reduction <minsi>, %select_n3A_54, %reduce_min3A_55 [1] : vector<128x1024xi32> to vector<128xi32>
    %broadcast_in_dim3A_57 = vector.shape_cast %reduce_min3A_56 : vector<128xi32> to vector<128x1xi32>
    %gt3A_58 = vector.broadcast %iota3A : vector<1x1024xi32> to vector<128x1024xi32>
    %gt3A_59 = vector.broadcast %broadcast_in_dim3A_57 : vector<128x1xi32> to vector<128x1024xi32>
    %gt3A_60 = arith.cmpi sgt, %gt3A_58, %gt3A_59 : vector<128x1024xi32>
    %and3A_61 = arith.andi %not3A_23, %gt3A_60 : vector<128x1024xi1>
    %jit3A_62 = arith.constant 1024 : i32
    %broadcast_in_dim3A_63 = vector.shape_cast %iota3A : vector<1x1024xi32> to vector<1x1024xi32>
    %broadcast_in_dim3A_64 = vector.broadcast %broadcast_in_dim3A_63 : vector<1x1024xi32> to vector<128x1024xi32>
    %broadcast_in_dim3A_65 = vector.broadcast %jit3A_62 : i32 to vector<128x1024xi32>
    %select_n3A_66 = arith.select %and3A_61, %broadcast_in_dim3A_64, %broadcast_in_dim3A_65 : vector<128x1024xi1>, vector<128x1024xi32>
    %reduce_min3A_67 = arith.constant dense<2147483647> : vector<128xi32>
    %reduce_min3A_68 = vector.multi_reduction <minsi>, %select_n3A_66, %reduce_min3A_67 [1] : vector<128x1024xi32> to vector<128xi32>
    %broadcast_in_dim3A_69 = vector.shape_cast %reduce_min3A_68 : vector<128xi32> to vector<128x1xi32>
    %gt3A_70 = vector.broadcast %iota3A : vector<1x1024xi32> to vector<128x1024xi32>
    %gt3A_71 = vector.broadcast %broadcast_in_dim3A_69 : vector<128x1xi32> to vector<128x1024xi32>
    %gt3A_72 = arith.cmpi sgt, %gt3A_70, %gt3A_71 : vector<128x1024xi32>
    %and3A_73 = arith.andi %not3A_23, %gt3A_72 : vector<128x1024xi1>
    %jit3A_74 = arith.constant 1024 : i32
    %broadcast_in_dim3A_75 = vector.shape_cast %iota3A : vector<1x1024xi32> to vector<1x1024xi32>
    %broadcast_in_dim3A_76 = vector.broadcast %broadcast_in_dim3A_75 : vector<1x1024xi32> to vector<128x1024xi32>
    %broadcast_in_dim3A_77 = vector.broadcast %jit3A_74 : i32 to vector<128x1024xi32>
    %select_n3A_78 = arith.select %and3A_73, %broadcast_in_dim3A_76, %broadcast_in_dim3A_77 : vector<128x1024xi1>, vector<128x1024xi32>
    %reduce_min3A_79 = arith.constant dense<2147483647> : vector<128xi32>
    %reduce_min3A_80 = vector.multi_reduction <minsi>, %select_n3A_78, %reduce_min3A_79 [1] : vector<128x1024xi32> to vector<128xi32>
    %broadcast_in_dim3A_81 = vector.shape_cast %reduce_min3A_80 : vector<128xi32> to vector<128x1xi32>
    %gt3A_82 = vector.broadcast %iota3A : vector<1x1024xi32> to vector<128x1024xi32>
    %gt3A_83 = vector.broadcast %broadcast_in_dim3A_81 : vector<128x1xi32> to vector<128x1024xi32>
    %gt3A_84 = arith.cmpi sgt, %gt3A_82, %gt3A_83 : vector<128x1024xi32>
    %and3A_85 = arith.andi %not3A_23, %gt3A_84 : vector<128x1024xi1>
    %jit3A_86 = arith.constant 1024 : i32
    %broadcast_in_dim3A_87 = vector.shape_cast %iota3A : vector<1x1024xi32> to vector<1x1024xi32>
    %broadcast_in_dim3A_88 = vector.broadcast %broadcast_in_dim3A_87 : vector<1x1024xi32> to vector<128x1024xi32>
    %broadcast_in_dim3A_89 = vector.broadcast %jit3A_86 : i32 to vector<128x1024xi32>
    %select_n3A_90 = arith.select %and3A_85, %broadcast_in_dim3A_88, %broadcast_in_dim3A_89 : vector<128x1024xi1>, vector<128x1024xi32>
    %reduce_min3A_91 = arith.constant dense<2147483647> : vector<128xi32>
    %reduce_min3A_92 = vector.multi_reduction <minsi>, %select_n3A_90, %reduce_min3A_91 [1] : vector<128x1024xi32> to vector<128xi32>
    %broadcast_in_dim3A_93 = vector.shape_cast %reduce_min3A_92 : vector<128xi32> to vector<128x1xi32>
    %gt3A_94 = vector.broadcast %iota3A : vector<1x1024xi32> to vector<128x1024xi32>
    %gt3A_95 = vector.broadcast %broadcast_in_dim3A_93 : vector<128x1xi32> to vector<128x1024xi32>
    %gt3A_96 = arith.cmpi sgt, %gt3A_94, %gt3A_95 : vector<128x1024xi32>
    %and3A_97 = arith.andi %not3A_23, %gt3A_96 : vector<128x1024xi1>
    %jit3A_98 = arith.constant 1024 : i32
    %broadcast_in_dim3A_99 = vector.shape_cast %iota3A : vector<1x1024xi32> to vector<1x1024xi32>
    %broadcast_in_dim3A_100 = vector.broadcast %broadcast_in_dim3A_99 : vector<1x1024xi32> to vector<128x1024xi32>
    %broadcast_in_dim3A_101 = vector.broadcast %jit3A_98 : i32 to vector<128x1024xi32>
    %select_n3A_102 = arith.select %and3A_97, %broadcast_in_dim3A_100, %broadcast_in_dim3A_101 : vector<128x1024xi1>, vector<128x1024xi32>
    %reduce_min3A_103 = arith.constant dense<2147483647> : vector<128xi32>
    %reduce_min3A_104 = vector.multi_reduction <minsi>, %select_n3A_102, %reduce_min3A_103 [1] : vector<128x1024xi32> to vector<128xi32>
    %broadcast_in_dim3A_105 = vector.shape_cast %reduce_min3A_104 : vector<128xi32> to vector<128x1xi32>
    %gt3A_106 = vector.broadcast %iota3A : vector<1x1024xi32> to vector<128x1024xi32>
    %gt3A_107 = vector.broadcast %broadcast_in_dim3A_105 : vector<128x1xi32> to vector<128x1024xi32>
    %gt3A_108 = arith.cmpi sgt, %gt3A_106, %gt3A_107 : vector<128x1024xi32>
    %and3A_109 = arith.andi %not3A_23, %gt3A_108 : vector<128x1024xi1>
    %jit3A_110 = arith.constant 1024 : i32
    %broadcast_in_dim3A_111 = vector.shape_cast %iota3A : vector<1x1024xi32> to vector<1x1024xi32>
    %broadcast_in_dim3A_112 = vector.broadcast %broadcast_in_dim3A_111 : vector<1x1024xi32> to vector<128x1024xi32>
    %broadcast_in_dim3A_113 = vector.broadcast %jit3A_110 : i32 to vector<128x1024xi32>
    %select_n3A_114 = arith.select %and3A_109, %broadcast_in_dim3A_112, %broadcast_in_dim3A_113 : vector<128x1024xi1>, vector<128x1024xi32>
    %reduce_min3A_115 = arith.constant dense<2147483647> : vector<128xi32>
    %reduce_min3A_116 = vector.multi_reduction <minsi>, %select_n3A_114, %reduce_min3A_115 [1] : vector<128x1024xi32> to vector<128xi32>
    %broadcast_in_dim3A_117 = vector.shape_cast %reduce_min3A_116 : vector<128xi32> to vector<128x1xi32>
    %gt3A_118 = vector.broadcast %iota3A : vector<1x1024xi32> to vector<128x1024xi32>
    %gt3A_119 = vector.broadcast %broadcast_in_dim3A_117 : vector<128x1xi32> to vector<128x1024xi32>
    %gt3A_120 = arith.cmpi sgt, %gt3A_118, %gt3A_119 : vector<128x1024xi32>
    %and3A_121 = arith.andi %not3A_23, %gt3A_120 : vector<128x1024xi1>
    %jit3A_122 = arith.constant 1024 : i32
    %broadcast_in_dim3A_123 = vector.shape_cast %iota3A : vector<1x1024xi32> to vector<1x1024xi32>
    %broadcast_in_dim3A_124 = vector.broadcast %broadcast_in_dim3A_123 : vector<1x1024xi32> to vector<128x1024xi32>
    %broadcast_in_dim3A_125 = vector.broadcast %jit3A_122 : i32 to vector<128x1024xi32>
    %select_n3A_126 = arith.select %and3A_121, %broadcast_in_dim3A_124, %broadcast_in_dim3A_125 : vector<128x1024xi1>, vector<128x1024xi32>
    %reduce_min3A_127 = arith.constant dense<2147483647> : vector<128xi32>
    %reduce_min3A_128 = vector.multi_reduction <minsi>, %select_n3A_126, %reduce_min3A_127 [1] : vector<128x1024xi32> to vector<128xi32>
    %broadcast_in_dim3A_129 = vector.shape_cast %reduce_min3A_128 : vector<128xi32> to vector<128x1xi32>
    %gt3A_130 = vector.broadcast %iota3A : vector<1x1024xi32> to vector<128x1024xi32>
    %gt3A_131 = vector.broadcast %broadcast_in_dim3A_129 : vector<128x1xi32> to vector<128x1024xi32>
    %gt3A_132 = arith.cmpi sgt, %gt3A_130, %gt3A_131 : vector<128x1024xi32>
    %and3A_133 = arith.andi %not3A_23, %gt3A_132 : vector<128x1024xi1>
    %jit3A_134 = arith.constant 1024 : i32
    %broadcast_in_dim3A_135 = vector.shape_cast %iota3A : vector<1x1024xi32> to vector<1x1024xi32>
    %broadcast_in_dim3A_136 = vector.broadcast %broadcast_in_dim3A_135 : vector<1x1024xi32> to vector<128x1024xi32>
    %broadcast_in_dim3A_137 = vector.broadcast %jit3A_134 : i32 to vector<128x1024xi32>
    %select_n3A_138 = arith.select %and3A_133, %broadcast_in_dim3A_136, %broadcast_in_dim3A_137 : vector<128x1024xi1>, vector<128x1024xi32>
    %reduce_min3A_139 = arith.constant dense<2147483647> : vector<128xi32>
    %reduce_min3A_140 = vector.multi_reduction <minsi>, %select_n3A_138, %reduce_min3A_139 [1] : vector<128x1024xi32> to vector<128xi32>
    %broadcast_in_dim3A_141 = vector.shape_cast %reduce_min3A_140 : vector<128xi32> to vector<128x1xi32>
    %gt3A_142 = vector.broadcast %iota3A : vector<1x1024xi32> to vector<128x1024xi32>
    %gt3A_143 = vector.broadcast %broadcast_in_dim3A_141 : vector<128x1xi32> to vector<128x1024xi32>
    %gt3A_144 = arith.cmpi sgt, %gt3A_142, %gt3A_143 : vector<128x1024xi32>
    %and3A_145 = arith.andi %not3A_23, %gt3A_144 : vector<128x1024xi1>
    %jit3A_146 = arith.constant 1024 : i32
    %broadcast_in_dim3A_147 = vector.shape_cast %iota3A : vector<1x1024xi32> to vector<1x1024xi32>
    %broadcast_in_dim3A_148 = vector.broadcast %broadcast_in_dim3A_147 : vector<1x1024xi32> to vector<128x1024xi32>
    %broadcast_in_dim3A_149 = vector.broadcast %jit3A_146 : i32 to vector<128x1024xi32>
    %select_n3A_150 = arith.select %and3A_145, %broadcast_in_dim3A_148, %broadcast_in_dim3A_149 : vector<128x1024xi1>, vector<128x1024xi32>
    %reduce_min3A_151 = arith.constant dense<2147483647> : vector<128xi32>
    %reduce_min3A_152 = vector.multi_reduction <minsi>, %select_n3A_150, %reduce_min3A_151 [1] : vector<128x1024xi32> to vector<128xi32>
    %broadcast_in_dim3A_153 = vector.shape_cast %reduce_min3A_152 : vector<128xi32> to vector<128x1xi32>
    %gt3A_154 = vector.broadcast %iota3A : vector<1x1024xi32> to vector<128x1024xi32>
    %gt3A_155 = vector.broadcast %broadcast_in_dim3A_153 : vector<128x1xi32> to vector<128x1024xi32>
    %gt3A_156 = arith.cmpi sgt, %gt3A_154, %gt3A_155 : vector<128x1024xi32>
    %and3A_157 = arith.andi %not3A_23, %gt3A_156 : vector<128x1024xi1>
    %jit3A_158 = arith.constant 1024 : i32
    %broadcast_in_dim3A_159 = vector.shape_cast %iota3A : vector<1x1024xi32> to vector<1x1024xi32>
    %broadcast_in_dim3A_160 = vector.broadcast %broadcast_in_dim3A_159 : vector<1x1024xi32> to vector<128x1024xi32>
    %broadcast_in_dim3A_161 = vector.broadcast %jit3A_158 : i32 to vector<128x1024xi32>
    %select_n3A_162 = arith.select %and3A_157, %broadcast_in_dim3A_160, %broadcast_in_dim3A_161 : vector<128x1024xi1>, vector<128x1024xi32>
    %reduce_min3A_163 = arith.constant dense<2147483647> : vector<128xi32>
    %reduce_min3A_164 = vector.multi_reduction <minsi>, %select_n3A_162, %reduce_min3A_163 [1] : vector<128x1024xi32> to vector<128xi32>
    %broadcast_in_dim3A_165 = vector.shape_cast %reduce_min3A_164 : vector<128xi32> to vector<128x1xi32>
    %gt3A_166 = vector.broadcast %iota3A : vector<1x1024xi32> to vector<128x1024xi32>
    %gt3A_167 = vector.broadcast %broadcast_in_dim3A_165 : vector<128x1xi32> to vector<128x1024xi32>
    %gt3A_168 = arith.cmpi sgt, %gt3A_166, %gt3A_167 : vector<128x1024xi32>
    %and3A_169 = arith.andi %not3A_23, %gt3A_168 : vector<128x1024xi1>
    %jit3A_170 = arith.constant 1024 : i32
    %broadcast_in_dim3A_171 = vector.shape_cast %iota3A : vector<1x1024xi32> to vector<1x1024xi32>
    %broadcast_in_dim3A_172 = vector.broadcast %broadcast_in_dim3A_171 : vector<1x1024xi32> to vector<128x1024xi32>
    %broadcast_in_dim3A_173 = vector.broadcast %jit3A_170 : i32 to vector<128x1024xi32>
    %select_n3A_174 = arith.select %and3A_169, %broadcast_in_dim3A_172, %broadcast_in_dim3A_173 : vector<128x1024xi1>, vector<128x1024xi32>
    %reduce_min3A_175 = arith.constant dense<2147483647> : vector<128xi32>
    %reduce_min3A_176 = vector.multi_reduction <minsi>, %select_n3A_174, %reduce_min3A_175 [1] : vector<128x1024xi32> to vector<128xi32>
    %broadcast_in_dim3A_177 = vector.shape_cast %reduce_min3A_176 : vector<128xi32> to vector<128x1xi32>
    %gt3A_178 = vector.broadcast %iota3A : vector<1x1024xi32> to vector<128x1024xi32>
    %gt3A_179 = vector.broadcast %broadcast_in_dim3A_177 : vector<128x1xi32> to vector<128x1024xi32>
    %gt3A_180 = arith.cmpi sgt, %gt3A_178, %gt3A_179 : vector<128x1024xi32>
    %and3A_181 = arith.andi %not3A_23, %gt3A_180 : vector<128x1024xi1>
    %jit3A_182 = arith.constant 1024 : i32
    %broadcast_in_dim3A_183 = vector.shape_cast %iota3A : vector<1x1024xi32> to vector<1x1024xi32>
    %broadcast_in_dim3A_184 = vector.broadcast %broadcast_in_dim3A_183 : vector<1x1024xi32> to vector<128x1024xi32>
    %broadcast_in_dim3A_185 = vector.broadcast %jit3A_182 : i32 to vector<128x1024xi32>
    %select_n3A_186 = arith.select %and3A_181, %broadcast_in_dim3A_184, %broadcast_in_dim3A_185 : vector<128x1024xi1>, vector<128x1024xi32>
    %reduce_min3A_187 = arith.constant dense<2147483647> : vector<128xi32>
    %reduce_min3A_188 = vector.multi_reduction <minsi>, %select_n3A_186, %reduce_min3A_187 [1] : vector<128x1024xi32> to vector<128xi32>
    %broadcast_in_dim3A_189 = vector.shape_cast %reduce_min3A_188 : vector<128xi32> to vector<128x1xi32>
    %gt3A_190 = vector.broadcast %iota3A : vector<1x1024xi32> to vector<128x1024xi32>
    %gt3A_191 = vector.broadcast %broadcast_in_dim3A_189 : vector<128x1xi32> to vector<128x1024xi32>
    %gt3A_192 = arith.cmpi sgt, %gt3A_190, %gt3A_191 : vector<128x1024xi32>
    %and3A_193 = arith.andi %not3A_23, %gt3A_192 : vector<128x1024xi1>
    %jit3A_194 = arith.constant 1024 : i32
    %broadcast_in_dim3A_195 = vector.shape_cast %iota3A : vector<1x1024xi32> to vector<1x1024xi32>
    %broadcast_in_dim3A_196 = vector.broadcast %broadcast_in_dim3A_195 : vector<1x1024xi32> to vector<128x1024xi32>
    %broadcast_in_dim3A_197 = vector.broadcast %jit3A_194 : i32 to vector<128x1024xi32>
    %select_n3A_198 = arith.select %and3A_193, %broadcast_in_dim3A_196, %broadcast_in_dim3A_197 : vector<128x1024xi1>, vector<128x1024xi32>
    %reduce_min3A_199 = arith.constant dense<2147483647> : vector<128xi32>
    %reduce_min3A_200 = vector.multi_reduction <minsi>, %select_n3A_198, %reduce_min3A_199 [1] : vector<128x1024xi32> to vector<128xi32>
    %broadcast_in_dim3A_201 = vector.shape_cast %reduce_min3A_200 : vector<128xi32> to vector<128x1xi32>
    %gt3A_202 = vector.broadcast %iota3A : vector<1x1024xi32> to vector<128x1024xi32>
    %gt3A_203 = vector.broadcast %broadcast_in_dim3A_201 : vector<128x1xi32> to vector<128x1024xi32>
    %gt3A_204 = arith.cmpi sgt, %gt3A_202, %gt3A_203 : vector<128x1024xi32>
    %and3A_205 = arith.andi %not3A_23, %gt3A_204 : vector<128x1024xi1>
    %jit3A_206 = arith.constant 1024 : i32
    %broadcast_in_dim3A_207 = vector.shape_cast %iota3A : vector<1x1024xi32> to vector<1x1024xi32>
    %broadcast_in_dim3A_208 = vector.broadcast %broadcast_in_dim3A_207 : vector<1x1024xi32> to vector<128x1024xi32>
    %broadcast_in_dim3A_209 = vector.broadcast %jit3A_206 : i32 to vector<128x1024xi32>
    %select_n3A_210 = arith.select %and3A_205, %broadcast_in_dim3A_208, %broadcast_in_dim3A_209 : vector<128x1024xi1>, vector<128x1024xi32>
    %reduce_min3A_211 = arith.constant dense<2147483647> : vector<128xi32>
    %reduce_min3A_212 = vector.multi_reduction <minsi>, %select_n3A_210, %reduce_min3A_211 [1] : vector<128x1024xi32> to vector<128xi32>
    %broadcast_in_dim3A_213 = vector.shape_cast %reduce_min3A_212 : vector<128xi32> to vector<128x1xi32>
    %gt3A_214 = vector.broadcast %iota3A : vector<1x1024xi32> to vector<128x1024xi32>
    %gt3A_215 = vector.broadcast %broadcast_in_dim3A_213 : vector<128x1xi32> to vector<128x1024xi32>
    %gt3A_216 = arith.cmpi sgt, %gt3A_214, %gt3A_215 : vector<128x1024xi32>
    %and3A_217 = arith.andi %not3A_23, %gt3A_216 : vector<128x1024xi1>
    %jit3A_218 = arith.constant 1024 : i32
    %broadcast_in_dim3A_219 = vector.shape_cast %iota3A : vector<1x1024xi32> to vector<1x1024xi32>
    %broadcast_in_dim3A_220 = vector.broadcast %broadcast_in_dim3A_219 : vector<1x1024xi32> to vector<128x1024xi32>
    %broadcast_in_dim3A_221 = vector.broadcast %jit3A_218 : i32 to vector<128x1024xi32>
    %select_n3A_222 = arith.select %and3A_217, %broadcast_in_dim3A_220, %broadcast_in_dim3A_221 : vector<128x1024xi1>, vector<128x1024xi32>
    %reduce_min3A_223 = arith.constant dense<2147483647> : vector<128xi32>
    %reduce_min3A_224 = vector.multi_reduction <minsi>, %select_n3A_222, %reduce_min3A_223 [1] : vector<128x1024xi32> to vector<128xi32>
    %broadcast_in_dim3A_225 = vector.shape_cast %reduce_min3A_224 : vector<128xi32> to vector<128x1xi32>
    %gt3A_226 = vector.broadcast %iota3A : vector<1x1024xi32> to vector<128x1024xi32>
    %gt3A_227 = vector.broadcast %broadcast_in_dim3A_225 : vector<128x1xi32> to vector<128x1024xi32>
    %gt3A_228 = arith.cmpi sgt, %gt3A_226, %gt3A_227 : vector<128x1024xi32>
    %and3A_229 = arith.andi %not3A_23, %gt3A_228 : vector<128x1024xi1>
    %jit3A_230 = arith.constant 1024 : i32
    %broadcast_in_dim3A_231 = vector.shape_cast %iota3A : vector<1x1024xi32> to vector<1x1024xi32>
    %broadcast_in_dim3A_232 = vector.broadcast %broadcast_in_dim3A_231 : vector<1x1024xi32> to vector<128x1024xi32>
    %broadcast_in_dim3A_233 = vector.broadcast %jit3A_230 : i32 to vector<128x1024xi32>
    %select_n3A_234 = arith.select %and3A_229, %broadcast_in_dim3A_232, %broadcast_in_dim3A_233 : vector<128x1024xi1>, vector<128x1024xi32>
    %reduce_min3A_235 = arith.constant dense<2147483647> : vector<128xi32>
    %reduce_min3A_236 = vector.multi_reduction <minsi>, %select_n3A_234, %reduce_min3A_235 [1] : vector<128x1024xi32> to vector<128xi32>
    %broadcast_in_dim3A_237 = vector.shape_cast %reduce_min3A_236 : vector<128xi32> to vector<128x1xi32>
    %gt3A_238 = vector.broadcast %iota3A : vector<1x1024xi32> to vector<128x1024xi32>
    %gt3A_239 = vector.broadcast %broadcast_in_dim3A_237 : vector<128x1xi32> to vector<128x1024xi32>
    %gt3A_240 = arith.cmpi sgt, %gt3A_238, %gt3A_239 : vector<128x1024xi32>
    %and3A_241 = arith.andi %not3A_23, %gt3A_240 : vector<128x1024xi1>
    %jit3A_242 = arith.constant 1024 : i32
    %broadcast_in_dim3A_243 = vector.shape_cast %iota3A : vector<1x1024xi32> to vector<1x1024xi32>
    %broadcast_in_dim3A_244 = vector.broadcast %broadcast_in_dim3A_243 : vector<1x1024xi32> to vector<128x1024xi32>
    %broadcast_in_dim3A_245 = vector.broadcast %jit3A_242 : i32 to vector<128x1024xi32>
    %select_n3A_246 = arith.select %and3A_241, %broadcast_in_dim3A_244, %broadcast_in_dim3A_245 : vector<128x1024xi1>, vector<128x1024xi32>
    %reduce_min3A_247 = arith.constant dense<2147483647> : vector<128xi32>
    %reduce_min3A_248 = vector.multi_reduction <minsi>, %select_n3A_246, %reduce_min3A_247 [1] : vector<128x1024xi32> to vector<128xi32>
    %broadcast_in_dim3A_249 = vector.shape_cast %reduce_min3A_248 : vector<128xi32> to vector<128x1xi32>
    %gt3A_250 = vector.broadcast %iota3A : vector<1x1024xi32> to vector<128x1024xi32>
    %gt3A_251 = vector.broadcast %broadcast_in_dim3A_249 : vector<128x1xi32> to vector<128x1024xi32>
    %gt3A_252 = arith.cmpi sgt, %gt3A_250, %gt3A_251 : vector<128x1024xi32>
    %and3A_253 = arith.andi %not3A_23, %gt3A_252 : vector<128x1024xi1>
    %jit3A_254 = arith.constant 1024 : i32
    %broadcast_in_dim3A_255 = vector.shape_cast %iota3A : vector<1x1024xi32> to vector<1x1024xi32>
    %broadcast_in_dim3A_256 = vector.broadcast %broadcast_in_dim3A_255 : vector<1x1024xi32> to vector<128x1024xi32>
    %broadcast_in_dim3A_257 = vector.broadcast %jit3A_254 : i32 to vector<128x1024xi32>
    %select_n3A_258 = arith.select %and3A_253, %broadcast_in_dim3A_256, %broadcast_in_dim3A_257 : vector<128x1024xi1>, vector<128x1024xi32>
    %reduce_min3A_259 = arith.constant dense<2147483647> : vector<128xi32>
    %reduce_min3A_260 = vector.multi_reduction <minsi>, %select_n3A_258, %reduce_min3A_259 [1] : vector<128x1024xi32> to vector<128xi32>
    %broadcast_in_dim3A_261 = vector.shape_cast %reduce_min3A_260 : vector<128xi32> to vector<128x1xi32>
    %gt3A_262 = vector.broadcast %iota3A : vector<1x1024xi32> to vector<128x1024xi32>
    %gt3A_263 = vector.broadcast %broadcast_in_dim3A_261 : vector<128x1xi32> to vector<128x1024xi32>
    %gt3A_264 = arith.cmpi sgt, %gt3A_262, %gt3A_263 : vector<128x1024xi32>
    %and3A_265 = arith.andi %not3A_23, %gt3A_264 : vector<128x1024xi1>
    %jit3A_266 = arith.constant 1024 : i32
    %broadcast_in_dim3A_267 = vector.shape_cast %iota3A : vector<1x1024xi32> to vector<1x1024xi32>
    %broadcast_in_dim3A_268 = vector.broadcast %broadcast_in_dim3A_267 : vector<1x1024xi32> to vector<128x1024xi32>
    %broadcast_in_dim3A_269 = vector.broadcast %jit3A_266 : i32 to vector<128x1024xi32>
    %select_n3A_270 = arith.select %and3A_265, %broadcast_in_dim3A_268, %broadcast_in_dim3A_269 : vector<128x1024xi1>, vector<128x1024xi32>
    %reduce_min3A_271 = arith.constant dense<2147483647> : vector<128xi32>
    %reduce_min3A_272 = vector.multi_reduction <minsi>, %select_n3A_270, %reduce_min3A_271 [1] : vector<128x1024xi32> to vector<128xi32>
    %broadcast_in_dim3A_273 = vector.shape_cast %reduce_min3A_272 : vector<128xi32> to vector<128x1xi32>
    %gt3A_274 = vector.broadcast %iota3A : vector<1x1024xi32> to vector<128x1024xi32>
    %gt3A_275 = vector.broadcast %broadcast_in_dim3A_273 : vector<128x1xi32> to vector<128x1024xi32>
    %gt3A_276 = arith.cmpi sgt, %gt3A_274, %gt3A_275 : vector<128x1024xi32>
    %and3A_277 = arith.andi %not3A_23, %gt3A_276 : vector<128x1024xi1>
    %jit3A_278 = arith.constant 1024 : i32
    %broadcast_in_dim3A_279 = vector.shape_cast %iota3A : vector<1x1024xi32> to vector<1x1024xi32>
    %broadcast_in_dim3A_280 = vector.broadcast %broadcast_in_dim3A_279 : vector<1x1024xi32> to vector<128x1024xi32>
    %broadcast_in_dim3A_281 = vector.broadcast %jit3A_278 : i32 to vector<128x1024xi32>
    %select_n3A_282 = arith.select %and3A_277, %broadcast_in_dim3A_280, %broadcast_in_dim3A_281 : vector<128x1024xi1>, vector<128x1024xi32>
    %reduce_min3A_283 = arith.constant dense<2147483647> : vector<128xi32>
    %reduce_min3A_284 = vector.multi_reduction <minsi>, %select_n3A_282, %reduce_min3A_283 [1] : vector<128x1024xi32> to vector<128xi32>
    %broadcast_in_dim3A_285 = vector.shape_cast %reduce_min3A_284 : vector<128xi32> to vector<128x1xi32>
    %gt3A_286 = vector.broadcast %iota3A : vector<1x1024xi32> to vector<128x1024xi32>
    %gt3A_287 = vector.broadcast %broadcast_in_dim3A_285 : vector<128x1xi32> to vector<128x1024xi32>
    %gt3A_288 = arith.cmpi sgt, %gt3A_286, %gt3A_287 : vector<128x1024xi32>
    %and3A_289 = arith.andi %not3A_23, %gt3A_288 : vector<128x1024xi1>
    %jit3A_290 = arith.constant 1024 : i32
    %broadcast_in_dim3A_291 = vector.shape_cast %iota3A : vector<1x1024xi32> to vector<1x1024xi32>
    %broadcast_in_dim3A_292 = vector.broadcast %broadcast_in_dim3A_291 : vector<1x1024xi32> to vector<128x1024xi32>
    %broadcast_in_dim3A_293 = vector.broadcast %jit3A_290 : i32 to vector<128x1024xi32>
    %select_n3A_294 = arith.select %and3A_289, %broadcast_in_dim3A_292, %broadcast_in_dim3A_293 : vector<128x1024xi1>, vector<128x1024xi32>
    %reduce_min3A_295 = arith.constant dense<2147483647> : vector<128xi32>
    %reduce_min3A_296 = vector.multi_reduction <minsi>, %select_n3A_294, %reduce_min3A_295 [1] : vector<128x1024xi32> to vector<128xi32>
    %broadcast_in_dim3A_297 = vector.shape_cast %reduce_min3A_296 : vector<128xi32> to vector<128x1xi32>
    %gt3A_298 = vector.broadcast %iota3A : vector<1x1024xi32> to vector<128x1024xi32>
    %gt3A_299 = vector.broadcast %broadcast_in_dim3A_297 : vector<128x1xi32> to vector<128x1024xi32>
    %gt3A_300 = arith.cmpi sgt, %gt3A_298, %gt3A_299 : vector<128x1024xi32>
    %and3A_301 = arith.andi %not3A_23, %gt3A_300 : vector<128x1024xi1>
    %jit3A_302 = arith.constant 1024 : i32
    %broadcast_in_dim3A_303 = vector.shape_cast %iota3A : vector<1x1024xi32> to vector<1x1024xi32>
    %broadcast_in_dim3A_304 = vector.broadcast %broadcast_in_dim3A_303 : vector<1x1024xi32> to vector<128x1024xi32>
    %broadcast_in_dim3A_305 = vector.broadcast %jit3A_302 : i32 to vector<128x1024xi32>
    %select_n3A_306 = arith.select %and3A_301, %broadcast_in_dim3A_304, %broadcast_in_dim3A_305 : vector<128x1024xi1>, vector<128x1024xi32>
    %reduce_min3A_307 = arith.constant dense<2147483647> : vector<128xi32>
    %reduce_min3A_308 = vector.multi_reduction <minsi>, %select_n3A_306, %reduce_min3A_307 [1] : vector<128x1024xi32> to vector<128xi32>
    %broadcast_in_dim3A_309 = vector.shape_cast %reduce_min3A_308 : vector<128xi32> to vector<128x1xi32>
    %gt3A_310 = vector.broadcast %iota3A : vector<1x1024xi32> to vector<128x1024xi32>
    %gt3A_311 = vector.broadcast %broadcast_in_dim3A_309 : vector<128x1xi32> to vector<128x1024xi32>
    %gt3A_312 = arith.cmpi sgt, %gt3A_310, %gt3A_311 : vector<128x1024xi32>
    %and3A_313 = arith.andi %not3A_23, %gt3A_312 : vector<128x1024xi1>
    %jit3A_314 = arith.constant 1024 : i32
    %broadcast_in_dim3A_315 = vector.shape_cast %iota3A : vector<1x1024xi32> to vector<1x1024xi32>
    %broadcast_in_dim3A_316 = vector.broadcast %broadcast_in_dim3A_315 : vector<1x1024xi32> to vector<128x1024xi32>
    %broadcast_in_dim3A_317 = vector.broadcast %jit3A_314 : i32 to vector<128x1024xi32>
    %select_n3A_318 = arith.select %and3A_313, %broadcast_in_dim3A_316, %broadcast_in_dim3A_317 : vector<128x1024xi1>, vector<128x1024xi32>
    %reduce_min3A_319 = arith.constant dense<2147483647> : vector<128xi32>
    %reduce_min3A_320 = vector.multi_reduction <minsi>, %select_n3A_318, %reduce_min3A_319 [1] : vector<128x1024xi32> to vector<128xi32>
    %broadcast_in_dim3A_321 = vector.shape_cast %reduce_min3A_320 : vector<128xi32> to vector<128x1xi32>
    %gt3A_322 = vector.broadcast %iota3A : vector<1x1024xi32> to vector<128x1024xi32>
    %gt3A_323 = vector.broadcast %broadcast_in_dim3A_321 : vector<128x1xi32> to vector<128x1024xi32>
    %gt3A_324 = arith.cmpi sgt, %gt3A_322, %gt3A_323 : vector<128x1024xi32>
    %and3A_325 = arith.andi %not3A_23, %gt3A_324 : vector<128x1024xi1>
    %jit3A_326 = arith.constant 1024 : i32
    %broadcast_in_dim3A_327 = vector.shape_cast %iota3A : vector<1x1024xi32> to vector<1x1024xi32>
    %broadcast_in_dim3A_328 = vector.broadcast %broadcast_in_dim3A_327 : vector<1x1024xi32> to vector<128x1024xi32>
    %broadcast_in_dim3A_329 = vector.broadcast %jit3A_326 : i32 to vector<128x1024xi32>
    %select_n3A_330 = arith.select %and3A_325, %broadcast_in_dim3A_328, %broadcast_in_dim3A_329 : vector<128x1024xi1>, vector<128x1024xi32>
    %reduce_min3A_331 = arith.constant dense<2147483647> : vector<128xi32>
    %reduce_min3A_332 = vector.multi_reduction <minsi>, %select_n3A_330, %reduce_min3A_331 [1] : vector<128x1024xi32> to vector<128xi32>
    %broadcast_in_dim3A_333 = vector.shape_cast %reduce_min3A_332 : vector<128xi32> to vector<128x1xi32>
    %gt3A_334 = vector.broadcast %iota3A : vector<1x1024xi32> to vector<128x1024xi32>
    %gt3A_335 = vector.broadcast %broadcast_in_dim3A_333 : vector<128x1xi32> to vector<128x1024xi32>
    %gt3A_336 = arith.cmpi sgt, %gt3A_334, %gt3A_335 : vector<128x1024xi32>
    %and3A_337 = arith.andi %not3A_23, %gt3A_336 : vector<128x1024xi1>
    %jit3A_338 = arith.constant 1024 : i32
    %broadcast_in_dim3A_339 = vector.shape_cast %iota3A : vector<1x1024xi32> to vector<1x1024xi32>
    %broadcast_in_dim3A_340 = vector.broadcast %broadcast_in_dim3A_339 : vector<1x1024xi32> to vector<128x1024xi32>
    %broadcast_in_dim3A_341 = vector.broadcast %jit3A_338 : i32 to vector<128x1024xi32>
    %select_n3A_342 = arith.select %and3A_337, %broadcast_in_dim3A_340, %broadcast_in_dim3A_341 : vector<128x1024xi1>, vector<128x1024xi32>
    %reduce_min3A_343 = arith.constant dense<2147483647> : vector<128xi32>
    %reduce_min3A_344 = vector.multi_reduction <minsi>, %select_n3A_342, %reduce_min3A_343 [1] : vector<128x1024xi32> to vector<128xi32>
    %broadcast_in_dim3A_345 = vector.shape_cast %reduce_min3A_344 : vector<128xi32> to vector<128x1xi32>
    %gt3A_346 = vector.broadcast %iota3A : vector<1x1024xi32> to vector<128x1024xi32>
    %gt3A_347 = vector.broadcast %broadcast_in_dim3A_345 : vector<128x1xi32> to vector<128x1024xi32>
    %gt3A_348 = arith.cmpi sgt, %gt3A_346, %gt3A_347 : vector<128x1024xi32>
    %and3A_349 = arith.andi %not3A_23, %gt3A_348 : vector<128x1024xi1>
    %jit3A_350 = arith.constant 1024 : i32
    %broadcast_in_dim3A_351 = vector.shape_cast %iota3A : vector<1x1024xi32> to vector<1x1024xi32>
    %broadcast_in_dim3A_352 = vector.broadcast %broadcast_in_dim3A_351 : vector<1x1024xi32> to vector<128x1024xi32>
    %broadcast_in_dim3A_353 = vector.broadcast %jit3A_350 : i32 to vector<128x1024xi32>
    %select_n3A_354 = arith.select %and3A_349, %broadcast_in_dim3A_352, %broadcast_in_dim3A_353 : vector<128x1024xi1>, vector<128x1024xi32>
    %reduce_min3A_355 = arith.constant dense<2147483647> : vector<128xi32>
    %reduce_min3A_356 = vector.multi_reduction <minsi>, %select_n3A_354, %reduce_min3A_355 [1] : vector<128x1024xi32> to vector<128xi32>
    %broadcast_in_dim3A_357 = vector.shape_cast %reduce_min3A_356 : vector<128xi32> to vector<128x1xi32>
    %gt3A_358 = vector.broadcast %iota3A : vector<1x1024xi32> to vector<128x1024xi32>
    %gt3A_359 = vector.broadcast %broadcast_in_dim3A_357 : vector<128x1xi32> to vector<128x1024xi32>
    %gt3A_360 = arith.cmpi sgt, %gt3A_358, %gt3A_359 : vector<128x1024xi32>
    %and3A_361 = arith.andi %not3A_23, %gt3A_360 : vector<128x1024xi1>
    %jit3A_362 = arith.constant 1024 : i32
    %broadcast_in_dim3A_363 = vector.shape_cast %iota3A : vector<1x1024xi32> to vector<1x1024xi32>
    %broadcast_in_dim3A_364 = vector.broadcast %broadcast_in_dim3A_363 : vector<1x1024xi32> to vector<128x1024xi32>
    %broadcast_in_dim3A_365 = vector.broadcast %jit3A_362 : i32 to vector<128x1024xi32>
    %select_n3A_366 = arith.select %and3A_361, %broadcast_in_dim3A_364, %broadcast_in_dim3A_365 : vector<128x1024xi1>, vector<128x1024xi32>
    %reduce_min3A_367 = arith.constant dense<2147483647> : vector<128xi32>
    %reduce_min3A_368 = vector.multi_reduction <minsi>, %select_n3A_366, %reduce_min3A_367 [1] : vector<128x1024xi32> to vector<128xi32>
    %broadcast_in_dim3A_369 = vector.shape_cast %reduce_min3A_368 : vector<128xi32> to vector<128x1xi32>
    %gt3A_370 = vector.broadcast %iota3A : vector<1x1024xi32> to vector<128x1024xi32>
    %gt3A_371 = vector.broadcast %broadcast_in_dim3A_369 : vector<128x1xi32> to vector<128x1024xi32>
    %gt3A_372 = arith.cmpi sgt, %gt3A_370, %gt3A_371 : vector<128x1024xi32>
    %and3A_373 = arith.andi %not3A_23, %gt3A_372 : vector<128x1024xi1>
    %jit3A_374 = arith.constant 1024 : i32
    %broadcast_in_dim3A_375 = vector.shape_cast %iota3A : vector<1x1024xi32> to vector<1x1024xi32>
    %broadcast_in_dim3A_376 = vector.broadcast %broadcast_in_dim3A_375 : vector<1x1024xi32> to vector<128x1024xi32>
    %broadcast_in_dim3A_377 = vector.broadcast %jit3A_374 : i32 to vector<128x1024xi32>
    %select_n3A_378 = arith.select %and3A_373, %broadcast_in_dim3A_376, %broadcast_in_dim3A_377 : vector<128x1024xi1>, vector<128x1024xi32>
    %reduce_min3A_379 = arith.constant dense<2147483647> : vector<128xi32>
    %reduce_min3A_380 = vector.multi_reduction <minsi>, %select_n3A_378, %reduce_min3A_379 [1] : vector<128x1024xi32> to vector<128xi32>
    %broadcast_in_dim3A_381 = vector.shape_cast %reduce_min3A_380 : vector<128xi32> to vector<128x1xi32>
    %gt3A_382 = vector.broadcast %iota3A : vector<1x1024xi32> to vector<128x1024xi32>
    %gt3A_383 = vector.broadcast %broadcast_in_dim3A_381 : vector<128x1xi32> to vector<128x1024xi32>
    %gt3A_384 = arith.cmpi sgt, %gt3A_382, %gt3A_383 : vector<128x1024xi32>
    %and3A_385 = arith.andi %not3A_23, %gt3A_384 : vector<128x1024xi1>
    %jit3A_386 = arith.constant 1024 : i32
    %broadcast_in_dim3A_387 = vector.shape_cast %iota3A : vector<1x1024xi32> to vector<1x1024xi32>
    %broadcast_in_dim3A_388 = vector.broadcast %broadcast_in_dim3A_387 : vector<1x1024xi32> to vector<128x1024xi32>
    %broadcast_in_dim3A_389 = vector.broadcast %jit3A_386 : i32 to vector<128x1024xi32>
    %select_n3A_390 = arith.select %and3A_385, %broadcast_in_dim3A_388, %broadcast_in_dim3A_389 : vector<128x1024xi1>, vector<128x1024xi32>
    %reduce_min3A_391 = arith.constant dense<2147483647> : vector<128xi32>
    %reduce_min3A_392 = vector.multi_reduction <minsi>, %select_n3A_390, %reduce_min3A_391 [1] : vector<128x1024xi32> to vector<128xi32>
    %broadcast_in_dim3A_393 = vector.shape_cast %reduce_min3A_392 : vector<128xi32> to vector<128x1xi32>
    %gt3A_394 = vector.broadcast %iota3A : vector<1x1024xi32> to vector<128x1024xi32>
    %gt3A_395 = vector.broadcast %broadcast_in_dim3A_393 : vector<128x1xi32> to vector<128x1024xi32>
    %gt3A_396 = arith.cmpi sgt, %gt3A_394, %gt3A_395 : vector<128x1024xi32>
    %and3A_397 = arith.andi %not3A_23, %gt3A_396 : vector<128x1024xi1>
    %jit3A_398 = arith.constant 1024 : i32
    %broadcast_in_dim3A_399 = vector.shape_cast %iota3A : vector<1x1024xi32> to vector<1x1024xi32>
    %broadcast_in_dim3A_400 = vector.broadcast %broadcast_in_dim3A_399 : vector<1x1024xi32> to vector<128x1024xi32>
    %broadcast_in_dim3A_401 = vector.broadcast %jit3A_398 : i32 to vector<128x1024xi32>
    %select_n3A_402 = arith.select %and3A_397, %broadcast_in_dim3A_400, %broadcast_in_dim3A_401 : vector<128x1024xi1>, vector<128x1024xi32>
    %reduce_min3A_403 = arith.constant dense<2147483647> : vector<128xi32>
    %reduce_min3A_404 = vector.multi_reduction <minsi>, %select_n3A_402, %reduce_min3A_403 [1] : vector<128x1024xi32> to vector<128xi32>
    %broadcast_in_dim3A_405 = vector.shape_cast %reduce_min3A_404 : vector<128xi32> to vector<128x1xi32>
    %concatenate3A = tpu.concatenate %broadcast_in_dim3A_33, %broadcast_in_dim3A_45, %broadcast_in_dim3A_57, %broadcast_in_dim3A_69, %broadcast_in_dim3A_81, %broadcast_in_dim3A_93, %broadcast_in_dim3A_105, %broadcast_in_dim3A_117, %broadcast_in_dim3A_129, %broadcast_in_dim3A_141, %broadcast_in_dim3A_153, %broadcast_in_dim3A_165, %broadcast_in_dim3A_177, %broadcast_in_dim3A_189, %broadcast_in_dim3A_201, %broadcast_in_dim3A_213, %broadcast_in_dim3A_225, %broadcast_in_dim3A_237, %broadcast_in_dim3A_249, %broadcast_in_dim3A_261, %broadcast_in_dim3A_273, %broadcast_in_dim3A_285, %broadcast_in_dim3A_297, %broadcast_in_dim3A_309, %broadcast_in_dim3A_321, %broadcast_in_dim3A_333, %broadcast_in_dim3A_345, %broadcast_in_dim3A_357, %broadcast_in_dim3A_369, %broadcast_in_dim3A_381, %broadcast_in_dim3A_393, %broadcast_in_dim3A_405 in 1 : vector<128x1xi32>, vector<128x1xi32>, vector<128x1xi32>, vector<128x1xi32>, vector<128x1xi32>, vector<128x1xi32>, vector<128x1xi32>, vector<128x1xi32>, vector<128x1xi32>, vector<128x1xi32>, vector<128x1xi32>, vector<128x1xi32>, vector<128x1xi32>, vector<128x1xi32>, vector<128x1xi32>, vector<128x1xi32>, vector<128x1xi32>, vector<128x1xi32>, vector<128x1xi32>, vector<128x1xi32>, vector<128x1xi32>, vector<128x1xi32>, vector<128x1xi32>, vector<128x1xi32>, vector<128x1xi32>, vector<128x1xi32>, vector<128x1xi32>, vector<128x1xi32>, vector<128x1xi32>, vector<128x1xi32>, vector<128x1xi32>, vector<128x1xi32> -> vector<128x32xi32>
    %slice3A = vector.extract_strided_slice %concatenate3A {offsets = [0, 0], sizes = [128, 1], strides = [1, 1]} : vector<128x32xi32> to vector<128x1xi32>
    %eq3A = arith.constant 1024 : i32
    %eq3A_406 = vector.broadcast %eq3A : i32 to vector<128x32xi32>
    %eq3A_407 = arith.cmpi eq, %concatenate3A, %eq3A_406 : vector<128x32xi32>
    %broadcast_in_dim3A_408 = vector.shape_cast %slice3A : vector<128x1xi32> to vector<128x1xi32>
    %broadcast_in_dim3A_409 = vector.broadcast %broadcast_in_dim3A_408 : vector<128x1xi32> to vector<128x32xi32>
    %select_n3A_410 = arith.select %eq3A_407, %broadcast_in_dim3A_409, %concatenate3A : vector<128x32xi1>, vector<128x32xi32>
    %swap3A = arith.constant 0 : index
    %swap3A_411 = arith.constant 0 : index
    %swap3A_412 = arith.constant 0 : index
    %swap3A_413 = vector.load %arg4[%swap3A, %swap3A_411, %swap3A_412] : memref<1x128x32xi32, #tpu.memory_space<vmem>>, vector<1x128x32xi32>
    %swap3A_414 = vector.shape_cast %swap3A_413 : vector<1x128x32xi32> to vector<128x32xi32>
    %swap3A_415 = vector.shape_cast %select_n3A_410 : vector<128x32xi32> to vector<1x128x32xi32>
    tpu.vector_store %arg4[%swap3A, %swap3A_411, %swap3A_412], %swap3A_415 {strides = array<i32>} : memref<1x128x32xi32, #tpu.memory_space<vmem>>, vector<1x128x32xi32>,
    return
  }
  func.func @transform_0(%arg0: i32, %arg1: i32) -> (i32, i32, i32) {
    %c0_i32 = arith.constant 0 : i32
    %c0_i32_0 = arith.constant 0 : i32
    return %arg0, %arg1, %c0_i32 : i32, i32, i32
  }
  func.func @transform_1(%arg0: i32, %arg1: i32) -> (i32, i32, i32) {
    %c0_i32 = arith.constant 0 : i32
    %c0_i32_0 = arith.constant 0 : i32
    %c0_i32_1 = arith.constant 0 : i32
    return %arg0, %c0_i32, %c0_i32_0 : i32, i32, i32
  }
  func.func @transform_2(%arg0: i32, %arg1: i32) -> (i32, i32, i32) {
    %c0_i32 = arith.constant 0 : i32
    %c0_i32_0 = arith.constant 0 : i32
    return %arg0, %arg1, %c0_i32 : i32, i32, i32
  }
}

module attributes {stable_mosaic.version = 14 : i64} {
  func.func @_fps_kernel(%arg0: i32, %arg1: memref<1x3x256xf32, #tpu.memory_space<vmem>>, %arg2: memref<1x1x64xi32, #tpu.memory_space<vmem>>) attributes {dimension_semantics = [#tpu.dimension_semantics<arbitrary>], iteration_bounds = array<i64: 2>, scalar_prefetch = 0 : i64, scratch_operands = 0 : i64, tpu.core_type = #tpu.core_type<tc>, window_params = [{transform_indices = @transform_0, window_bounds = array<i64: 1, 3, 256>}, {transform_indices = @transform_1, window_bounds = array<i64: 1, 1, 64>}]} {
    %get3A = arith.constant 0 : index
    %get3A_0 = arith.constant 0 : index
    %get3A_1 = arith.constant 0 : index
    %get3A_2 = vector.load %arg1[%get3A, %get3A_0, %get3A_1] : memref<1x3x256xf32, #tpu.memory_space<vmem>>, vector<1x3x256xf32>
    %get3A_3 = vector.shape_cast %get3A_2 : vector<1x3x256xf32> to vector<3x256xf32>
    %slice3A = vector.extract_strided_slice %get3A_3 {offsets = [0, 0], sizes = [1, 256], strides = [1, 1]} : vector<3x256xf32> to vector<1x256xf32>
    %slice3A_4 = vector.extract_strided_slice %get3A_3 {offsets = [1, 0], sizes = [1, 256], strides = [1, 1]} : vector<3x256xf32> to vector<1x256xf32>
    %slice3A_5 = vector.extract_strided_slice %get3A_3 {offsets = [2, 0], sizes = [1, 256], strides = [1, 1]} : vector<3x256xf32> to vector<1x256xf32>
    %iota3A = tpu.iota {dimensions = array<i32: 1>} : vector<1x256xi32>
    %iota3A_6 = tpu.iota {dimensions = array<i32: 1>} : vector<1x64xi32>
    %broadcast_in_dim3A = arith.constant 1.000000e+10 : f32
    %broadcast_in_dim3A_7 = vector.broadcast %broadcast_in_dim3A : f32 to vector<1x256xf32>
    %broadcast_in_dim3A_8 = arith.constant 0 : i32
    %broadcast_in_dim3A_9 = vector.broadcast %broadcast_in_dim3A_8 : i32 to vector<1x64xi32>
    %scan3A = arith.constant 0 : i32
    %scan3A_10 = arith.constant 0 : i32
    %scan3A_11 = arith.constant 64 : i32
    %scan3A_12 = arith.addi %scan3A_10, %scan3A_11 : i32
    %scan3A_13 = arith.constant 1 : i32
    %scan3A_14:3 = scf.for %scan3A_21 = %scan3A_10 to %scan3A_12 step %scan3A_13 iter_args(%scan3A_22 = %broadcast_in_dim3A_7, %scan3A_23 = %scan3A, %scan3A_24 = %broadcast_in_dim3A_9) -> (vector<1x256xf32>, i32, vector<1x64xi32>)  : i32 {
      %eq3A = vector.broadcast %scan3A_21 : i32 to vector<1x64xi32>
      %eq3A_25 = arith.cmpi eq, %iota3A_6, %eq3A : vector<1x64xi32>
      %broadcast_in_dim3A_26 = vector.broadcast %scan3A_23 : i32 to vector<1x64xi32>
      %select_n3A = arith.select %eq3A_25, %broadcast_in_dim3A_26, %scan3A_24 : vector<1x64xi1>, vector<1x64xi32>
      %eq3A_27 = vector.broadcast %scan3A_23 : i32 to vector<1x256xi32>
      %eq3A_28 = arith.cmpi eq, %iota3A, %eq3A_27 : vector<1x256xi32>
      %convert_element_type3A = arith.extui %eq3A_28 : vector<1x256xi1> to vector<1x256xi32>
      %convert_element_type3A_29 = arith.sitofp %convert_element_type3A : vector<1x256xi32> to vector<1x256xf32>
      %mul3A = arith.mulf %slice3A, %convert_element_type3A_29 : vector<1x256xf32>
      %reduce_sum3A = vector.shape_cast %mul3A : vector<1x256xf32> to vector<1x1x256xf32>
      %reduce_sum3A_30 = arith.constant dense<0.000000e+00> : vector<1xf32>
      %reduce_sum3A_31 = vector.multi_reduction <add>, %reduce_sum3A, %reduce_sum3A_30 [1, 2] : vector<1x1x256xf32> to vector<1xf32>
      %reduce_sum3A_32 = vector.shape_cast %reduce_sum3A_31 : vector<1xf32> to vector<1x1x1xf32>
      %reduce_sum3A_33 = vector.extract %reduce_sum3A_32[0, 0, 0] : f32 from vector<1x1x1xf32>
      %mul3A_34 = arith.mulf %slice3A_4, %convert_element_type3A_29 : vector<1x256xf32>
      %reduce_sum3A_35 = vector.shape_cast %mul3A_34 : vector<1x256xf32> to vector<1x1x256xf32>
      %reduce_sum3A_36 = arith.constant dense<0.000000e+00> : vector<1xf32>
      %reduce_sum3A_37 = vector.multi_reduction <add>, %reduce_sum3A_35, %reduce_sum3A_36 [1, 2] : vector<1x1x256xf32> to vector<1xf32>
      %reduce_sum3A_38 = vector.shape_cast %reduce_sum3A_37 : vector<1xf32> to vector<1x1x1xf32>
      %reduce_sum3A_39 = vector.extract %reduce_sum3A_38[0, 0, 0] : f32 from vector<1x1x1xf32>
      %mul3A_40 = arith.mulf %slice3A_5, %convert_element_type3A_29 : vector<1x256xf32>
      %reduce_sum3A_41 = vector.shape_cast %mul3A_40 : vector<1x256xf32> to vector<1x1x256xf32>
      %reduce_sum3A_42 = arith.constant dense<0.000000e+00> : vector<1xf32>
      %reduce_sum3A_43 = vector.multi_reduction <add>, %reduce_sum3A_41, %reduce_sum3A_42 [1, 2] : vector<1x1x256xf32> to vector<1xf32>
      %reduce_sum3A_44 = vector.shape_cast %reduce_sum3A_43 : vector<1xf32> to vector<1x1x1xf32>
      %reduce_sum3A_45 = vector.extract %reduce_sum3A_44[0, 0, 0] : f32 from vector<1x1x1xf32>
      %sub3A = vector.broadcast %reduce_sum3A_33 : f32 to vector<1x256xf32>
      %sub3A_46 = arith.subf %slice3A, %sub3A : vector<1x256xf32>
      %integer_pow3A = arith.mulf %sub3A_46, %sub3A_46 : vector<1x256xf32>
      %sub3A_47 = vector.broadcast %reduce_sum3A_39 : f32 to vector<1x256xf32>
      %sub3A_48 = arith.subf %slice3A_4, %sub3A_47 : vector<1x256xf32>
      %integer_pow3A_49 = arith.mulf %sub3A_48, %sub3A_48 : vector<1x256xf32>
      %add3A = arith.addf %integer_pow3A, %integer_pow3A_49 : vector<1x256xf32>
      %sub3A_50 = vector.broadcast %reduce_sum3A_45 : f32 to vector<1x256xf32>
      %sub3A_51 = arith.subf %slice3A_5, %sub3A_50 : vector<1x256xf32>
      %integer_pow3A_52 = arith.mulf %sub3A_51, %sub3A_51 : vector<1x256xf32>
      %add3A_53 = arith.addf %add3A, %integer_pow3A_52 : vector<1x256xf32>
      %min3A = arith.minimumf %scan3A_22, %add3A_53 : vector<1x256xf32>
      %reduce_max3A = vector.shape_cast %min3A : vector<1x256xf32> to vector<1x1x256xf32>
      %reduce_max3A_54 = arith.constant dense<0xFF800000> : vector<1xf32>
      %reduce_max3A_55 = vector.multi_reduction <maximumf>, %reduce_max3A, %reduce_max3A_54 [1, 2] : vector<1x1x256xf32> to vector<1xf32>
      %reduce_max3A_56 = vector.shape_cast %reduce_max3A_55 : vector<1xf32> to vector<1x1x1xf32>
      %reduce_max3A_57 = vector.extract %reduce_max3A_56[0, 0, 0] : f32 from vector<1x1x1xf32>
      %eq3A_58 = vector.broadcast %reduce_max3A_57 : f32 to vector<1x256xf32>
      %eq3A_59 = arith.cmpf oeq, %min3A, %eq3A_58 : vector<1x256xf32>
      %jit3A = arith.constant 256 : i32
      %broadcast_in_dim3A_60 = vector.broadcast %jit3A : i32 to vector<1x256xi32>
      %select_n3A_61 = arith.select %eq3A_59, %iota3A, %broadcast_in_dim3A_60 : vector<1x256xi1>, vector<1x256xi32>
      %reduce_min3A = vector.shape_cast %select_n3A_61 : vector<1x256xi32> to vector<1x1x256xi32>
      %reduce_min3A_62 = arith.constant dense<2147483647> : vector<1xi32>
      %reduce_min3A_63 = vector.multi_reduction <minsi>, %reduce_min3A, %reduce_min3A_62 [1, 2] : vector<1x1x256xi32> to vector<1xi32>
      %reduce_min3A_64 = vector.shape_cast %reduce_min3A_63 : vector<1xi32> to vector<1x1x1xi32>
      %reduce_min3A_65 = vector.extract %reduce_min3A_64[0, 0, 0] : i32 from vector<1x1x1xi32>
      scf.yield %min3A, %reduce_min3A_65, %select_n3A : vector<1x256xf32>, i32, vector<1x64xi32>
    }
    %scan3A_15 = arith.constant 64 : i32
    %swap3A = arith.constant 0 : index
    %swap3A_16 = arith.constant 0 : index
    %swap3A_17 = arith.constant 0 : index
    %swap3A_18 = vector.load %arg2[%swap3A, %swap3A_16, %swap3A_17] : memref<1x1x64xi32, #tpu.memory_space<vmem>>, vector<1x1x64xi32>
    %swap3A_19 = vector.shape_cast %swap3A_18 : vector<1x1x64xi32> to vector<1x64xi32>
    %swap3A_20 = vector.shape_cast %scan3A_14#2 : vector<1x64xi32> to vector<1x1x64xi32>
    tpu.vector_store %arg2[%swap3A, %swap3A_16, %swap3A_17], %swap3A_20 {strides = array<i32>} : memref<1x1x64xi32, #tpu.memory_space<vmem>>, vector<1x1x64xi32>,
    return
  }
  func.func @transform_0(%arg0: i32) -> (i32, i32, i32) {
    %c0_i32 = arith.constant 0 : i32
    %c0_i32_0 = arith.constant 0 : i32
    %c0_i32_1 = arith.constant 0 : i32
    return %arg0, %c0_i32, %c0_i32_0 : i32, i32, i32
  }
  func.func @transform_1(%arg0: i32) -> (i32, i32, i32) {
    %c0_i32 = arith.constant 0 : i32
    %c0_i32_0 = arith.constant 0 : i32
    %c0_i32_1 = arith.constant 0 : i32
    return %arg0, %c0_i32, %c0_i32_0 : i32, i32, i32
  }
}

module attributes {stable_mosaic.version = 14 : i64} {
  func.func @_ball_kernel(%arg0: i32, %arg1: i32, %arg2: memref<1x64x3xf32, #tpu.memory_space<vmem>>, %arg3: memref<1x3x256xf32, #tpu.memory_space<vmem>>, %arg4: memref<1x64x32xi32, #tpu.memory_space<vmem>>) attributes {dimension_semantics = [#tpu.dimension_semantics<arbitrary>, #tpu.dimension_semantics<arbitrary>], iteration_bounds = array<i64: 2, 1>, scalar_prefetch = 0 : i64, scratch_operands = 0 : i64, tpu.core_type = #tpu.core_type<tc>, window_params = [{transform_indices = @transform_0, window_bounds = array<i64: 1, 64, 3>}, {transform_indices = @transform_1, window_bounds = array<i64: 1, 3, 256>}, {transform_indices = @transform_2, window_bounds = array<i64: 1, 64, 32>}]} {
    %get3A = arith.constant 0 : index
    %get3A_0 = arith.constant 0 : index
    %get3A_1 = arith.constant 0 : index
    %get3A_2 = vector.load %arg2[%get3A, %get3A_0, %get3A_1] : memref<1x64x3xf32, #tpu.memory_space<vmem>>, vector<1x64x3xf32>
    %get3A_3 = vector.shape_cast %get3A_2 : vector<1x64x3xf32> to vector<64x3xf32>
    %get3A_4 = arith.constant 0 : index
    %get3A_5 = arith.constant 0 : index
    %get3A_6 = arith.constant 0 : index
    %get3A_7 = vector.load %arg3[%get3A_4, %get3A_5, %get3A_6] : memref<1x3x256xf32, #tpu.memory_space<vmem>>, vector<1x3x256xf32>
    %get3A_8 = vector.shape_cast %get3A_7 : vector<1x3x256xf32> to vector<3x256xf32>
    %mul3A = arith.mulf %get3A_3, %get3A_3 : vector<64x3xf32>
    %reduce_sum3A = arith.constant dense<0.000000e+00> : vector<64xf32>
    %reduce_sum3A_9 = vector.multi_reduction <add>, %mul3A, %reduce_sum3A [1] : vector<64x3xf32> to vector<64xf32>
    %broadcast_in_dim3A = vector.shape_cast %reduce_sum3A_9 : vector<64xf32> to vector<64x1xf32>
    %mul3A_10 = arith.mulf %get3A_8, %get3A_8 : vector<3x256xf32>
    %reduce_sum3A_11 = arith.constant dense<0.000000e+00> : vector<256xf32>
    %reduce_sum3A_12 = vector.multi_reduction <add>, %mul3A_10, %reduce_sum3A_11 [0] : vector<3x256xf32> to vector<256xf32>
    %broadcast_in_dim3A_13 = vector.shape_cast %reduce_sum3A_12 : vector<256xf32> to vector<1x256xf32>
    %dot_general3A = arith.constant dense<0.000000e+00> : vector<64x256xf32>
    %dot_general3A_14 = tpu.matmul %get3A_3, %get3A_8, %dot_general3A {dimension_numbers = #tpu.dot_dimension_numbers<[1], [0], [0], [1], [0, 0, 1, 1], [], []>, transpose_lhs_hint = false} : vector<64x3xf32>, vector<3x256xf32>, vector<64x256xf32> -> vector<64x256xf32>
    %mul3A_15 = arith.constant -2.000000e+00 : f32
    %mul3A_16 = vector.broadcast %mul3A_15 : f32 to vector<64x256xf32>
    %mul3A_17 = arith.mulf %mul3A_16, %dot_general3A_14 : vector<64x256xf32>
    %add3A = vector.broadcast %broadcast_in_dim3A : vector<64x1xf32> to vector<64x256xf32>
    %add3A_18 = arith.addf %mul3A_17, %add3A : vector<64x256xf32>
    %add3A_19 = vector.broadcast %broadcast_in_dim3A_13 : vector<1x256xf32> to vector<64x256xf32>
    %add3A_20 = arith.addf %add3A_18, %add3A_19 : vector<64x256xf32>
    %gt3A = arith.constant 1.600000e-01 : f32
    %gt3A_21 = vector.broadcast %gt3A : f32 to vector<64x256xf32>
    %gt3A_22 = arith.cmpf ogt, %add3A_20, %gt3A_21 : vector<64x256xf32>
    %not3A = arith.constant dense<true> : vector<64x256xi1>
    %not3A_23 = arith.xori %gt3A_22, %not3A : vector<64x256xi1>
    %iota3A = tpu.iota {dimensions = array<i32: 1>} : vector<1x256xi32>
    %broadcast_in_dim3A_24 = arith.constant -1 : i32
    %broadcast_in_dim3A_25 = vector.broadcast %broadcast_in_dim3A_24 : i32 to vector<64x1xi32>
    %gt3A_26 = vector.broadcast %iota3A : vector<1x256xi32> to vector<64x256xi32>
    %gt3A_27 = vector.broadcast %broadcast_in_dim3A_25 : vector<64x1xi32> to vector<64x256xi32>
    %gt3A_28 = arith.cmpi sgt, %gt3A_26, %gt3A_27 : vector<64x256xi32>
    %and3A = arith.andi %not3A_23, %gt3A_28 : vector<64x256xi1>
    %jit3A = arith.constant 256 : i32
    %broadcast_in_dim3A_29 = vector.shape_cast %iota3A : vector<1x256xi32> to vector<1x256xi32>
    %broadcast_in_dim3A_30 = vector.broadcast %broadcast_in_dim3A_29 : vector<1x256xi32> to vector<64x256xi32>
    %broadcast_in_dim3A_31 = vector.broadcast %jit3A : i32 to vector<64x256xi32>
    %select_n3A = arith.select %and3A, %broadcast_in_dim3A_30, %broadcast_in_dim3A_31 : vector<64x256xi1>, vector<64x256xi32>
    %reduce_min3A = arith.constant dense<2147483647> : vector<64xi32>
    %reduce_min3A_32 = vector.multi_reduction <minsi>, %select_n3A, %reduce_min3A [1] : vector<64x256xi32> to vector<64xi32>
    %broadcast_in_dim3A_33 = vector.shape_cast %reduce_min3A_32 : vector<64xi32> to vector<64x1xi32>
    %gt3A_34 = vector.broadcast %iota3A : vector<1x256xi32> to vector<64x256xi32>
    %gt3A_35 = vector.broadcast %broadcast_in_dim3A_33 : vector<64x1xi32> to vector<64x256xi32>
    %gt3A_36 = arith.cmpi sgt, %gt3A_34, %gt3A_35 : vector<64x256xi32>
    %and3A_37 = arith.andi %not3A_23, %gt3A_36 : vector<64x256xi1>
    %jit3A_38 = arith.constant 256 : i32
    %broadcast_in_dim3A_39 = vector.shape_cast %iota3A : vector<1x256xi32> to vector<1x256xi32>
    %broadcast_in_dim3A_40 = vector.broadcast %broadcast_in_dim3A_39 : vector<1x256xi32> to vector<64x256xi32>
    %broadcast_in_dim3A_41 = vector.broadcast %jit3A_38 : i32 to vector<64x256xi32>
    %select_n3A_42 = arith.select %and3A_37, %broadcast_in_dim3A_40, %broadcast_in_dim3A_41 : vector<64x256xi1>, vector<64x256xi32>
    %reduce_min3A_43 = arith.constant dense<2147483647> : vector<64xi32>
    %reduce_min3A_44 = vector.multi_reduction <minsi>, %select_n3A_42, %reduce_min3A_43 [1] : vector<64x256xi32> to vector<64xi32>
    %broadcast_in_dim3A_45 = vector.shape_cast %reduce_min3A_44 : vector<64xi32> to vector<64x1xi32>
    %gt3A_46 = vector.broadcast %iota3A : vector<1x256xi32> to vector<64x256xi32>
    %gt3A_47 = vector.broadcast %broadcast_in_dim3A_45 : vector<64x1xi32> to vector<64x256xi32>
    %gt3A_48 = arith.cmpi sgt, %gt3A_46, %gt3A_47 : vector<64x256xi32>
    %and3A_49 = arith.andi %not3A_23, %gt3A_48 : vector<64x256xi1>
    %jit3A_50 = arith.constant 256 : i32
    %broadcast_in_dim3A_51 = vector.shape_cast %iota3A : vector<1x256xi32> to vector<1x256xi32>
    %broadcast_in_dim3A_52 = vector.broadcast %broadcast_in_dim3A_51 : vector<1x256xi32> to vector<64x256xi32>
    %broadcast_in_dim3A_53 = vector.broadcast %jit3A_50 : i32 to vector<64x256xi32>
    %select_n3A_54 = arith.select %and3A_49, %broadcast_in_dim3A_52, %broadcast_in_dim3A_53 : vector<64x256xi1>, vector<64x256xi32>
    %reduce_min3A_55 = arith.constant dense<2147483647> : vector<64xi32>
    %reduce_min3A_56 = vector.multi_reduction <minsi>, %select_n3A_54, %reduce_min3A_55 [1] : vector<64x256xi32> to vector<64xi32>
    %broadcast_in_dim3A_57 = vector.shape_cast %reduce_min3A_56 : vector<64xi32> to vector<64x1xi32>
    %gt3A_58 = vector.broadcast %iota3A : vector<1x256xi32> to vector<64x256xi32>
    %gt3A_59 = vector.broadcast %broadcast_in_dim3A_57 : vector<64x1xi32> to vector<64x256xi32>
    %gt3A_60 = arith.cmpi sgt, %gt3A_58, %gt3A_59 : vector<64x256xi32>
    %and3A_61 = arith.andi %not3A_23, %gt3A_60 : vector<64x256xi1>
    %jit3A_62 = arith.constant 256 : i32
    %broadcast_in_dim3A_63 = vector.shape_cast %iota3A : vector<1x256xi32> to vector<1x256xi32>
    %broadcast_in_dim3A_64 = vector.broadcast %broadcast_in_dim3A_63 : vector<1x256xi32> to vector<64x256xi32>
    %broadcast_in_dim3A_65 = vector.broadcast %jit3A_62 : i32 to vector<64x256xi32>
    %select_n3A_66 = arith.select %and3A_61, %broadcast_in_dim3A_64, %broadcast_in_dim3A_65 : vector<64x256xi1>, vector<64x256xi32>
    %reduce_min3A_67 = arith.constant dense<2147483647> : vector<64xi32>
    %reduce_min3A_68 = vector.multi_reduction <minsi>, %select_n3A_66, %reduce_min3A_67 [1] : vector<64x256xi32> to vector<64xi32>
    %broadcast_in_dim3A_69 = vector.shape_cast %reduce_min3A_68 : vector<64xi32> to vector<64x1xi32>
    %gt3A_70 = vector.broadcast %iota3A : vector<1x256xi32> to vector<64x256xi32>
    %gt3A_71 = vector.broadcast %broadcast_in_dim3A_69 : vector<64x1xi32> to vector<64x256xi32>
    %gt3A_72 = arith.cmpi sgt, %gt3A_70, %gt3A_71 : vector<64x256xi32>
    %and3A_73 = arith.andi %not3A_23, %gt3A_72 : vector<64x256xi1>
    %jit3A_74 = arith.constant 256 : i32
    %broadcast_in_dim3A_75 = vector.shape_cast %iota3A : vector<1x256xi32> to vector<1x256xi32>
    %broadcast_in_dim3A_76 = vector.broadcast %broadcast_in_dim3A_75 : vector<1x256xi32> to vector<64x256xi32>
    %broadcast_in_dim3A_77 = vector.broadcast %jit3A_74 : i32 to vector<64x256xi32>
    %select_n3A_78 = arith.select %and3A_73, %broadcast_in_dim3A_76, %broadcast_in_dim3A_77 : vector<64x256xi1>, vector<64x256xi32>
    %reduce_min3A_79 = arith.constant dense<2147483647> : vector<64xi32>
    %reduce_min3A_80 = vector.multi_reduction <minsi>, %select_n3A_78, %reduce_min3A_79 [1] : vector<64x256xi32> to vector<64xi32>
    %broadcast_in_dim3A_81 = vector.shape_cast %reduce_min3A_80 : vector<64xi32> to vector<64x1xi32>
    %gt3A_82 = vector.broadcast %iota3A : vector<1x256xi32> to vector<64x256xi32>
    %gt3A_83 = vector.broadcast %broadcast_in_dim3A_81 : vector<64x1xi32> to vector<64x256xi32>
    %gt3A_84 = arith.cmpi sgt, %gt3A_82, %gt3A_83 : vector<64x256xi32>
    %and3A_85 = arith.andi %not3A_23, %gt3A_84 : vector<64x256xi1>
    %jit3A_86 = arith.constant 256 : i32
    %broadcast_in_dim3A_87 = vector.shape_cast %iota3A : vector<1x256xi32> to vector<1x256xi32>
    %broadcast_in_dim3A_88 = vector.broadcast %broadcast_in_dim3A_87 : vector<1x256xi32> to vector<64x256xi32>
    %broadcast_in_dim3A_89 = vector.broadcast %jit3A_86 : i32 to vector<64x256xi32>
    %select_n3A_90 = arith.select %and3A_85, %broadcast_in_dim3A_88, %broadcast_in_dim3A_89 : vector<64x256xi1>, vector<64x256xi32>
    %reduce_min3A_91 = arith.constant dense<2147483647> : vector<64xi32>
    %reduce_min3A_92 = vector.multi_reduction <minsi>, %select_n3A_90, %reduce_min3A_91 [1] : vector<64x256xi32> to vector<64xi32>
    %broadcast_in_dim3A_93 = vector.shape_cast %reduce_min3A_92 : vector<64xi32> to vector<64x1xi32>
    %gt3A_94 = vector.broadcast %iota3A : vector<1x256xi32> to vector<64x256xi32>
    %gt3A_95 = vector.broadcast %broadcast_in_dim3A_93 : vector<64x1xi32> to vector<64x256xi32>
    %gt3A_96 = arith.cmpi sgt, %gt3A_94, %gt3A_95 : vector<64x256xi32>
    %and3A_97 = arith.andi %not3A_23, %gt3A_96 : vector<64x256xi1>
    %jit3A_98 = arith.constant 256 : i32
    %broadcast_in_dim3A_99 = vector.shape_cast %iota3A : vector<1x256xi32> to vector<1x256xi32>
    %broadcast_in_dim3A_100 = vector.broadcast %broadcast_in_dim3A_99 : vector<1x256xi32> to vector<64x256xi32>
    %broadcast_in_dim3A_101 = vector.broadcast %jit3A_98 : i32 to vector<64x256xi32>
    %select_n3A_102 = arith.select %and3A_97, %broadcast_in_dim3A_100, %broadcast_in_dim3A_101 : vector<64x256xi1>, vector<64x256xi32>
    %reduce_min3A_103 = arith.constant dense<2147483647> : vector<64xi32>
    %reduce_min3A_104 = vector.multi_reduction <minsi>, %select_n3A_102, %reduce_min3A_103 [1] : vector<64x256xi32> to vector<64xi32>
    %broadcast_in_dim3A_105 = vector.shape_cast %reduce_min3A_104 : vector<64xi32> to vector<64x1xi32>
    %gt3A_106 = vector.broadcast %iota3A : vector<1x256xi32> to vector<64x256xi32>
    %gt3A_107 = vector.broadcast %broadcast_in_dim3A_105 : vector<64x1xi32> to vector<64x256xi32>
    %gt3A_108 = arith.cmpi sgt, %gt3A_106, %gt3A_107 : vector<64x256xi32>
    %and3A_109 = arith.andi %not3A_23, %gt3A_108 : vector<64x256xi1>
    %jit3A_110 = arith.constant 256 : i32
    %broadcast_in_dim3A_111 = vector.shape_cast %iota3A : vector<1x256xi32> to vector<1x256xi32>
    %broadcast_in_dim3A_112 = vector.broadcast %broadcast_in_dim3A_111 : vector<1x256xi32> to vector<64x256xi32>
    %broadcast_in_dim3A_113 = vector.broadcast %jit3A_110 : i32 to vector<64x256xi32>
    %select_n3A_114 = arith.select %and3A_109, %broadcast_in_dim3A_112, %broadcast_in_dim3A_113 : vector<64x256xi1>, vector<64x256xi32>
    %reduce_min3A_115 = arith.constant dense<2147483647> : vector<64xi32>
    %reduce_min3A_116 = vector.multi_reduction <minsi>, %select_n3A_114, %reduce_min3A_115 [1] : vector<64x256xi32> to vector<64xi32>
    %broadcast_in_dim3A_117 = vector.shape_cast %reduce_min3A_116 : vector<64xi32> to vector<64x1xi32>
    %gt3A_118 = vector.broadcast %iota3A : vector<1x256xi32> to vector<64x256xi32>
    %gt3A_119 = vector.broadcast %broadcast_in_dim3A_117 : vector<64x1xi32> to vector<64x256xi32>
    %gt3A_120 = arith.cmpi sgt, %gt3A_118, %gt3A_119 : vector<64x256xi32>
    %and3A_121 = arith.andi %not3A_23, %gt3A_120 : vector<64x256xi1>
    %jit3A_122 = arith.constant 256 : i32
    %broadcast_in_dim3A_123 = vector.shape_cast %iota3A : vector<1x256xi32> to vector<1x256xi32>
    %broadcast_in_dim3A_124 = vector.broadcast %broadcast_in_dim3A_123 : vector<1x256xi32> to vector<64x256xi32>
    %broadcast_in_dim3A_125 = vector.broadcast %jit3A_122 : i32 to vector<64x256xi32>
    %select_n3A_126 = arith.select %and3A_121, %broadcast_in_dim3A_124, %broadcast_in_dim3A_125 : vector<64x256xi1>, vector<64x256xi32>
    %reduce_min3A_127 = arith.constant dense<2147483647> : vector<64xi32>
    %reduce_min3A_128 = vector.multi_reduction <minsi>, %select_n3A_126, %reduce_min3A_127 [1] : vector<64x256xi32> to vector<64xi32>
    %broadcast_in_dim3A_129 = vector.shape_cast %reduce_min3A_128 : vector<64xi32> to vector<64x1xi32>
    %gt3A_130 = vector.broadcast %iota3A : vector<1x256xi32> to vector<64x256xi32>
    %gt3A_131 = vector.broadcast %broadcast_in_dim3A_129 : vector<64x1xi32> to vector<64x256xi32>
    %gt3A_132 = arith.cmpi sgt, %gt3A_130, %gt3A_131 : vector<64x256xi32>
    %and3A_133 = arith.andi %not3A_23, %gt3A_132 : vector<64x256xi1>
    %jit3A_134 = arith.constant 256 : i32
    %broadcast_in_dim3A_135 = vector.shape_cast %iota3A : vector<1x256xi32> to vector<1x256xi32>
    %broadcast_in_dim3A_136 = vector.broadcast %broadcast_in_dim3A_135 : vector<1x256xi32> to vector<64x256xi32>
    %broadcast_in_dim3A_137 = vector.broadcast %jit3A_134 : i32 to vector<64x256xi32>
    %select_n3A_138 = arith.select %and3A_133, %broadcast_in_dim3A_136, %broadcast_in_dim3A_137 : vector<64x256xi1>, vector<64x256xi32>
    %reduce_min3A_139 = arith.constant dense<2147483647> : vector<64xi32>
    %reduce_min3A_140 = vector.multi_reduction <minsi>, %select_n3A_138, %reduce_min3A_139 [1] : vector<64x256xi32> to vector<64xi32>
    %broadcast_in_dim3A_141 = vector.shape_cast %reduce_min3A_140 : vector<64xi32> to vector<64x1xi32>
    %gt3A_142 = vector.broadcast %iota3A : vector<1x256xi32> to vector<64x256xi32>
    %gt3A_143 = vector.broadcast %broadcast_in_dim3A_141 : vector<64x1xi32> to vector<64x256xi32>
    %gt3A_144 = arith.cmpi sgt, %gt3A_142, %gt3A_143 : vector<64x256xi32>
    %and3A_145 = arith.andi %not3A_23, %gt3A_144 : vector<64x256xi1>
    %jit3A_146 = arith.constant 256 : i32
    %broadcast_in_dim3A_147 = vector.shape_cast %iota3A : vector<1x256xi32> to vector<1x256xi32>
    %broadcast_in_dim3A_148 = vector.broadcast %broadcast_in_dim3A_147 : vector<1x256xi32> to vector<64x256xi32>
    %broadcast_in_dim3A_149 = vector.broadcast %jit3A_146 : i32 to vector<64x256xi32>
    %select_n3A_150 = arith.select %and3A_145, %broadcast_in_dim3A_148, %broadcast_in_dim3A_149 : vector<64x256xi1>, vector<64x256xi32>
    %reduce_min3A_151 = arith.constant dense<2147483647> : vector<64xi32>
    %reduce_min3A_152 = vector.multi_reduction <minsi>, %select_n3A_150, %reduce_min3A_151 [1] : vector<64x256xi32> to vector<64xi32>
    %broadcast_in_dim3A_153 = vector.shape_cast %reduce_min3A_152 : vector<64xi32> to vector<64x1xi32>
    %gt3A_154 = vector.broadcast %iota3A : vector<1x256xi32> to vector<64x256xi32>
    %gt3A_155 = vector.broadcast %broadcast_in_dim3A_153 : vector<64x1xi32> to vector<64x256xi32>
    %gt3A_156 = arith.cmpi sgt, %gt3A_154, %gt3A_155 : vector<64x256xi32>
    %and3A_157 = arith.andi %not3A_23, %gt3A_156 : vector<64x256xi1>
    %jit3A_158 = arith.constant 256 : i32
    %broadcast_in_dim3A_159 = vector.shape_cast %iota3A : vector<1x256xi32> to vector<1x256xi32>
    %broadcast_in_dim3A_160 = vector.broadcast %broadcast_in_dim3A_159 : vector<1x256xi32> to vector<64x256xi32>
    %broadcast_in_dim3A_161 = vector.broadcast %jit3A_158 : i32 to vector<64x256xi32>
    %select_n3A_162 = arith.select %and3A_157, %broadcast_in_dim3A_160, %broadcast_in_dim3A_161 : vector<64x256xi1>, vector<64x256xi32>
    %reduce_min3A_163 = arith.constant dense<2147483647> : vector<64xi32>
    %reduce_min3A_164 = vector.multi_reduction <minsi>, %select_n3A_162, %reduce_min3A_163 [1] : vector<64x256xi32> to vector<64xi32>
    %broadcast_in_dim3A_165 = vector.shape_cast %reduce_min3A_164 : vector<64xi32> to vector<64x1xi32>
    %gt3A_166 = vector.broadcast %iota3A : vector<1x256xi32> to vector<64x256xi32>
    %gt3A_167 = vector.broadcast %broadcast_in_dim3A_165 : vector<64x1xi32> to vector<64x256xi32>
    %gt3A_168 = arith.cmpi sgt, %gt3A_166, %gt3A_167 : vector<64x256xi32>
    %and3A_169 = arith.andi %not3A_23, %gt3A_168 : vector<64x256xi1>
    %jit3A_170 = arith.constant 256 : i32
    %broadcast_in_dim3A_171 = vector.shape_cast %iota3A : vector<1x256xi32> to vector<1x256xi32>
    %broadcast_in_dim3A_172 = vector.broadcast %broadcast_in_dim3A_171 : vector<1x256xi32> to vector<64x256xi32>
    %broadcast_in_dim3A_173 = vector.broadcast %jit3A_170 : i32 to vector<64x256xi32>
    %select_n3A_174 = arith.select %and3A_169, %broadcast_in_dim3A_172, %broadcast_in_dim3A_173 : vector<64x256xi1>, vector<64x256xi32>
    %reduce_min3A_175 = arith.constant dense<2147483647> : vector<64xi32>
    %reduce_min3A_176 = vector.multi_reduction <minsi>, %select_n3A_174, %reduce_min3A_175 [1] : vector<64x256xi32> to vector<64xi32>
    %broadcast_in_dim3A_177 = vector.shape_cast %reduce_min3A_176 : vector<64xi32> to vector<64x1xi32>
    %gt3A_178 = vector.broadcast %iota3A : vector<1x256xi32> to vector<64x256xi32>
    %gt3A_179 = vector.broadcast %broadcast_in_dim3A_177 : vector<64x1xi32> to vector<64x256xi32>
    %gt3A_180 = arith.cmpi sgt, %gt3A_178, %gt3A_179 : vector<64x256xi32>
    %and3A_181 = arith.andi %not3A_23, %gt3A_180 : vector<64x256xi1>
    %jit3A_182 = arith.constant 256 : i32
    %broadcast_in_dim3A_183 = vector.shape_cast %iota3A : vector<1x256xi32> to vector<1x256xi32>
    %broadcast_in_dim3A_184 = vector.broadcast %broadcast_in_dim3A_183 : vector<1x256xi32> to vector<64x256xi32>
    %broadcast_in_dim3A_185 = vector.broadcast %jit3A_182 : i32 to vector<64x256xi32>
    %select_n3A_186 = arith.select %and3A_181, %broadcast_in_dim3A_184, %broadcast_in_dim3A_185 : vector<64x256xi1>, vector<64x256xi32>
    %reduce_min3A_187 = arith.constant dense<2147483647> : vector<64xi32>
    %reduce_min3A_188 = vector.multi_reduction <minsi>, %select_n3A_186, %reduce_min3A_187 [1] : vector<64x256xi32> to vector<64xi32>
    %broadcast_in_dim3A_189 = vector.shape_cast %reduce_min3A_188 : vector<64xi32> to vector<64x1xi32>
    %gt3A_190 = vector.broadcast %iota3A : vector<1x256xi32> to vector<64x256xi32>
    %gt3A_191 = vector.broadcast %broadcast_in_dim3A_189 : vector<64x1xi32> to vector<64x256xi32>
    %gt3A_192 = arith.cmpi sgt, %gt3A_190, %gt3A_191 : vector<64x256xi32>
    %and3A_193 = arith.andi %not3A_23, %gt3A_192 : vector<64x256xi1>
    %jit3A_194 = arith.constant 256 : i32
    %broadcast_in_dim3A_195 = vector.shape_cast %iota3A : vector<1x256xi32> to vector<1x256xi32>
    %broadcast_in_dim3A_196 = vector.broadcast %broadcast_in_dim3A_195 : vector<1x256xi32> to vector<64x256xi32>
    %broadcast_in_dim3A_197 = vector.broadcast %jit3A_194 : i32 to vector<64x256xi32>
    %select_n3A_198 = arith.select %and3A_193, %broadcast_in_dim3A_196, %broadcast_in_dim3A_197 : vector<64x256xi1>, vector<64x256xi32>
    %reduce_min3A_199 = arith.constant dense<2147483647> : vector<64xi32>
    %reduce_min3A_200 = vector.multi_reduction <minsi>, %select_n3A_198, %reduce_min3A_199 [1] : vector<64x256xi32> to vector<64xi32>
    %broadcast_in_dim3A_201 = vector.shape_cast %reduce_min3A_200 : vector<64xi32> to vector<64x1xi32>
    %gt3A_202 = vector.broadcast %iota3A : vector<1x256xi32> to vector<64x256xi32>
    %gt3A_203 = vector.broadcast %broadcast_in_dim3A_201 : vector<64x1xi32> to vector<64x256xi32>
    %gt3A_204 = arith.cmpi sgt, %gt3A_202, %gt3A_203 : vector<64x256xi32>
    %and3A_205 = arith.andi %not3A_23, %gt3A_204 : vector<64x256xi1>
    %jit3A_206 = arith.constant 256 : i32
    %broadcast_in_dim3A_207 = vector.shape_cast %iota3A : vector<1x256xi32> to vector<1x256xi32>
    %broadcast_in_dim3A_208 = vector.broadcast %broadcast_in_dim3A_207 : vector<1x256xi32> to vector<64x256xi32>
    %broadcast_in_dim3A_209 = vector.broadcast %jit3A_206 : i32 to vector<64x256xi32>
    %select_n3A_210 = arith.select %and3A_205, %broadcast_in_dim3A_208, %broadcast_in_dim3A_209 : vector<64x256xi1>, vector<64x256xi32>
    %reduce_min3A_211 = arith.constant dense<2147483647> : vector<64xi32>
    %reduce_min3A_212 = vector.multi_reduction <minsi>, %select_n3A_210, %reduce_min3A_211 [1] : vector<64x256xi32> to vector<64xi32>
    %broadcast_in_dim3A_213 = vector.shape_cast %reduce_min3A_212 : vector<64xi32> to vector<64x1xi32>
    %gt3A_214 = vector.broadcast %iota3A : vector<1x256xi32> to vector<64x256xi32>
    %gt3A_215 = vector.broadcast %broadcast_in_dim3A_213 : vector<64x1xi32> to vector<64x256xi32>
    %gt3A_216 = arith.cmpi sgt, %gt3A_214, %gt3A_215 : vector<64x256xi32>
    %and3A_217 = arith.andi %not3A_23, %gt3A_216 : vector<64x256xi1>
    %jit3A_218 = arith.constant 256 : i32
    %broadcast_in_dim3A_219 = vector.shape_cast %iota3A : vector<1x256xi32> to vector<1x256xi32>
    %broadcast_in_dim3A_220 = vector.broadcast %broadcast_in_dim3A_219 : vector<1x256xi32> to vector<64x256xi32>
    %broadcast_in_dim3A_221 = vector.broadcast %jit3A_218 : i32 to vector<64x256xi32>
    %select_n3A_222 = arith.select %and3A_217, %broadcast_in_dim3A_220, %broadcast_in_dim3A_221 : vector<64x256xi1>, vector<64x256xi32>
    %reduce_min3A_223 = arith.constant dense<2147483647> : vector<64xi32>
    %reduce_min3A_224 = vector.multi_reduction <minsi>, %select_n3A_222, %reduce_min3A_223 [1] : vector<64x256xi32> to vector<64xi32>
    %broadcast_in_dim3A_225 = vector.shape_cast %reduce_min3A_224 : vector<64xi32> to vector<64x1xi32>
    %gt3A_226 = vector.broadcast %iota3A : vector<1x256xi32> to vector<64x256xi32>
    %gt3A_227 = vector.broadcast %broadcast_in_dim3A_225 : vector<64x1xi32> to vector<64x256xi32>
    %gt3A_228 = arith.cmpi sgt, %gt3A_226, %gt3A_227 : vector<64x256xi32>
    %and3A_229 = arith.andi %not3A_23, %gt3A_228 : vector<64x256xi1>
    %jit3A_230 = arith.constant 256 : i32
    %broadcast_in_dim3A_231 = vector.shape_cast %iota3A : vector<1x256xi32> to vector<1x256xi32>
    %broadcast_in_dim3A_232 = vector.broadcast %broadcast_in_dim3A_231 : vector<1x256xi32> to vector<64x256xi32>
    %broadcast_in_dim3A_233 = vector.broadcast %jit3A_230 : i32 to vector<64x256xi32>
    %select_n3A_234 = arith.select %and3A_229, %broadcast_in_dim3A_232, %broadcast_in_dim3A_233 : vector<64x256xi1>, vector<64x256xi32>
    %reduce_min3A_235 = arith.constant dense<2147483647> : vector<64xi32>
    %reduce_min3A_236 = vector.multi_reduction <minsi>, %select_n3A_234, %reduce_min3A_235 [1] : vector<64x256xi32> to vector<64xi32>
    %broadcast_in_dim3A_237 = vector.shape_cast %reduce_min3A_236 : vector<64xi32> to vector<64x1xi32>
    %gt3A_238 = vector.broadcast %iota3A : vector<1x256xi32> to vector<64x256xi32>
    %gt3A_239 = vector.broadcast %broadcast_in_dim3A_237 : vector<64x1xi32> to vector<64x256xi32>
    %gt3A_240 = arith.cmpi sgt, %gt3A_238, %gt3A_239 : vector<64x256xi32>
    %and3A_241 = arith.andi %not3A_23, %gt3A_240 : vector<64x256xi1>
    %jit3A_242 = arith.constant 256 : i32
    %broadcast_in_dim3A_243 = vector.shape_cast %iota3A : vector<1x256xi32> to vector<1x256xi32>
    %broadcast_in_dim3A_244 = vector.broadcast %broadcast_in_dim3A_243 : vector<1x256xi32> to vector<64x256xi32>
    %broadcast_in_dim3A_245 = vector.broadcast %jit3A_242 : i32 to vector<64x256xi32>
    %select_n3A_246 = arith.select %and3A_241, %broadcast_in_dim3A_244, %broadcast_in_dim3A_245 : vector<64x256xi1>, vector<64x256xi32>
    %reduce_min3A_247 = arith.constant dense<2147483647> : vector<64xi32>
    %reduce_min3A_248 = vector.multi_reduction <minsi>, %select_n3A_246, %reduce_min3A_247 [1] : vector<64x256xi32> to vector<64xi32>
    %broadcast_in_dim3A_249 = vector.shape_cast %reduce_min3A_248 : vector<64xi32> to vector<64x1xi32>
    %gt3A_250 = vector.broadcast %iota3A : vector<1x256xi32> to vector<64x256xi32>
    %gt3A_251 = vector.broadcast %broadcast_in_dim3A_249 : vector<64x1xi32> to vector<64x256xi32>
    %gt3A_252 = arith.cmpi sgt, %gt3A_250, %gt3A_251 : vector<64x256xi32>
    %and3A_253 = arith.andi %not3A_23, %gt3A_252 : vector<64x256xi1>
    %jit3A_254 = arith.constant 256 : i32
    %broadcast_in_dim3A_255 = vector.shape_cast %iota3A : vector<1x256xi32> to vector<1x256xi32>
    %broadcast_in_dim3A_256 = vector.broadcast %broadcast_in_dim3A_255 : vector<1x256xi32> to vector<64x256xi32>
    %broadcast_in_dim3A_257 = vector.broadcast %jit3A_254 : i32 to vector<64x256xi32>
    %select_n3A_258 = arith.select %and3A_253, %broadcast_in_dim3A_256, %broadcast_in_dim3A_257 : vector<64x256xi1>, vector<64x256xi32>
    %reduce_min3A_259 = arith.constant dense<2147483647> : vector<64xi32>
    %reduce_min3A_260 = vector.multi_reduction <minsi>, %select_n3A_258, %reduce_min3A_259 [1] : vector<64x256xi32> to vector<64xi32>
    %broadcast_in_dim3A_261 = vector.shape_cast %reduce_min3A_260 : vector<64xi32> to vector<64x1xi32>
    %gt3A_262 = vector.broadcast %iota3A : vector<1x256xi32> to vector<64x256xi32>
    %gt3A_263 = vector.broadcast %broadcast_in_dim3A_261 : vector<64x1xi32> to vector<64x256xi32>
    %gt3A_264 = arith.cmpi sgt, %gt3A_262, %gt3A_263 : vector<64x256xi32>
    %and3A_265 = arith.andi %not3A_23, %gt3A_264 : vector<64x256xi1>
    %jit3A_266 = arith.constant 256 : i32
    %broadcast_in_dim3A_267 = vector.shape_cast %iota3A : vector<1x256xi32> to vector<1x256xi32>
    %broadcast_in_dim3A_268 = vector.broadcast %broadcast_in_dim3A_267 : vector<1x256xi32> to vector<64x256xi32>
    %broadcast_in_dim3A_269 = vector.broadcast %jit3A_266 : i32 to vector<64x256xi32>
    %select_n3A_270 = arith.select %and3A_265, %broadcast_in_dim3A_268, %broadcast_in_dim3A_269 : vector<64x256xi1>, vector<64x256xi32>
    %reduce_min3A_271 = arith.constant dense<2147483647> : vector<64xi32>
    %reduce_min3A_272 = vector.multi_reduction <minsi>, %select_n3A_270, %reduce_min3A_271 [1] : vector<64x256xi32> to vector<64xi32>
    %broadcast_in_dim3A_273 = vector.shape_cast %reduce_min3A_272 : vector<64xi32> to vector<64x1xi32>
    %gt3A_274 = vector.broadcast %iota3A : vector<1x256xi32> to vector<64x256xi32>
    %gt3A_275 = vector.broadcast %broadcast_in_dim3A_273 : vector<64x1xi32> to vector<64x256xi32>
    %gt3A_276 = arith.cmpi sgt, %gt3A_274, %gt3A_275 : vector<64x256xi32>
    %and3A_277 = arith.andi %not3A_23, %gt3A_276 : vector<64x256xi1>
    %jit3A_278 = arith.constant 256 : i32
    %broadcast_in_dim3A_279 = vector.shape_cast %iota3A : vector<1x256xi32> to vector<1x256xi32>
    %broadcast_in_dim3A_280 = vector.broadcast %broadcast_in_dim3A_279 : vector<1x256xi32> to vector<64x256xi32>
    %broadcast_in_dim3A_281 = vector.broadcast %jit3A_278 : i32 to vector<64x256xi32>
    %select_n3A_282 = arith.select %and3A_277, %broadcast_in_dim3A_280, %broadcast_in_dim3A_281 : vector<64x256xi1>, vector<64x256xi32>
    %reduce_min3A_283 = arith.constant dense<2147483647> : vector<64xi32>
    %reduce_min3A_284 = vector.multi_reduction <minsi>, %select_n3A_282, %reduce_min3A_283 [1] : vector<64x256xi32> to vector<64xi32>
    %broadcast_in_dim3A_285 = vector.shape_cast %reduce_min3A_284 : vector<64xi32> to vector<64x1xi32>
    %gt3A_286 = vector.broadcast %iota3A : vector<1x256xi32> to vector<64x256xi32>
    %gt3A_287 = vector.broadcast %broadcast_in_dim3A_285 : vector<64x1xi32> to vector<64x256xi32>
    %gt3A_288 = arith.cmpi sgt, %gt3A_286, %gt3A_287 : vector<64x256xi32>
    %and3A_289 = arith.andi %not3A_23, %gt3A_288 : vector<64x256xi1>
    %jit3A_290 = arith.constant 256 : i32
    %broadcast_in_dim3A_291 = vector.shape_cast %iota3A : vector<1x256xi32> to vector<1x256xi32>
    %broadcast_in_dim3A_292 = vector.broadcast %broadcast_in_dim3A_291 : vector<1x256xi32> to vector<64x256xi32>
    %broadcast_in_dim3A_293 = vector.broadcast %jit3A_290 : i32 to vector<64x256xi32>
    %select_n3A_294 = arith.select %and3A_289, %broadcast_in_dim3A_292, %broadcast_in_dim3A_293 : vector<64x256xi1>, vector<64x256xi32>
    %reduce_min3A_295 = arith.constant dense<2147483647> : vector<64xi32>
    %reduce_min3A_296 = vector.multi_reduction <minsi>, %select_n3A_294, %reduce_min3A_295 [1] : vector<64x256xi32> to vector<64xi32>
    %broadcast_in_dim3A_297 = vector.shape_cast %reduce_min3A_296 : vector<64xi32> to vector<64x1xi32>
    %gt3A_298 = vector.broadcast %iota3A : vector<1x256xi32> to vector<64x256xi32>
    %gt3A_299 = vector.broadcast %broadcast_in_dim3A_297 : vector<64x1xi32> to vector<64x256xi32>
    %gt3A_300 = arith.cmpi sgt, %gt3A_298, %gt3A_299 : vector<64x256xi32>
    %and3A_301 = arith.andi %not3A_23, %gt3A_300 : vector<64x256xi1>
    %jit3A_302 = arith.constant 256 : i32
    %broadcast_in_dim3A_303 = vector.shape_cast %iota3A : vector<1x256xi32> to vector<1x256xi32>
    %broadcast_in_dim3A_304 = vector.broadcast %broadcast_in_dim3A_303 : vector<1x256xi32> to vector<64x256xi32>
    %broadcast_in_dim3A_305 = vector.broadcast %jit3A_302 : i32 to vector<64x256xi32>
    %select_n3A_306 = arith.select %and3A_301, %broadcast_in_dim3A_304, %broadcast_in_dim3A_305 : vector<64x256xi1>, vector<64x256xi32>
    %reduce_min3A_307 = arith.constant dense<2147483647> : vector<64xi32>
    %reduce_min3A_308 = vector.multi_reduction <minsi>, %select_n3A_306, %reduce_min3A_307 [1] : vector<64x256xi32> to vector<64xi32>
    %broadcast_in_dim3A_309 = vector.shape_cast %reduce_min3A_308 : vector<64xi32> to vector<64x1xi32>
    %gt3A_310 = vector.broadcast %iota3A : vector<1x256xi32> to vector<64x256xi32>
    %gt3A_311 = vector.broadcast %broadcast_in_dim3A_309 : vector<64x1xi32> to vector<64x256xi32>
    %gt3A_312 = arith.cmpi sgt, %gt3A_310, %gt3A_311 : vector<64x256xi32>
    %and3A_313 = arith.andi %not3A_23, %gt3A_312 : vector<64x256xi1>
    %jit3A_314 = arith.constant 256 : i32
    %broadcast_in_dim3A_315 = vector.shape_cast %iota3A : vector<1x256xi32> to vector<1x256xi32>
    %broadcast_in_dim3A_316 = vector.broadcast %broadcast_in_dim3A_315 : vector<1x256xi32> to vector<64x256xi32>
    %broadcast_in_dim3A_317 = vector.broadcast %jit3A_314 : i32 to vector<64x256xi32>
    %select_n3A_318 = arith.select %and3A_313, %broadcast_in_dim3A_316, %broadcast_in_dim3A_317 : vector<64x256xi1>, vector<64x256xi32>
    %reduce_min3A_319 = arith.constant dense<2147483647> : vector<64xi32>
    %reduce_min3A_320 = vector.multi_reduction <minsi>, %select_n3A_318, %reduce_min3A_319 [1] : vector<64x256xi32> to vector<64xi32>
    %broadcast_in_dim3A_321 = vector.shape_cast %reduce_min3A_320 : vector<64xi32> to vector<64x1xi32>
    %gt3A_322 = vector.broadcast %iota3A : vector<1x256xi32> to vector<64x256xi32>
    %gt3A_323 = vector.broadcast %broadcast_in_dim3A_321 : vector<64x1xi32> to vector<64x256xi32>
    %gt3A_324 = arith.cmpi sgt, %gt3A_322, %gt3A_323 : vector<64x256xi32>
    %and3A_325 = arith.andi %not3A_23, %gt3A_324 : vector<64x256xi1>
    %jit3A_326 = arith.constant 256 : i32
    %broadcast_in_dim3A_327 = vector.shape_cast %iota3A : vector<1x256xi32> to vector<1x256xi32>
    %broadcast_in_dim3A_328 = vector.broadcast %broadcast_in_dim3A_327 : vector<1x256xi32> to vector<64x256xi32>
    %broadcast_in_dim3A_329 = vector.broadcast %jit3A_326 : i32 to vector<64x256xi32>
    %select_n3A_330 = arith.select %and3A_325, %broadcast_in_dim3A_328, %broadcast_in_dim3A_329 : vector<64x256xi1>, vector<64x256xi32>
    %reduce_min3A_331 = arith.constant dense<2147483647> : vector<64xi32>
    %reduce_min3A_332 = vector.multi_reduction <minsi>, %select_n3A_330, %reduce_min3A_331 [1] : vector<64x256xi32> to vector<64xi32>
    %broadcast_in_dim3A_333 = vector.shape_cast %reduce_min3A_332 : vector<64xi32> to vector<64x1xi32>
    %gt3A_334 = vector.broadcast %iota3A : vector<1x256xi32> to vector<64x256xi32>
    %gt3A_335 = vector.broadcast %broadcast_in_dim3A_333 : vector<64x1xi32> to vector<64x256xi32>
    %gt3A_336 = arith.cmpi sgt, %gt3A_334, %gt3A_335 : vector<64x256xi32>
    %and3A_337 = arith.andi %not3A_23, %gt3A_336 : vector<64x256xi1>
    %jit3A_338 = arith.constant 256 : i32
    %broadcast_in_dim3A_339 = vector.shape_cast %iota3A : vector<1x256xi32> to vector<1x256xi32>
    %broadcast_in_dim3A_340 = vector.broadcast %broadcast_in_dim3A_339 : vector<1x256xi32> to vector<64x256xi32>
    %broadcast_in_dim3A_341 = vector.broadcast %jit3A_338 : i32 to vector<64x256xi32>
    %select_n3A_342 = arith.select %and3A_337, %broadcast_in_dim3A_340, %broadcast_in_dim3A_341 : vector<64x256xi1>, vector<64x256xi32>
    %reduce_min3A_343 = arith.constant dense<2147483647> : vector<64xi32>
    %reduce_min3A_344 = vector.multi_reduction <minsi>, %select_n3A_342, %reduce_min3A_343 [1] : vector<64x256xi32> to vector<64xi32>
    %broadcast_in_dim3A_345 = vector.shape_cast %reduce_min3A_344 : vector<64xi32> to vector<64x1xi32>
    %gt3A_346 = vector.broadcast %iota3A : vector<1x256xi32> to vector<64x256xi32>
    %gt3A_347 = vector.broadcast %broadcast_in_dim3A_345 : vector<64x1xi32> to vector<64x256xi32>
    %gt3A_348 = arith.cmpi sgt, %gt3A_346, %gt3A_347 : vector<64x256xi32>
    %and3A_349 = arith.andi %not3A_23, %gt3A_348 : vector<64x256xi1>
    %jit3A_350 = arith.constant 256 : i32
    %broadcast_in_dim3A_351 = vector.shape_cast %iota3A : vector<1x256xi32> to vector<1x256xi32>
    %broadcast_in_dim3A_352 = vector.broadcast %broadcast_in_dim3A_351 : vector<1x256xi32> to vector<64x256xi32>
    %broadcast_in_dim3A_353 = vector.broadcast %jit3A_350 : i32 to vector<64x256xi32>
    %select_n3A_354 = arith.select %and3A_349, %broadcast_in_dim3A_352, %broadcast_in_dim3A_353 : vector<64x256xi1>, vector<64x256xi32>
    %reduce_min3A_355 = arith.constant dense<2147483647> : vector<64xi32>
    %reduce_min3A_356 = vector.multi_reduction <minsi>, %select_n3A_354, %reduce_min3A_355 [1] : vector<64x256xi32> to vector<64xi32>
    %broadcast_in_dim3A_357 = vector.shape_cast %reduce_min3A_356 : vector<64xi32> to vector<64x1xi32>
    %gt3A_358 = vector.broadcast %iota3A : vector<1x256xi32> to vector<64x256xi32>
    %gt3A_359 = vector.broadcast %broadcast_in_dim3A_357 : vector<64x1xi32> to vector<64x256xi32>
    %gt3A_360 = arith.cmpi sgt, %gt3A_358, %gt3A_359 : vector<64x256xi32>
    %and3A_361 = arith.andi %not3A_23, %gt3A_360 : vector<64x256xi1>
    %jit3A_362 = arith.constant 256 : i32
    %broadcast_in_dim3A_363 = vector.shape_cast %iota3A : vector<1x256xi32> to vector<1x256xi32>
    %broadcast_in_dim3A_364 = vector.broadcast %broadcast_in_dim3A_363 : vector<1x256xi32> to vector<64x256xi32>
    %broadcast_in_dim3A_365 = vector.broadcast %jit3A_362 : i32 to vector<64x256xi32>
    %select_n3A_366 = arith.select %and3A_361, %broadcast_in_dim3A_364, %broadcast_in_dim3A_365 : vector<64x256xi1>, vector<64x256xi32>
    %reduce_min3A_367 = arith.constant dense<2147483647> : vector<64xi32>
    %reduce_min3A_368 = vector.multi_reduction <minsi>, %select_n3A_366, %reduce_min3A_367 [1] : vector<64x256xi32> to vector<64xi32>
    %broadcast_in_dim3A_369 = vector.shape_cast %reduce_min3A_368 : vector<64xi32> to vector<64x1xi32>
    %gt3A_370 = vector.broadcast %iota3A : vector<1x256xi32> to vector<64x256xi32>
    %gt3A_371 = vector.broadcast %broadcast_in_dim3A_369 : vector<64x1xi32> to vector<64x256xi32>
    %gt3A_372 = arith.cmpi sgt, %gt3A_370, %gt3A_371 : vector<64x256xi32>
    %and3A_373 = arith.andi %not3A_23, %gt3A_372 : vector<64x256xi1>
    %jit3A_374 = arith.constant 256 : i32
    %broadcast_in_dim3A_375 = vector.shape_cast %iota3A : vector<1x256xi32> to vector<1x256xi32>
    %broadcast_in_dim3A_376 = vector.broadcast %broadcast_in_dim3A_375 : vector<1x256xi32> to vector<64x256xi32>
    %broadcast_in_dim3A_377 = vector.broadcast %jit3A_374 : i32 to vector<64x256xi32>
    %select_n3A_378 = arith.select %and3A_373, %broadcast_in_dim3A_376, %broadcast_in_dim3A_377 : vector<64x256xi1>, vector<64x256xi32>
    %reduce_min3A_379 = arith.constant dense<2147483647> : vector<64xi32>
    %reduce_min3A_380 = vector.multi_reduction <minsi>, %select_n3A_378, %reduce_min3A_379 [1] : vector<64x256xi32> to vector<64xi32>
    %broadcast_in_dim3A_381 = vector.shape_cast %reduce_min3A_380 : vector<64xi32> to vector<64x1xi32>
    %gt3A_382 = vector.broadcast %iota3A : vector<1x256xi32> to vector<64x256xi32>
    %gt3A_383 = vector.broadcast %broadcast_in_dim3A_381 : vector<64x1xi32> to vector<64x256xi32>
    %gt3A_384 = arith.cmpi sgt, %gt3A_382, %gt3A_383 : vector<64x256xi32>
    %and3A_385 = arith.andi %not3A_23, %gt3A_384 : vector<64x256xi1>
    %jit3A_386 = arith.constant 256 : i32
    %broadcast_in_dim3A_387 = vector.shape_cast %iota3A : vector<1x256xi32> to vector<1x256xi32>
    %broadcast_in_dim3A_388 = vector.broadcast %broadcast_in_dim3A_387 : vector<1x256xi32> to vector<64x256xi32>
    %broadcast_in_dim3A_389 = vector.broadcast %jit3A_386 : i32 to vector<64x256xi32>
    %select_n3A_390 = arith.select %and3A_385, %broadcast_in_dim3A_388, %broadcast_in_dim3A_389 : vector<64x256xi1>, vector<64x256xi32>
    %reduce_min3A_391 = arith.constant dense<2147483647> : vector<64xi32>
    %reduce_min3A_392 = vector.multi_reduction <minsi>, %select_n3A_390, %reduce_min3A_391 [1] : vector<64x256xi32> to vector<64xi32>
    %broadcast_in_dim3A_393 = vector.shape_cast %reduce_min3A_392 : vector<64xi32> to vector<64x1xi32>
    %gt3A_394 = vector.broadcast %iota3A : vector<1x256xi32> to vector<64x256xi32>
    %gt3A_395 = vector.broadcast %broadcast_in_dim3A_393 : vector<64x1xi32> to vector<64x256xi32>
    %gt3A_396 = arith.cmpi sgt, %gt3A_394, %gt3A_395 : vector<64x256xi32>
    %and3A_397 = arith.andi %not3A_23, %gt3A_396 : vector<64x256xi1>
    %jit3A_398 = arith.constant 256 : i32
    %broadcast_in_dim3A_399 = vector.shape_cast %iota3A : vector<1x256xi32> to vector<1x256xi32>
    %broadcast_in_dim3A_400 = vector.broadcast %broadcast_in_dim3A_399 : vector<1x256xi32> to vector<64x256xi32>
    %broadcast_in_dim3A_401 = vector.broadcast %jit3A_398 : i32 to vector<64x256xi32>
    %select_n3A_402 = arith.select %and3A_397, %broadcast_in_dim3A_400, %broadcast_in_dim3A_401 : vector<64x256xi1>, vector<64x256xi32>
    %reduce_min3A_403 = arith.constant dense<2147483647> : vector<64xi32>
    %reduce_min3A_404 = vector.multi_reduction <minsi>, %select_n3A_402, %reduce_min3A_403 [1] : vector<64x256xi32> to vector<64xi32>
    %broadcast_in_dim3A_405 = vector.shape_cast %reduce_min3A_404 : vector<64xi32> to vector<64x1xi32>
    %concatenate3A = tpu.concatenate %broadcast_in_dim3A_33, %broadcast_in_dim3A_45, %broadcast_in_dim3A_57, %broadcast_in_dim3A_69, %broadcast_in_dim3A_81, %broadcast_in_dim3A_93, %broadcast_in_dim3A_105, %broadcast_in_dim3A_117, %broadcast_in_dim3A_129, %broadcast_in_dim3A_141, %broadcast_in_dim3A_153, %broadcast_in_dim3A_165, %broadcast_in_dim3A_177, %broadcast_in_dim3A_189, %broadcast_in_dim3A_201, %broadcast_in_dim3A_213, %broadcast_in_dim3A_225, %broadcast_in_dim3A_237, %broadcast_in_dim3A_249, %broadcast_in_dim3A_261, %broadcast_in_dim3A_273, %broadcast_in_dim3A_285, %broadcast_in_dim3A_297, %broadcast_in_dim3A_309, %broadcast_in_dim3A_321, %broadcast_in_dim3A_333, %broadcast_in_dim3A_345, %broadcast_in_dim3A_357, %broadcast_in_dim3A_369, %broadcast_in_dim3A_381, %broadcast_in_dim3A_393, %broadcast_in_dim3A_405 in 1 : vector<64x1xi32>, vector<64x1xi32>, vector<64x1xi32>, vector<64x1xi32>, vector<64x1xi32>, vector<64x1xi32>, vector<64x1xi32>, vector<64x1xi32>, vector<64x1xi32>, vector<64x1xi32>, vector<64x1xi32>, vector<64x1xi32>, vector<64x1xi32>, vector<64x1xi32>, vector<64x1xi32>, vector<64x1xi32>, vector<64x1xi32>, vector<64x1xi32>, vector<64x1xi32>, vector<64x1xi32>, vector<64x1xi32>, vector<64x1xi32>, vector<64x1xi32>, vector<64x1xi32>, vector<64x1xi32>, vector<64x1xi32>, vector<64x1xi32>, vector<64x1xi32>, vector<64x1xi32>, vector<64x1xi32>, vector<64x1xi32>, vector<64x1xi32> -> vector<64x32xi32>
    %slice3A = vector.extract_strided_slice %concatenate3A {offsets = [0, 0], sizes = [64, 1], strides = [1, 1]} : vector<64x32xi32> to vector<64x1xi32>
    %eq3A = arith.constant 256 : i32
    %eq3A_406 = vector.broadcast %eq3A : i32 to vector<64x32xi32>
    %eq3A_407 = arith.cmpi eq, %concatenate3A, %eq3A_406 : vector<64x32xi32>
    %broadcast_in_dim3A_408 = vector.shape_cast %slice3A : vector<64x1xi32> to vector<64x1xi32>
    %broadcast_in_dim3A_409 = vector.broadcast %broadcast_in_dim3A_408 : vector<64x1xi32> to vector<64x32xi32>
    %select_n3A_410 = arith.select %eq3A_407, %broadcast_in_dim3A_409, %concatenate3A : vector<64x32xi1>, vector<64x32xi32>
    %swap3A = arith.constant 0 : index
    %swap3A_411 = arith.constant 0 : index
    %swap3A_412 = arith.constant 0 : index
    %swap3A_413 = vector.load %arg4[%swap3A, %swap3A_411, %swap3A_412] : memref<1x64x32xi32, #tpu.memory_space<vmem>>, vector<1x64x32xi32>
    %swap3A_414 = vector.shape_cast %swap3A_413 : vector<1x64x32xi32> to vector<64x32xi32>
    %swap3A_415 = vector.shape_cast %select_n3A_410 : vector<64x32xi32> to vector<1x64x32xi32>
    tpu.vector_store %arg4[%swap3A, %swap3A_411, %swap3A_412], %swap3A_415 {strides = array<i32>} : memref<1x64x32xi32, #tpu.memory_space<vmem>>, vector<1x64x32xi32>,
    return
  }
  func.func @transform_0(%arg0: i32, %arg1: i32) -> (i32, i32, i32) {
    %c0_i32 = arith.constant 0 : i32
    %c0_i32_0 = arith.constant 0 : i32
    return %arg0, %arg1, %c0_i32 : i32, i32, i32
  }
  func.func @transform_1(%arg0: i32, %arg1: i32) -> (i32, i32, i32) {
    %c0_i32 = arith.constant 0 : i32
    %c0_i32_0 = arith.constant 0 : i32
    %c0_i32_1 = arith.constant 0 : i32
    return %arg0, %c0_i32, %c0_i32_0 : i32, i32, i32
  }
  func.func @transform_2(%arg0: i32, %arg1: i32) -> (i32, i32, i32) {
    %c0_i32 = arith.constant 0 : i32
    %c0_i32_0 = arith.constant 0 : i32
    return %arg0, %arg1, %c0_i32 : i32, i32, i32
  }
}

module attributes {stable_mosaic.version = 14 : i64} {
  func.func @_fps_kernel(%arg0: i32, %arg1: memref<1x3x64xf32, #tpu.memory_space<vmem>>, %arg2: memref<1x1x16xi32, #tpu.memory_space<vmem>>) attributes {dimension_semantics = [#tpu.dimension_semantics<arbitrary>], iteration_bounds = array<i64: 2>, scalar_prefetch = 0 : i64, scratch_operands = 0 : i64, tpu.core_type = #tpu.core_type<tc>, window_params = [{transform_indices = @transform_0, window_bounds = array<i64: 1, 3, 64>}, {transform_indices = @transform_1, window_bounds = array<i64: 1, 1, 16>}]} {
    %get3A = arith.constant 0 : index
    %get3A_0 = arith.constant 0 : index
    %get3A_1 = arith.constant 0 : index
    %get3A_2 = vector.load %arg1[%get3A, %get3A_0, %get3A_1] : memref<1x3x64xf32, #tpu.memory_space<vmem>>, vector<1x3x64xf32>
    %get3A_3 = vector.shape_cast %get3A_2 : vector<1x3x64xf32> to vector<3x64xf32>
    %slice3A = vector.extract_strided_slice %get3A_3 {offsets = [0, 0], sizes = [1, 64], strides = [1, 1]} : vector<3x64xf32> to vector<1x64xf32>
    %slice3A_4 = vector.extract_strided_slice %get3A_3 {offsets = [1, 0], sizes = [1, 64], strides = [1, 1]} : vector<3x64xf32> to vector<1x64xf32>
    %slice3A_5 = vector.extract_strided_slice %get3A_3 {offsets = [2, 0], sizes = [1, 64], strides = [1, 1]} : vector<3x64xf32> to vector<1x64xf32>
    %iota3A = tpu.iota {dimensions = array<i32: 1>} : vector<1x64xi32>
    %iota3A_6 = tpu.iota {dimensions = array<i32: 1>} : vector<1x16xi32>
    %broadcast_in_dim3A = arith.constant 1.000000e+10 : f32
    %broadcast_in_dim3A_7 = vector.broadcast %broadcast_in_dim3A : f32 to vector<1x64xf32>
    %broadcast_in_dim3A_8 = arith.constant 0 : i32
    %broadcast_in_dim3A_9 = vector.broadcast %broadcast_in_dim3A_8 : i32 to vector<1x16xi32>
    %scan3A = arith.constant 0 : i32
    %scan3A_10 = arith.constant 0 : i32
    %scan3A_11 = arith.constant 16 : i32
    %scan3A_12 = arith.addi %scan3A_10, %scan3A_11 : i32
    %scan3A_13 = arith.constant 1 : i32
    %scan3A_14:3 = scf.for %scan3A_21 = %scan3A_10 to %scan3A_12 step %scan3A_13 iter_args(%scan3A_22 = %broadcast_in_dim3A_7, %scan3A_23 = %scan3A, %scan3A_24 = %broadcast_in_dim3A_9) -> (vector<1x64xf32>, i32, vector<1x16xi32>)  : i32 {
      %eq3A = vector.broadcast %scan3A_21 : i32 to vector<1x16xi32>
      %eq3A_25 = arith.cmpi eq, %iota3A_6, %eq3A : vector<1x16xi32>
      %broadcast_in_dim3A_26 = vector.broadcast %scan3A_23 : i32 to vector<1x16xi32>
      %select_n3A = arith.select %eq3A_25, %broadcast_in_dim3A_26, %scan3A_24 : vector<1x16xi1>, vector<1x16xi32>
      %eq3A_27 = vector.broadcast %scan3A_23 : i32 to vector<1x64xi32>
      %eq3A_28 = arith.cmpi eq, %iota3A, %eq3A_27 : vector<1x64xi32>
      %convert_element_type3A = arith.extui %eq3A_28 : vector<1x64xi1> to vector<1x64xi32>
      %convert_element_type3A_29 = arith.sitofp %convert_element_type3A : vector<1x64xi32> to vector<1x64xf32>
      %mul3A = arith.mulf %slice3A, %convert_element_type3A_29 : vector<1x64xf32>
      %reduce_sum3A = vector.shape_cast %mul3A : vector<1x64xf32> to vector<1x1x64xf32>
      %reduce_sum3A_30 = arith.constant dense<0.000000e+00> : vector<1xf32>
      %reduce_sum3A_31 = vector.multi_reduction <add>, %reduce_sum3A, %reduce_sum3A_30 [1, 2] : vector<1x1x64xf32> to vector<1xf32>
      %reduce_sum3A_32 = vector.shape_cast %reduce_sum3A_31 : vector<1xf32> to vector<1x1x1xf32>
      %reduce_sum3A_33 = vector.extract %reduce_sum3A_32[0, 0, 0] : f32 from vector<1x1x1xf32>
      %mul3A_34 = arith.mulf %slice3A_4, %convert_element_type3A_29 : vector<1x64xf32>
      %reduce_sum3A_35 = vector.shape_cast %mul3A_34 : vector<1x64xf32> to vector<1x1x64xf32>
      %reduce_sum3A_36 = arith.constant dense<0.000000e+00> : vector<1xf32>
      %reduce_sum3A_37 = vector.multi_reduction <add>, %reduce_sum3A_35, %reduce_sum3A_36 [1, 2] : vector<1x1x64xf32> to vector<1xf32>
      %reduce_sum3A_38 = vector.shape_cast %reduce_sum3A_37 : vector<1xf32> to vector<1x1x1xf32>
      %reduce_sum3A_39 = vector.extract %reduce_sum3A_38[0, 0, 0] : f32 from vector<1x1x1xf32>
      %mul3A_40 = arith.mulf %slice3A_5, %convert_element_type3A_29 : vector<1x64xf32>
      %reduce_sum3A_41 = vector.shape_cast %mul3A_40 : vector<1x64xf32> to vector<1x1x64xf32>
      %reduce_sum3A_42 = arith.constant dense<0.000000e+00> : vector<1xf32>
      %reduce_sum3A_43 = vector.multi_reduction <add>, %reduce_sum3A_41, %reduce_sum3A_42 [1, 2] : vector<1x1x64xf32> to vector<1xf32>
      %reduce_sum3A_44 = vector.shape_cast %reduce_sum3A_43 : vector<1xf32> to vector<1x1x1xf32>
      %reduce_sum3A_45 = vector.extract %reduce_sum3A_44[0, 0, 0] : f32 from vector<1x1x1xf32>
      %sub3A = vector.broadcast %reduce_sum3A_33 : f32 to vector<1x64xf32>
      %sub3A_46 = arith.subf %slice3A, %sub3A : vector<1x64xf32>
      %integer_pow3A = arith.mulf %sub3A_46, %sub3A_46 : vector<1x64xf32>
      %sub3A_47 = vector.broadcast %reduce_sum3A_39 : f32 to vector<1x64xf32>
      %sub3A_48 = arith.subf %slice3A_4, %sub3A_47 : vector<1x64xf32>
      %integer_pow3A_49 = arith.mulf %sub3A_48, %sub3A_48 : vector<1x64xf32>
      %add3A = arith.addf %integer_pow3A, %integer_pow3A_49 : vector<1x64xf32>
      %sub3A_50 = vector.broadcast %reduce_sum3A_45 : f32 to vector<1x64xf32>
      %sub3A_51 = arith.subf %slice3A_5, %sub3A_50 : vector<1x64xf32>
      %integer_pow3A_52 = arith.mulf %sub3A_51, %sub3A_51 : vector<1x64xf32>
      %add3A_53 = arith.addf %add3A, %integer_pow3A_52 : vector<1x64xf32>
      %min3A = arith.minimumf %scan3A_22, %add3A_53 : vector<1x64xf32>
      %reduce_max3A = vector.shape_cast %min3A : vector<1x64xf32> to vector<1x1x64xf32>
      %reduce_max3A_54 = arith.constant dense<0xFF800000> : vector<1xf32>
      %reduce_max3A_55 = vector.multi_reduction <maximumf>, %reduce_max3A, %reduce_max3A_54 [1, 2] : vector<1x1x64xf32> to vector<1xf32>
      %reduce_max3A_56 = vector.shape_cast %reduce_max3A_55 : vector<1xf32> to vector<1x1x1xf32>
      %reduce_max3A_57 = vector.extract %reduce_max3A_56[0, 0, 0] : f32 from vector<1x1x1xf32>
      %eq3A_58 = vector.broadcast %reduce_max3A_57 : f32 to vector<1x64xf32>
      %eq3A_59 = arith.cmpf oeq, %min3A, %eq3A_58 : vector<1x64xf32>
      %jit3A = arith.constant 64 : i32
      %broadcast_in_dim3A_60 = vector.broadcast %jit3A : i32 to vector<1x64xi32>
      %select_n3A_61 = arith.select %eq3A_59, %iota3A, %broadcast_in_dim3A_60 : vector<1x64xi1>, vector<1x64xi32>
      %reduce_min3A = vector.shape_cast %select_n3A_61 : vector<1x64xi32> to vector<1x1x64xi32>
      %reduce_min3A_62 = arith.constant dense<2147483647> : vector<1xi32>
      %reduce_min3A_63 = vector.multi_reduction <minsi>, %reduce_min3A, %reduce_min3A_62 [1, 2] : vector<1x1x64xi32> to vector<1xi32>
      %reduce_min3A_64 = vector.shape_cast %reduce_min3A_63 : vector<1xi32> to vector<1x1x1xi32>
      %reduce_min3A_65 = vector.extract %reduce_min3A_64[0, 0, 0] : i32 from vector<1x1x1xi32>
      scf.yield %min3A, %reduce_min3A_65, %select_n3A : vector<1x64xf32>, i32, vector<1x16xi32>
    }
    %scan3A_15 = arith.constant 16 : i32
    %swap3A = arith.constant 0 : index
    %swap3A_16 = arith.constant 0 : index
    %swap3A_17 = arith.constant 0 : index
    %swap3A_18 = vector.load %arg2[%swap3A, %swap3A_16, %swap3A_17] : memref<1x1x16xi32, #tpu.memory_space<vmem>>, vector<1x1x16xi32>
    %swap3A_19 = vector.shape_cast %swap3A_18 : vector<1x1x16xi32> to vector<1x16xi32>
    %swap3A_20 = vector.shape_cast %scan3A_14#2 : vector<1x16xi32> to vector<1x1x16xi32>
    tpu.vector_store %arg2[%swap3A, %swap3A_16, %swap3A_17], %swap3A_20 {strides = array<i32>} : memref<1x1x16xi32, #tpu.memory_space<vmem>>, vector<1x1x16xi32>,
    return
  }
  func.func @transform_0(%arg0: i32) -> (i32, i32, i32) {
    %c0_i32 = arith.constant 0 : i32
    %c0_i32_0 = arith.constant 0 : i32
    %c0_i32_1 = arith.constant 0 : i32
    return %arg0, %c0_i32, %c0_i32_0 : i32, i32, i32
  }
  func.func @transform_1(%arg0: i32) -> (i32, i32, i32) {
    %c0_i32 = arith.constant 0 : i32
    %c0_i32_0 = arith.constant 0 : i32
    %c0_i32_1 = arith.constant 0 : i32
    return %arg0, %c0_i32, %c0_i32_0 : i32, i32, i32
  }
}

module attributes {stable_mosaic.version = 14 : i64} {
  func.func @_ball_kernel(%arg0: i32, %arg1: i32, %arg2: memref<1x16x3xf32, #tpu.memory_space<vmem>>, %arg3: memref<1x3x64xf32, #tpu.memory_space<vmem>>, %arg4: memref<1x16x32xi32, #tpu.memory_space<vmem>>) attributes {dimension_semantics = [#tpu.dimension_semantics<arbitrary>, #tpu.dimension_semantics<arbitrary>], iteration_bounds = array<i64: 2, 1>, scalar_prefetch = 0 : i64, scratch_operands = 0 : i64, tpu.core_type = #tpu.core_type<tc>, window_params = [{transform_indices = @transform_0, window_bounds = array<i64: 1, 16, 3>}, {transform_indices = @transform_1, window_bounds = array<i64: 1, 3, 64>}, {transform_indices = @transform_2, window_bounds = array<i64: 1, 16, 32>}]} {
    %get3A = arith.constant 0 : index
    %get3A_0 = arith.constant 0 : index
    %get3A_1 = arith.constant 0 : index
    %get3A_2 = vector.load %arg2[%get3A, %get3A_0, %get3A_1] : memref<1x16x3xf32, #tpu.memory_space<vmem>>, vector<1x16x3xf32>
    %get3A_3 = vector.shape_cast %get3A_2 : vector<1x16x3xf32> to vector<16x3xf32>
    %get3A_4 = arith.constant 0 : index
    %get3A_5 = arith.constant 0 : index
    %get3A_6 = arith.constant 0 : index
    %get3A_7 = vector.load %arg3[%get3A_4, %get3A_5, %get3A_6] : memref<1x3x64xf32, #tpu.memory_space<vmem>>, vector<1x3x64xf32>
    %get3A_8 = vector.shape_cast %get3A_7 : vector<1x3x64xf32> to vector<3x64xf32>
    %mul3A = arith.mulf %get3A_3, %get3A_3 : vector<16x3xf32>
    %reduce_sum3A = arith.constant dense<0.000000e+00> : vector<16xf32>
    %reduce_sum3A_9 = vector.multi_reduction <add>, %mul3A, %reduce_sum3A [1] : vector<16x3xf32> to vector<16xf32>
    %broadcast_in_dim3A = vector.shape_cast %reduce_sum3A_9 : vector<16xf32> to vector<16x1xf32>
    %mul3A_10 = arith.mulf %get3A_8, %get3A_8 : vector<3x64xf32>
    %reduce_sum3A_11 = arith.constant dense<0.000000e+00> : vector<64xf32>
    %reduce_sum3A_12 = vector.multi_reduction <add>, %mul3A_10, %reduce_sum3A_11 [0] : vector<3x64xf32> to vector<64xf32>
    %broadcast_in_dim3A_13 = vector.shape_cast %reduce_sum3A_12 : vector<64xf32> to vector<1x64xf32>
    %dot_general3A = arith.constant dense<0.000000e+00> : vector<16x64xf32>
    %dot_general3A_14 = tpu.matmul %get3A_3, %get3A_8, %dot_general3A {dimension_numbers = #tpu.dot_dimension_numbers<[1], [0], [0], [1], [0, 0, 1, 1], [], []>, transpose_lhs_hint = false} : vector<16x3xf32>, vector<3x64xf32>, vector<16x64xf32> -> vector<16x64xf32>
    %mul3A_15 = arith.constant -2.000000e+00 : f32
    %mul3A_16 = vector.broadcast %mul3A_15 : f32 to vector<16x64xf32>
    %mul3A_17 = arith.mulf %mul3A_16, %dot_general3A_14 : vector<16x64xf32>
    %add3A = vector.broadcast %broadcast_in_dim3A : vector<16x1xf32> to vector<16x64xf32>
    %add3A_18 = arith.addf %mul3A_17, %add3A : vector<16x64xf32>
    %add3A_19 = vector.broadcast %broadcast_in_dim3A_13 : vector<1x64xf32> to vector<16x64xf32>
    %add3A_20 = arith.addf %add3A_18, %add3A_19 : vector<16x64xf32>
    %gt3A = arith.constant 6.400000e-01 : f32
    %gt3A_21 = vector.broadcast %gt3A : f32 to vector<16x64xf32>
    %gt3A_22 = arith.cmpf ogt, %add3A_20, %gt3A_21 : vector<16x64xf32>
    %not3A = arith.constant dense<true> : vector<16x64xi1>
    %not3A_23 = arith.xori %gt3A_22, %not3A : vector<16x64xi1>
    %iota3A = tpu.iota {dimensions = array<i32: 1>} : vector<1x64xi32>
    %broadcast_in_dim3A_24 = arith.constant -1 : i32
    %broadcast_in_dim3A_25 = vector.broadcast %broadcast_in_dim3A_24 : i32 to vector<16x1xi32>
    %gt3A_26 = vector.broadcast %iota3A : vector<1x64xi32> to vector<16x64xi32>
    %gt3A_27 = vector.broadcast %broadcast_in_dim3A_25 : vector<16x1xi32> to vector<16x64xi32>
    %gt3A_28 = arith.cmpi sgt, %gt3A_26, %gt3A_27 : vector<16x64xi32>
    %and3A = arith.andi %not3A_23, %gt3A_28 : vector<16x64xi1>
    %jit3A = arith.constant 64 : i32
    %broadcast_in_dim3A_29 = vector.shape_cast %iota3A : vector<1x64xi32> to vector<1x64xi32>
    %broadcast_in_dim3A_30 = vector.broadcast %broadcast_in_dim3A_29 : vector<1x64xi32> to vector<16x64xi32>
    %broadcast_in_dim3A_31 = vector.broadcast %jit3A : i32 to vector<16x64xi32>
    %select_n3A = arith.select %and3A, %broadcast_in_dim3A_30, %broadcast_in_dim3A_31 : vector<16x64xi1>, vector<16x64xi32>
    %reduce_min3A = arith.constant dense<2147483647> : vector<16xi32>
    %reduce_min3A_32 = vector.multi_reduction <minsi>, %select_n3A, %reduce_min3A [1] : vector<16x64xi32> to vector<16xi32>
    %broadcast_in_dim3A_33 = vector.shape_cast %reduce_min3A_32 : vector<16xi32> to vector<16x1xi32>
    %gt3A_34 = vector.broadcast %iota3A : vector<1x64xi32> to vector<16x64xi32>
    %gt3A_35 = vector.broadcast %broadcast_in_dim3A_33 : vector<16x1xi32> to vector<16x64xi32>
    %gt3A_36 = arith.cmpi sgt, %gt3A_34, %gt3A_35 : vector<16x64xi32>
    %and3A_37 = arith.andi %not3A_23, %gt3A_36 : vector<16x64xi1>
    %jit3A_38 = arith.constant 64 : i32
    %broadcast_in_dim3A_39 = vector.shape_cast %iota3A : vector<1x64xi32> to vector<1x64xi32>
    %broadcast_in_dim3A_40 = vector.broadcast %broadcast_in_dim3A_39 : vector<1x64xi32> to vector<16x64xi32>
    %broadcast_in_dim3A_41 = vector.broadcast %jit3A_38 : i32 to vector<16x64xi32>
    %select_n3A_42 = arith.select %and3A_37, %broadcast_in_dim3A_40, %broadcast_in_dim3A_41 : vector<16x64xi1>, vector<16x64xi32>
    %reduce_min3A_43 = arith.constant dense<2147483647> : vector<16xi32>
    %reduce_min3A_44 = vector.multi_reduction <minsi>, %select_n3A_42, %reduce_min3A_43 [1] : vector<16x64xi32> to vector<16xi32>
    %broadcast_in_dim3A_45 = vector.shape_cast %reduce_min3A_44 : vector<16xi32> to vector<16x1xi32>
    %gt3A_46 = vector.broadcast %iota3A : vector<1x64xi32> to vector<16x64xi32>
    %gt3A_47 = vector.broadcast %broadcast_in_dim3A_45 : vector<16x1xi32> to vector<16x64xi32>
    %gt3A_48 = arith.cmpi sgt, %gt3A_46, %gt3A_47 : vector<16x64xi32>
    %and3A_49 = arith.andi %not3A_23, %gt3A_48 : vector<16x64xi1>
    %jit3A_50 = arith.constant 64 : i32
    %broadcast_in_dim3A_51 = vector.shape_cast %iota3A : vector<1x64xi32> to vector<1x64xi32>
    %broadcast_in_dim3A_52 = vector.broadcast %broadcast_in_dim3A_51 : vector<1x64xi32> to vector<16x64xi32>
    %broadcast_in_dim3A_53 = vector.broadcast %jit3A_50 : i32 to vector<16x64xi32>
    %select_n3A_54 = arith.select %and3A_49, %broadcast_in_dim3A_52, %broadcast_in_dim3A_53 : vector<16x64xi1>, vector<16x64xi32>
    %reduce_min3A_55 = arith.constant dense<2147483647> : vector<16xi32>
    %reduce_min3A_56 = vector.multi_reduction <minsi>, %select_n3A_54, %reduce_min3A_55 [1] : vector<16x64xi32> to vector<16xi32>
    %broadcast_in_dim3A_57 = vector.shape_cast %reduce_min3A_56 : vector<16xi32> to vector<16x1xi32>
    %gt3A_58 = vector.broadcast %iota3A : vector<1x64xi32> to vector<16x64xi32>
    %gt3A_59 = vector.broadcast %broadcast_in_dim3A_57 : vector<16x1xi32> to vector<16x64xi32>
    %gt3A_60 = arith.cmpi sgt, %gt3A_58, %gt3A_59 : vector<16x64xi32>
    %and3A_61 = arith.andi %not3A_23, %gt3A_60 : vector<16x64xi1>
    %jit3A_62 = arith.constant 64 : i32
    %broadcast_in_dim3A_63 = vector.shape_cast %iota3A : vector<1x64xi32> to vector<1x64xi32>
    %broadcast_in_dim3A_64 = vector.broadcast %broadcast_in_dim3A_63 : vector<1x64xi32> to vector<16x64xi32>
    %broadcast_in_dim3A_65 = vector.broadcast %jit3A_62 : i32 to vector<16x64xi32>
    %select_n3A_66 = arith.select %and3A_61, %broadcast_in_dim3A_64, %broadcast_in_dim3A_65 : vector<16x64xi1>, vector<16x64xi32>
    %reduce_min3A_67 = arith.constant dense<2147483647> : vector<16xi32>
    %reduce_min3A_68 = vector.multi_reduction <minsi>, %select_n3A_66, %reduce_min3A_67 [1] : vector<16x64xi32> to vector<16xi32>
    %broadcast_in_dim3A_69 = vector.shape_cast %reduce_min3A_68 : vector<16xi32> to vector<16x1xi32>
    %gt3A_70 = vector.broadcast %iota3A : vector<1x64xi32> to vector<16x64xi32>
    %gt3A_71 = vector.broadcast %broadcast_in_dim3A_69 : vector<16x1xi32> to vector<16x64xi32>
    %gt3A_72 = arith.cmpi sgt, %gt3A_70, %gt3A_71 : vector<16x64xi32>
    %and3A_73 = arith.andi %not3A_23, %gt3A_72 : vector<16x64xi1>
    %jit3A_74 = arith.constant 64 : i32
    %broadcast_in_dim3A_75 = vector.shape_cast %iota3A : vector<1x64xi32> to vector<1x64xi32>
    %broadcast_in_dim3A_76 = vector.broadcast %broadcast_in_dim3A_75 : vector<1x64xi32> to vector<16x64xi32>
    %broadcast_in_dim3A_77 = vector.broadcast %jit3A_74 : i32 to vector<16x64xi32>
    %select_n3A_78 = arith.select %and3A_73, %broadcast_in_dim3A_76, %broadcast_in_dim3A_77 : vector<16x64xi1>, vector<16x64xi32>
    %reduce_min3A_79 = arith.constant dense<2147483647> : vector<16xi32>
    %reduce_min3A_80 = vector.multi_reduction <minsi>, %select_n3A_78, %reduce_min3A_79 [1] : vector<16x64xi32> to vector<16xi32>
    %broadcast_in_dim3A_81 = vector.shape_cast %reduce_min3A_80 : vector<16xi32> to vector<16x1xi32>
    %gt3A_82 = vector.broadcast %iota3A : vector<1x64xi32> to vector<16x64xi32>
    %gt3A_83 = vector.broadcast %broadcast_in_dim3A_81 : vector<16x1xi32> to vector<16x64xi32>
    %gt3A_84 = arith.cmpi sgt, %gt3A_82, %gt3A_83 : vector<16x64xi32>
    %and3A_85 = arith.andi %not3A_23, %gt3A_84 : vector<16x64xi1>
    %jit3A_86 = arith.constant 64 : i32
    %broadcast_in_dim3A_87 = vector.shape_cast %iota3A : vector<1x64xi32> to vector<1x64xi32>
    %broadcast_in_dim3A_88 = vector.broadcast %broadcast_in_dim3A_87 : vector<1x64xi32> to vector<16x64xi32>
    %broadcast_in_dim3A_89 = vector.broadcast %jit3A_86 : i32 to vector<16x64xi32>
    %select_n3A_90 = arith.select %and3A_85, %broadcast_in_dim3A_88, %broadcast_in_dim3A_89 : vector<16x64xi1>, vector<16x64xi32>
    %reduce_min3A_91 = arith.constant dense<2147483647> : vector<16xi32>
    %reduce_min3A_92 = vector.multi_reduction <minsi>, %select_n3A_90, %reduce_min3A_91 [1] : vector<16x64xi32> to vector<16xi32>
    %broadcast_in_dim3A_93 = vector.shape_cast %reduce_min3A_92 : vector<16xi32> to vector<16x1xi32>
    %gt3A_94 = vector.broadcast %iota3A : vector<1x64xi32> to vector<16x64xi32>
    %gt3A_95 = vector.broadcast %broadcast_in_dim3A_93 : vector<16x1xi32> to vector<16x64xi32>
    %gt3A_96 = arith.cmpi sgt, %gt3A_94, %gt3A_95 : vector<16x64xi32>
    %and3A_97 = arith.andi %not3A_23, %gt3A_96 : vector<16x64xi1>
    %jit3A_98 = arith.constant 64 : i32
    %broadcast_in_dim3A_99 = vector.shape_cast %iota3A : vector<1x64xi32> to vector<1x64xi32>
    %broadcast_in_dim3A_100 = vector.broadcast %broadcast_in_dim3A_99 : vector<1x64xi32> to vector<16x64xi32>
    %broadcast_in_dim3A_101 = vector.broadcast %jit3A_98 : i32 to vector<16x64xi32>
    %select_n3A_102 = arith.select %and3A_97, %broadcast_in_dim3A_100, %broadcast_in_dim3A_101 : vector<16x64xi1>, vector<16x64xi32>
    %reduce_min3A_103 = arith.constant dense<2147483647> : vector<16xi32>
    %reduce_min3A_104 = vector.multi_reduction <minsi>, %select_n3A_102, %reduce_min3A_103 [1] : vector<16x64xi32> to vector<16xi32>
    %broadcast_in_dim3A_105 = vector.shape_cast %reduce_min3A_104 : vector<16xi32> to vector<16x1xi32>
    %gt3A_106 = vector.broadcast %iota3A : vector<1x64xi32> to vector<16x64xi32>
    %gt3A_107 = vector.broadcast %broadcast_in_dim3A_105 : vector<16x1xi32> to vector<16x64xi32>
    %gt3A_108 = arith.cmpi sgt, %gt3A_106, %gt3A_107 : vector<16x64xi32>
    %and3A_109 = arith.andi %not3A_23, %gt3A_108 : vector<16x64xi1>
    %jit3A_110 = arith.constant 64 : i32
    %broadcast_in_dim3A_111 = vector.shape_cast %iota3A : vector<1x64xi32> to vector<1x64xi32>
    %broadcast_in_dim3A_112 = vector.broadcast %broadcast_in_dim3A_111 : vector<1x64xi32> to vector<16x64xi32>
    %broadcast_in_dim3A_113 = vector.broadcast %jit3A_110 : i32 to vector<16x64xi32>
    %select_n3A_114 = arith.select %and3A_109, %broadcast_in_dim3A_112, %broadcast_in_dim3A_113 : vector<16x64xi1>, vector<16x64xi32>
    %reduce_min3A_115 = arith.constant dense<2147483647> : vector<16xi32>
    %reduce_min3A_116 = vector.multi_reduction <minsi>, %select_n3A_114, %reduce_min3A_115 [1] : vector<16x64xi32> to vector<16xi32>
    %broadcast_in_dim3A_117 = vector.shape_cast %reduce_min3A_116 : vector<16xi32> to vector<16x1xi32>
    %gt3A_118 = vector.broadcast %iota3A : vector<1x64xi32> to vector<16x64xi32>
    %gt3A_119 = vector.broadcast %broadcast_in_dim3A_117 : vector<16x1xi32> to vector<16x64xi32>
    %gt3A_120 = arith.cmpi sgt, %gt3A_118, %gt3A_119 : vector<16x64xi32>
    %and3A_121 = arith.andi %not3A_23, %gt3A_120 : vector<16x64xi1>
    %jit3A_122 = arith.constant 64 : i32
    %broadcast_in_dim3A_123 = vector.shape_cast %iota3A : vector<1x64xi32> to vector<1x64xi32>
    %broadcast_in_dim3A_124 = vector.broadcast %broadcast_in_dim3A_123 : vector<1x64xi32> to vector<16x64xi32>
    %broadcast_in_dim3A_125 = vector.broadcast %jit3A_122 : i32 to vector<16x64xi32>
    %select_n3A_126 = arith.select %and3A_121, %broadcast_in_dim3A_124, %broadcast_in_dim3A_125 : vector<16x64xi1>, vector<16x64xi32>
    %reduce_min3A_127 = arith.constant dense<2147483647> : vector<16xi32>
    %reduce_min3A_128 = vector.multi_reduction <minsi>, %select_n3A_126, %reduce_min3A_127 [1] : vector<16x64xi32> to vector<16xi32>
    %broadcast_in_dim3A_129 = vector.shape_cast %reduce_min3A_128 : vector<16xi32> to vector<16x1xi32>
    %gt3A_130 = vector.broadcast %iota3A : vector<1x64xi32> to vector<16x64xi32>
    %gt3A_131 = vector.broadcast %broadcast_in_dim3A_129 : vector<16x1xi32> to vector<16x64xi32>
    %gt3A_132 = arith.cmpi sgt, %gt3A_130, %gt3A_131 : vector<16x64xi32>
    %and3A_133 = arith.andi %not3A_23, %gt3A_132 : vector<16x64xi1>
    %jit3A_134 = arith.constant 64 : i32
    %broadcast_in_dim3A_135 = vector.shape_cast %iota3A : vector<1x64xi32> to vector<1x64xi32>
    %broadcast_in_dim3A_136 = vector.broadcast %broadcast_in_dim3A_135 : vector<1x64xi32> to vector<16x64xi32>
    %broadcast_in_dim3A_137 = vector.broadcast %jit3A_134 : i32 to vector<16x64xi32>
    %select_n3A_138 = arith.select %and3A_133, %broadcast_in_dim3A_136, %broadcast_in_dim3A_137 : vector<16x64xi1>, vector<16x64xi32>
    %reduce_min3A_139 = arith.constant dense<2147483647> : vector<16xi32>
    %reduce_min3A_140 = vector.multi_reduction <minsi>, %select_n3A_138, %reduce_min3A_139 [1] : vector<16x64xi32> to vector<16xi32>
    %broadcast_in_dim3A_141 = vector.shape_cast %reduce_min3A_140 : vector<16xi32> to vector<16x1xi32>
    %gt3A_142 = vector.broadcast %iota3A : vector<1x64xi32> to vector<16x64xi32>
    %gt3A_143 = vector.broadcast %broadcast_in_dim3A_141 : vector<16x1xi32> to vector<16x64xi32>
    %gt3A_144 = arith.cmpi sgt, %gt3A_142, %gt3A_143 : vector<16x64xi32>
    %and3A_145 = arith.andi %not3A_23, %gt3A_144 : vector<16x64xi1>
    %jit3A_146 = arith.constant 64 : i32
    %broadcast_in_dim3A_147 = vector.shape_cast %iota3A : vector<1x64xi32> to vector<1x64xi32>
    %broadcast_in_dim3A_148 = vector.broadcast %broadcast_in_dim3A_147 : vector<1x64xi32> to vector<16x64xi32>
    %broadcast_in_dim3A_149 = vector.broadcast %jit3A_146 : i32 to vector<16x64xi32>
    %select_n3A_150 = arith.select %and3A_145, %broadcast_in_dim3A_148, %broadcast_in_dim3A_149 : vector<16x64xi1>, vector<16x64xi32>
    %reduce_min3A_151 = arith.constant dense<2147483647> : vector<16xi32>
    %reduce_min3A_152 = vector.multi_reduction <minsi>, %select_n3A_150, %reduce_min3A_151 [1] : vector<16x64xi32> to vector<16xi32>
    %broadcast_in_dim3A_153 = vector.shape_cast %reduce_min3A_152 : vector<16xi32> to vector<16x1xi32>
    %gt3A_154 = vector.broadcast %iota3A : vector<1x64xi32> to vector<16x64xi32>
    %gt3A_155 = vector.broadcast %broadcast_in_dim3A_153 : vector<16x1xi32> to vector<16x64xi32>
    %gt3A_156 = arith.cmpi sgt, %gt3A_154, %gt3A_155 : vector<16x64xi32>
    %and3A_157 = arith.andi %not3A_23, %gt3A_156 : vector<16x64xi1>
    %jit3A_158 = arith.constant 64 : i32
    %broadcast_in_dim3A_159 = vector.shape_cast %iota3A : vector<1x64xi32> to vector<1x64xi32>
    %broadcast_in_dim3A_160 = vector.broadcast %broadcast_in_dim3A_159 : vector<1x64xi32> to vector<16x64xi32>
    %broadcast_in_dim3A_161 = vector.broadcast %jit3A_158 : i32 to vector<16x64xi32>
    %select_n3A_162 = arith.select %and3A_157, %broadcast_in_dim3A_160, %broadcast_in_dim3A_161 : vector<16x64xi1>, vector<16x64xi32>
    %reduce_min3A_163 = arith.constant dense<2147483647> : vector<16xi32>
    %reduce_min3A_164 = vector.multi_reduction <minsi>, %select_n3A_162, %reduce_min3A_163 [1] : vector<16x64xi32> to vector<16xi32>
    %broadcast_in_dim3A_165 = vector.shape_cast %reduce_min3A_164 : vector<16xi32> to vector<16x1xi32>
    %gt3A_166 = vector.broadcast %iota3A : vector<1x64xi32> to vector<16x64xi32>
    %gt3A_167 = vector.broadcast %broadcast_in_dim3A_165 : vector<16x1xi32> to vector<16x64xi32>
    %gt3A_168 = arith.cmpi sgt, %gt3A_166, %gt3A_167 : vector<16x64xi32>
    %and3A_169 = arith.andi %not3A_23, %gt3A_168 : vector<16x64xi1>
    %jit3A_170 = arith.constant 64 : i32
    %broadcast_in_dim3A_171 = vector.shape_cast %iota3A : vector<1x64xi32> to vector<1x64xi32>
    %broadcast_in_dim3A_172 = vector.broadcast %broadcast_in_dim3A_171 : vector<1x64xi32> to vector<16x64xi32>
    %broadcast_in_dim3A_173 = vector.broadcast %jit3A_170 : i32 to vector<16x64xi32>
    %select_n3A_174 = arith.select %and3A_169, %broadcast_in_dim3A_172, %broadcast_in_dim3A_173 : vector<16x64xi1>, vector<16x64xi32>
    %reduce_min3A_175 = arith.constant dense<2147483647> : vector<16xi32>
    %reduce_min3A_176 = vector.multi_reduction <minsi>, %select_n3A_174, %reduce_min3A_175 [1] : vector<16x64xi32> to vector<16xi32>
    %broadcast_in_dim3A_177 = vector.shape_cast %reduce_min3A_176 : vector<16xi32> to vector<16x1xi32>
    %gt3A_178 = vector.broadcast %iota3A : vector<1x64xi32> to vector<16x64xi32>
    %gt3A_179 = vector.broadcast %broadcast_in_dim3A_177 : vector<16x1xi32> to vector<16x64xi32>
    %gt3A_180 = arith.cmpi sgt, %gt3A_178, %gt3A_179 : vector<16x64xi32>
    %and3A_181 = arith.andi %not3A_23, %gt3A_180 : vector<16x64xi1>
    %jit3A_182 = arith.constant 64 : i32
    %broadcast_in_dim3A_183 = vector.shape_cast %iota3A : vector<1x64xi32> to vector<1x64xi32>
    %broadcast_in_dim3A_184 = vector.broadcast %broadcast_in_dim3A_183 : vector<1x64xi32> to vector<16x64xi32>
    %broadcast_in_dim3A_185 = vector.broadcast %jit3A_182 : i32 to vector<16x64xi32>
    %select_n3A_186 = arith.select %and3A_181, %broadcast_in_dim3A_184, %broadcast_in_dim3A_185 : vector<16x64xi1>, vector<16x64xi32>
    %reduce_min3A_187 = arith.constant dense<2147483647> : vector<16xi32>
    %reduce_min3A_188 = vector.multi_reduction <minsi>, %select_n3A_186, %reduce_min3A_187 [1] : vector<16x64xi32> to vector<16xi32>
    %broadcast_in_dim3A_189 = vector.shape_cast %reduce_min3A_188 : vector<16xi32> to vector<16x1xi32>
    %gt3A_190 = vector.broadcast %iota3A : vector<1x64xi32> to vector<16x64xi32>
    %gt3A_191 = vector.broadcast %broadcast_in_dim3A_189 : vector<16x1xi32> to vector<16x64xi32>
    %gt3A_192 = arith.cmpi sgt, %gt3A_190, %gt3A_191 : vector<16x64xi32>
    %and3A_193 = arith.andi %not3A_23, %gt3A_192 : vector<16x64xi1>
    %jit3A_194 = arith.constant 64 : i32
    %broadcast_in_dim3A_195 = vector.shape_cast %iota3A : vector<1x64xi32> to vector<1x64xi32>
    %broadcast_in_dim3A_196 = vector.broadcast %broadcast_in_dim3A_195 : vector<1x64xi32> to vector<16x64xi32>
    %broadcast_in_dim3A_197 = vector.broadcast %jit3A_194 : i32 to vector<16x64xi32>
    %select_n3A_198 = arith.select %and3A_193, %broadcast_in_dim3A_196, %broadcast_in_dim3A_197 : vector<16x64xi1>, vector<16x64xi32>
    %reduce_min3A_199 = arith.constant dense<2147483647> : vector<16xi32>
    %reduce_min3A_200 = vector.multi_reduction <minsi>, %select_n3A_198, %reduce_min3A_199 [1] : vector<16x64xi32> to vector<16xi32>
    %broadcast_in_dim3A_201 = vector.shape_cast %reduce_min3A_200 : vector<16xi32> to vector<16x1xi32>
    %gt3A_202 = vector.broadcast %iota3A : vector<1x64xi32> to vector<16x64xi32>
    %gt3A_203 = vector.broadcast %broadcast_in_dim3A_201 : vector<16x1xi32> to vector<16x64xi32>
    %gt3A_204 = arith.cmpi sgt, %gt3A_202, %gt3A_203 : vector<16x64xi32>
    %and3A_205 = arith.andi %not3A_23, %gt3A_204 : vector<16x64xi1>
    %jit3A_206 = arith.constant 64 : i32
    %broadcast_in_dim3A_207 = vector.shape_cast %iota3A : vector<1x64xi32> to vector<1x64xi32>
    %broadcast_in_dim3A_208 = vector.broadcast %broadcast_in_dim3A_207 : vector<1x64xi32> to vector<16x64xi32>
    %broadcast_in_dim3A_209 = vector.broadcast %jit3A_206 : i32 to vector<16x64xi32>
    %select_n3A_210 = arith.select %and3A_205, %broadcast_in_dim3A_208, %broadcast_in_dim3A_209 : vector<16x64xi1>, vector<16x64xi32>
    %reduce_min3A_211 = arith.constant dense<2147483647> : vector<16xi32>
    %reduce_min3A_212 = vector.multi_reduction <minsi>, %select_n3A_210, %reduce_min3A_211 [1] : vector<16x64xi32> to vector<16xi32>
    %broadcast_in_dim3A_213 = vector.shape_cast %reduce_min3A_212 : vector<16xi32> to vector<16x1xi32>
    %gt3A_214 = vector.broadcast %iota3A : vector<1x64xi32> to vector<16x64xi32>
    %gt3A_215 = vector.broadcast %broadcast_in_dim3A_213 : vector<16x1xi32> to vector<16x64xi32>
    %gt3A_216 = arith.cmpi sgt, %gt3A_214, %gt3A_215 : vector<16x64xi32>
    %and3A_217 = arith.andi %not3A_23, %gt3A_216 : vector<16x64xi1>
    %jit3A_218 = arith.constant 64 : i32
    %broadcast_in_dim3A_219 = vector.shape_cast %iota3A : vector<1x64xi32> to vector<1x64xi32>
    %broadcast_in_dim3A_220 = vector.broadcast %broadcast_in_dim3A_219 : vector<1x64xi32> to vector<16x64xi32>
    %broadcast_in_dim3A_221 = vector.broadcast %jit3A_218 : i32 to vector<16x64xi32>
    %select_n3A_222 = arith.select %and3A_217, %broadcast_in_dim3A_220, %broadcast_in_dim3A_221 : vector<16x64xi1>, vector<16x64xi32>
    %reduce_min3A_223 = arith.constant dense<2147483647> : vector<16xi32>
    %reduce_min3A_224 = vector.multi_reduction <minsi>, %select_n3A_222, %reduce_min3A_223 [1] : vector<16x64xi32> to vector<16xi32>
    %broadcast_in_dim3A_225 = vector.shape_cast %reduce_min3A_224 : vector<16xi32> to vector<16x1xi32>
    %gt3A_226 = vector.broadcast %iota3A : vector<1x64xi32> to vector<16x64xi32>
    %gt3A_227 = vector.broadcast %broadcast_in_dim3A_225 : vector<16x1xi32> to vector<16x64xi32>
    %gt3A_228 = arith.cmpi sgt, %gt3A_226, %gt3A_227 : vector<16x64xi32>
    %and3A_229 = arith.andi %not3A_23, %gt3A_228 : vector<16x64xi1>
    %jit3A_230 = arith.constant 64 : i32
    %broadcast_in_dim3A_231 = vector.shape_cast %iota3A : vector<1x64xi32> to vector<1x64xi32>
    %broadcast_in_dim3A_232 = vector.broadcast %broadcast_in_dim3A_231 : vector<1x64xi32> to vector<16x64xi32>
    %broadcast_in_dim3A_233 = vector.broadcast %jit3A_230 : i32 to vector<16x64xi32>
    %select_n3A_234 = arith.select %and3A_229, %broadcast_in_dim3A_232, %broadcast_in_dim3A_233 : vector<16x64xi1>, vector<16x64xi32>
    %reduce_min3A_235 = arith.constant dense<2147483647> : vector<16xi32>
    %reduce_min3A_236 = vector.multi_reduction <minsi>, %select_n3A_234, %reduce_min3A_235 [1] : vector<16x64xi32> to vector<16xi32>
    %broadcast_in_dim3A_237 = vector.shape_cast %reduce_min3A_236 : vector<16xi32> to vector<16x1xi32>
    %gt3A_238 = vector.broadcast %iota3A : vector<1x64xi32> to vector<16x64xi32>
    %gt3A_239 = vector.broadcast %broadcast_in_dim3A_237 : vector<16x1xi32> to vector<16x64xi32>
    %gt3A_240 = arith.cmpi sgt, %gt3A_238, %gt3A_239 : vector<16x64xi32>
    %and3A_241 = arith.andi %not3A_23, %gt3A_240 : vector<16x64xi1>
    %jit3A_242 = arith.constant 64 : i32
    %broadcast_in_dim3A_243 = vector.shape_cast %iota3A : vector<1x64xi32> to vector<1x64xi32>
    %broadcast_in_dim3A_244 = vector.broadcast %broadcast_in_dim3A_243 : vector<1x64xi32> to vector<16x64xi32>
    %broadcast_in_dim3A_245 = vector.broadcast %jit3A_242 : i32 to vector<16x64xi32>
    %select_n3A_246 = arith.select %and3A_241, %broadcast_in_dim3A_244, %broadcast_in_dim3A_245 : vector<16x64xi1>, vector<16x64xi32>
    %reduce_min3A_247 = arith.constant dense<2147483647> : vector<16xi32>
    %reduce_min3A_248 = vector.multi_reduction <minsi>, %select_n3A_246, %reduce_min3A_247 [1] : vector<16x64xi32> to vector<16xi32>
    %broadcast_in_dim3A_249 = vector.shape_cast %reduce_min3A_248 : vector<16xi32> to vector<16x1xi32>
    %gt3A_250 = vector.broadcast %iota3A : vector<1x64xi32> to vector<16x64xi32>
    %gt3A_251 = vector.broadcast %broadcast_in_dim3A_249 : vector<16x1xi32> to vector<16x64xi32>
    %gt3A_252 = arith.cmpi sgt, %gt3A_250, %gt3A_251 : vector<16x64xi32>
    %and3A_253 = arith.andi %not3A_23, %gt3A_252 : vector<16x64xi1>
    %jit3A_254 = arith.constant 64 : i32
    %broadcast_in_dim3A_255 = vector.shape_cast %iota3A : vector<1x64xi32> to vector<1x64xi32>
    %broadcast_in_dim3A_256 = vector.broadcast %broadcast_in_dim3A_255 : vector<1x64xi32> to vector<16x64xi32>
    %broadcast_in_dim3A_257 = vector.broadcast %jit3A_254 : i32 to vector<16x64xi32>
    %select_n3A_258 = arith.select %and3A_253, %broadcast_in_dim3A_256, %broadcast_in_dim3A_257 : vector<16x64xi1>, vector<16x64xi32>
    %reduce_min3A_259 = arith.constant dense<2147483647> : vector<16xi32>
    %reduce_min3A_260 = vector.multi_reduction <minsi>, %select_n3A_258, %reduce_min3A_259 [1] : vector<16x64xi32> to vector<16xi32>
    %broadcast_in_dim3A_261 = vector.shape_cast %reduce_min3A_260 : vector<16xi32> to vector<16x1xi32>
    %gt3A_262 = vector.broadcast %iota3A : vector<1x64xi32> to vector<16x64xi32>
    %gt3A_263 = vector.broadcast %broadcast_in_dim3A_261 : vector<16x1xi32> to vector<16x64xi32>
    %gt3A_264 = arith.cmpi sgt, %gt3A_262, %gt3A_263 : vector<16x64xi32>
    %and3A_265 = arith.andi %not3A_23, %gt3A_264 : vector<16x64xi1>
    %jit3A_266 = arith.constant 64 : i32
    %broadcast_in_dim3A_267 = vector.shape_cast %iota3A : vector<1x64xi32> to vector<1x64xi32>
    %broadcast_in_dim3A_268 = vector.broadcast %broadcast_in_dim3A_267 : vector<1x64xi32> to vector<16x64xi32>
    %broadcast_in_dim3A_269 = vector.broadcast %jit3A_266 : i32 to vector<16x64xi32>
    %select_n3A_270 = arith.select %and3A_265, %broadcast_in_dim3A_268, %broadcast_in_dim3A_269 : vector<16x64xi1>, vector<16x64xi32>
    %reduce_min3A_271 = arith.constant dense<2147483647> : vector<16xi32>
    %reduce_min3A_272 = vector.multi_reduction <minsi>, %select_n3A_270, %reduce_min3A_271 [1] : vector<16x64xi32> to vector<16xi32>
    %broadcast_in_dim3A_273 = vector.shape_cast %reduce_min3A_272 : vector<16xi32> to vector<16x1xi32>
    %gt3A_274 = vector.broadcast %iota3A : vector<1x64xi32> to vector<16x64xi32>
    %gt3A_275 = vector.broadcast %broadcast_in_dim3A_273 : vector<16x1xi32> to vector<16x64xi32>
    %gt3A_276 = arith.cmpi sgt, %gt3A_274, %gt3A_275 : vector<16x64xi32>
    %and3A_277 = arith.andi %not3A_23, %gt3A_276 : vector<16x64xi1>
    %jit3A_278 = arith.constant 64 : i32
    %broadcast_in_dim3A_279 = vector.shape_cast %iota3A : vector<1x64xi32> to vector<1x64xi32>
    %broadcast_in_dim3A_280 = vector.broadcast %broadcast_in_dim3A_279 : vector<1x64xi32> to vector<16x64xi32>
    %broadcast_in_dim3A_281 = vector.broadcast %jit3A_278 : i32 to vector<16x64xi32>
    %select_n3A_282 = arith.select %and3A_277, %broadcast_in_dim3A_280, %broadcast_in_dim3A_281 : vector<16x64xi1>, vector<16x64xi32>
    %reduce_min3A_283 = arith.constant dense<2147483647> : vector<16xi32>
    %reduce_min3A_284 = vector.multi_reduction <minsi>, %select_n3A_282, %reduce_min3A_283 [1] : vector<16x64xi32> to vector<16xi32>
    %broadcast_in_dim3A_285 = vector.shape_cast %reduce_min3A_284 : vector<16xi32> to vector<16x1xi32>
    %gt3A_286 = vector.broadcast %iota3A : vector<1x64xi32> to vector<16x64xi32>
    %gt3A_287 = vector.broadcast %broadcast_in_dim3A_285 : vector<16x1xi32> to vector<16x64xi32>
    %gt3A_288 = arith.cmpi sgt, %gt3A_286, %gt3A_287 : vector<16x64xi32>
    %and3A_289 = arith.andi %not3A_23, %gt3A_288 : vector<16x64xi1>
    %jit3A_290 = arith.constant 64 : i32
    %broadcast_in_dim3A_291 = vector.shape_cast %iota3A : vector<1x64xi32> to vector<1x64xi32>
    %broadcast_in_dim3A_292 = vector.broadcast %broadcast_in_dim3A_291 : vector<1x64xi32> to vector<16x64xi32>
    %broadcast_in_dim3A_293 = vector.broadcast %jit3A_290 : i32 to vector<16x64xi32>
    %select_n3A_294 = arith.select %and3A_289, %broadcast_in_dim3A_292, %broadcast_in_dim3A_293 : vector<16x64xi1>, vector<16x64xi32>
    %reduce_min3A_295 = arith.constant dense<2147483647> : vector<16xi32>
    %reduce_min3A_296 = vector.multi_reduction <minsi>, %select_n3A_294, %reduce_min3A_295 [1] : vector<16x64xi32> to vector<16xi32>
    %broadcast_in_dim3A_297 = vector.shape_cast %reduce_min3A_296 : vector<16xi32> to vector<16x1xi32>
    %gt3A_298 = vector.broadcast %iota3A : vector<1x64xi32> to vector<16x64xi32>
    %gt3A_299 = vector.broadcast %broadcast_in_dim3A_297 : vector<16x1xi32> to vector<16x64xi32>
    %gt3A_300 = arith.cmpi sgt, %gt3A_298, %gt3A_299 : vector<16x64xi32>
    %and3A_301 = arith.andi %not3A_23, %gt3A_300 : vector<16x64xi1>
    %jit3A_302 = arith.constant 64 : i32
    %broadcast_in_dim3A_303 = vector.shape_cast %iota3A : vector<1x64xi32> to vector<1x64xi32>
    %broadcast_in_dim3A_304 = vector.broadcast %broadcast_in_dim3A_303 : vector<1x64xi32> to vector<16x64xi32>
    %broadcast_in_dim3A_305 = vector.broadcast %jit3A_302 : i32 to vector<16x64xi32>
    %select_n3A_306 = arith.select %and3A_301, %broadcast_in_dim3A_304, %broadcast_in_dim3A_305 : vector<16x64xi1>, vector<16x64xi32>
    %reduce_min3A_307 = arith.constant dense<2147483647> : vector<16xi32>
    %reduce_min3A_308 = vector.multi_reduction <minsi>, %select_n3A_306, %reduce_min3A_307 [1] : vector<16x64xi32> to vector<16xi32>
    %broadcast_in_dim3A_309 = vector.shape_cast %reduce_min3A_308 : vector<16xi32> to vector<16x1xi32>
    %gt3A_310 = vector.broadcast %iota3A : vector<1x64xi32> to vector<16x64xi32>
    %gt3A_311 = vector.broadcast %broadcast_in_dim3A_309 : vector<16x1xi32> to vector<16x64xi32>
    %gt3A_312 = arith.cmpi sgt, %gt3A_310, %gt3A_311 : vector<16x64xi32>
    %and3A_313 = arith.andi %not3A_23, %gt3A_312 : vector<16x64xi1>
    %jit3A_314 = arith.constant 64 : i32
    %broadcast_in_dim3A_315 = vector.shape_cast %iota3A : vector<1x64xi32> to vector<1x64xi32>
    %broadcast_in_dim3A_316 = vector.broadcast %broadcast_in_dim3A_315 : vector<1x64xi32> to vector<16x64xi32>
    %broadcast_in_dim3A_317 = vector.broadcast %jit3A_314 : i32 to vector<16x64xi32>
    %select_n3A_318 = arith.select %and3A_313, %broadcast_in_dim3A_316, %broadcast_in_dim3A_317 : vector<16x64xi1>, vector<16x64xi32>
    %reduce_min3A_319 = arith.constant dense<2147483647> : vector<16xi32>
    %reduce_min3A_320 = vector.multi_reduction <minsi>, %select_n3A_318, %reduce_min3A_319 [1] : vector<16x64xi32> to vector<16xi32>
    %broadcast_in_dim3A_321 = vector.shape_cast %reduce_min3A_320 : vector<16xi32> to vector<16x1xi32>
    %gt3A_322 = vector.broadcast %iota3A : vector<1x64xi32> to vector<16x64xi32>
    %gt3A_323 = vector.broadcast %broadcast_in_dim3A_321 : vector<16x1xi32> to vector<16x64xi32>
    %gt3A_324 = arith.cmpi sgt, %gt3A_322, %gt3A_323 : vector<16x64xi32>
    %and3A_325 = arith.andi %not3A_23, %gt3A_324 : vector<16x64xi1>
    %jit3A_326 = arith.constant 64 : i32
    %broadcast_in_dim3A_327 = vector.shape_cast %iota3A : vector<1x64xi32> to vector<1x64xi32>
    %broadcast_in_dim3A_328 = vector.broadcast %broadcast_in_dim3A_327 : vector<1x64xi32> to vector<16x64xi32>
    %broadcast_in_dim3A_329 = vector.broadcast %jit3A_326 : i32 to vector<16x64xi32>
    %select_n3A_330 = arith.select %and3A_325, %broadcast_in_dim3A_328, %broadcast_in_dim3A_329 : vector<16x64xi1>, vector<16x64xi32>
    %reduce_min3A_331 = arith.constant dense<2147483647> : vector<16xi32>
    %reduce_min3A_332 = vector.multi_reduction <minsi>, %select_n3A_330, %reduce_min3A_331 [1] : vector<16x64xi32> to vector<16xi32>
    %broadcast_in_dim3A_333 = vector.shape_cast %reduce_min3A_332 : vector<16xi32> to vector<16x1xi32>
    %gt3A_334 = vector.broadcast %iota3A : vector<1x64xi32> to vector<16x64xi32>
    %gt3A_335 = vector.broadcast %broadcast_in_dim3A_333 : vector<16x1xi32> to vector<16x64xi32>
    %gt3A_336 = arith.cmpi sgt, %gt3A_334, %gt3A_335 : vector<16x64xi32>
    %and3A_337 = arith.andi %not3A_23, %gt3A_336 : vector<16x64xi1>
    %jit3A_338 = arith.constant 64 : i32
    %broadcast_in_dim3A_339 = vector.shape_cast %iota3A : vector<1x64xi32> to vector<1x64xi32>
    %broadcast_in_dim3A_340 = vector.broadcast %broadcast_in_dim3A_339 : vector<1x64xi32> to vector<16x64xi32>
    %broadcast_in_dim3A_341 = vector.broadcast %jit3A_338 : i32 to vector<16x64xi32>
    %select_n3A_342 = arith.select %and3A_337, %broadcast_in_dim3A_340, %broadcast_in_dim3A_341 : vector<16x64xi1>, vector<16x64xi32>
    %reduce_min3A_343 = arith.constant dense<2147483647> : vector<16xi32>
    %reduce_min3A_344 = vector.multi_reduction <minsi>, %select_n3A_342, %reduce_min3A_343 [1] : vector<16x64xi32> to vector<16xi32>
    %broadcast_in_dim3A_345 = vector.shape_cast %reduce_min3A_344 : vector<16xi32> to vector<16x1xi32>
    %gt3A_346 = vector.broadcast %iota3A : vector<1x64xi32> to vector<16x64xi32>
    %gt3A_347 = vector.broadcast %broadcast_in_dim3A_345 : vector<16x1xi32> to vector<16x64xi32>
    %gt3A_348 = arith.cmpi sgt, %gt3A_346, %gt3A_347 : vector<16x64xi32>
    %and3A_349 = arith.andi %not3A_23, %gt3A_348 : vector<16x64xi1>
    %jit3A_350 = arith.constant 64 : i32
    %broadcast_in_dim3A_351 = vector.shape_cast %iota3A : vector<1x64xi32> to vector<1x64xi32>
    %broadcast_in_dim3A_352 = vector.broadcast %broadcast_in_dim3A_351 : vector<1x64xi32> to vector<16x64xi32>
    %broadcast_in_dim3A_353 = vector.broadcast %jit3A_350 : i32 to vector<16x64xi32>
    %select_n3A_354 = arith.select %and3A_349, %broadcast_in_dim3A_352, %broadcast_in_dim3A_353 : vector<16x64xi1>, vector<16x64xi32>
    %reduce_min3A_355 = arith.constant dense<2147483647> : vector<16xi32>
    %reduce_min3A_356 = vector.multi_reduction <minsi>, %select_n3A_354, %reduce_min3A_355 [1] : vector<16x64xi32> to vector<16xi32>
    %broadcast_in_dim3A_357 = vector.shape_cast %reduce_min3A_356 : vector<16xi32> to vector<16x1xi32>
    %gt3A_358 = vector.broadcast %iota3A : vector<1x64xi32> to vector<16x64xi32>
    %gt3A_359 = vector.broadcast %broadcast_in_dim3A_357 : vector<16x1xi32> to vector<16x64xi32>
    %gt3A_360 = arith.cmpi sgt, %gt3A_358, %gt3A_359 : vector<16x64xi32>
    %and3A_361 = arith.andi %not3A_23, %gt3A_360 : vector<16x64xi1>
    %jit3A_362 = arith.constant 64 : i32
    %broadcast_in_dim3A_363 = vector.shape_cast %iota3A : vector<1x64xi32> to vector<1x64xi32>
    %broadcast_in_dim3A_364 = vector.broadcast %broadcast_in_dim3A_363 : vector<1x64xi32> to vector<16x64xi32>
    %broadcast_in_dim3A_365 = vector.broadcast %jit3A_362 : i32 to vector<16x64xi32>
    %select_n3A_366 = arith.select %and3A_361, %broadcast_in_dim3A_364, %broadcast_in_dim3A_365 : vector<16x64xi1>, vector<16x64xi32>
    %reduce_min3A_367 = arith.constant dense<2147483647> : vector<16xi32>
    %reduce_min3A_368 = vector.multi_reduction <minsi>, %select_n3A_366, %reduce_min3A_367 [1] : vector<16x64xi32> to vector<16xi32>
    %broadcast_in_dim3A_369 = vector.shape_cast %reduce_min3A_368 : vector<16xi32> to vector<16x1xi32>
    %gt3A_370 = vector.broadcast %iota3A : vector<1x64xi32> to vector<16x64xi32>
    %gt3A_371 = vector.broadcast %broadcast_in_dim3A_369 : vector<16x1xi32> to vector<16x64xi32>
    %gt3A_372 = arith.cmpi sgt, %gt3A_370, %gt3A_371 : vector<16x64xi32>
    %and3A_373 = arith.andi %not3A_23, %gt3A_372 : vector<16x64xi1>
    %jit3A_374 = arith.constant 64 : i32
    %broadcast_in_dim3A_375 = vector.shape_cast %iota3A : vector<1x64xi32> to vector<1x64xi32>
    %broadcast_in_dim3A_376 = vector.broadcast %broadcast_in_dim3A_375 : vector<1x64xi32> to vector<16x64xi32>
    %broadcast_in_dim3A_377 = vector.broadcast %jit3A_374 : i32 to vector<16x64xi32>
    %select_n3A_378 = arith.select %and3A_373, %broadcast_in_dim3A_376, %broadcast_in_dim3A_377 : vector<16x64xi1>, vector<16x64xi32>
    %reduce_min3A_379 = arith.constant dense<2147483647> : vector<16xi32>
    %reduce_min3A_380 = vector.multi_reduction <minsi>, %select_n3A_378, %reduce_min3A_379 [1] : vector<16x64xi32> to vector<16xi32>
    %broadcast_in_dim3A_381 = vector.shape_cast %reduce_min3A_380 : vector<16xi32> to vector<16x1xi32>
    %gt3A_382 = vector.broadcast %iota3A : vector<1x64xi32> to vector<16x64xi32>
    %gt3A_383 = vector.broadcast %broadcast_in_dim3A_381 : vector<16x1xi32> to vector<16x64xi32>
    %gt3A_384 = arith.cmpi sgt, %gt3A_382, %gt3A_383 : vector<16x64xi32>
    %and3A_385 = arith.andi %not3A_23, %gt3A_384 : vector<16x64xi1>
    %jit3A_386 = arith.constant 64 : i32
    %broadcast_in_dim3A_387 = vector.shape_cast %iota3A : vector<1x64xi32> to vector<1x64xi32>
    %broadcast_in_dim3A_388 = vector.broadcast %broadcast_in_dim3A_387 : vector<1x64xi32> to vector<16x64xi32>
    %broadcast_in_dim3A_389 = vector.broadcast %jit3A_386 : i32 to vector<16x64xi32>
    %select_n3A_390 = arith.select %and3A_385, %broadcast_in_dim3A_388, %broadcast_in_dim3A_389 : vector<16x64xi1>, vector<16x64xi32>
    %reduce_min3A_391 = arith.constant dense<2147483647> : vector<16xi32>
    %reduce_min3A_392 = vector.multi_reduction <minsi>, %select_n3A_390, %reduce_min3A_391 [1] : vector<16x64xi32> to vector<16xi32>
    %broadcast_in_dim3A_393 = vector.shape_cast %reduce_min3A_392 : vector<16xi32> to vector<16x1xi32>
    %gt3A_394 = vector.broadcast %iota3A : vector<1x64xi32> to vector<16x64xi32>
    %gt3A_395 = vector.broadcast %broadcast_in_dim3A_393 : vector<16x1xi32> to vector<16x64xi32>
    %gt3A_396 = arith.cmpi sgt, %gt3A_394, %gt3A_395 : vector<16x64xi32>
    %and3A_397 = arith.andi %not3A_23, %gt3A_396 : vector<16x64xi1>
    %jit3A_398 = arith.constant 64 : i32
    %broadcast_in_dim3A_399 = vector.shape_cast %iota3A : vector<1x64xi32> to vector<1x64xi32>
    %broadcast_in_dim3A_400 = vector.broadcast %broadcast_in_dim3A_399 : vector<1x64xi32> to vector<16x64xi32>
    %broadcast_in_dim3A_401 = vector.broadcast %jit3A_398 : i32 to vector<16x64xi32>
    %select_n3A_402 = arith.select %and3A_397, %broadcast_in_dim3A_400, %broadcast_in_dim3A_401 : vector<16x64xi1>, vector<16x64xi32>
    %reduce_min3A_403 = arith.constant dense<2147483647> : vector<16xi32>
    %reduce_min3A_404 = vector.multi_reduction <minsi>, %select_n3A_402, %reduce_min3A_403 [1] : vector<16x64xi32> to vector<16xi32>
    %broadcast_in_dim3A_405 = vector.shape_cast %reduce_min3A_404 : vector<16xi32> to vector<16x1xi32>
    %concatenate3A = tpu.concatenate %broadcast_in_dim3A_33, %broadcast_in_dim3A_45, %broadcast_in_dim3A_57, %broadcast_in_dim3A_69, %broadcast_in_dim3A_81, %broadcast_in_dim3A_93, %broadcast_in_dim3A_105, %broadcast_in_dim3A_117, %broadcast_in_dim3A_129, %broadcast_in_dim3A_141, %broadcast_in_dim3A_153, %broadcast_in_dim3A_165, %broadcast_in_dim3A_177, %broadcast_in_dim3A_189, %broadcast_in_dim3A_201, %broadcast_in_dim3A_213, %broadcast_in_dim3A_225, %broadcast_in_dim3A_237, %broadcast_in_dim3A_249, %broadcast_in_dim3A_261, %broadcast_in_dim3A_273, %broadcast_in_dim3A_285, %broadcast_in_dim3A_297, %broadcast_in_dim3A_309, %broadcast_in_dim3A_321, %broadcast_in_dim3A_333, %broadcast_in_dim3A_345, %broadcast_in_dim3A_357, %broadcast_in_dim3A_369, %broadcast_in_dim3A_381, %broadcast_in_dim3A_393, %broadcast_in_dim3A_405 in 1 : vector<16x1xi32>, vector<16x1xi32>, vector<16x1xi32>, vector<16x1xi32>, vector<16x1xi32>, vector<16x1xi32>, vector<16x1xi32>, vector<16x1xi32>, vector<16x1xi32>, vector<16x1xi32>, vector<16x1xi32>, vector<16x1xi32>, vector<16x1xi32>, vector<16x1xi32>, vector<16x1xi32>, vector<16x1xi32>, vector<16x1xi32>, vector<16x1xi32>, vector<16x1xi32>, vector<16x1xi32>, vector<16x1xi32>, vector<16x1xi32>, vector<16x1xi32>, vector<16x1xi32>, vector<16x1xi32>, vector<16x1xi32>, vector<16x1xi32>, vector<16x1xi32>, vector<16x1xi32>, vector<16x1xi32>, vector<16x1xi32>, vector<16x1xi32> -> vector<16x32xi32>
    %slice3A = vector.extract_strided_slice %concatenate3A {offsets = [0, 0], sizes = [16, 1], strides = [1, 1]} : vector<16x32xi32> to vector<16x1xi32>
    %eq3A = arith.constant 64 : i32
    %eq3A_406 = vector.broadcast %eq3A : i32 to vector<16x32xi32>
    %eq3A_407 = arith.cmpi eq, %concatenate3A, %eq3A_406 : vector<16x32xi32>
    %broadcast_in_dim3A_408 = vector.shape_cast %slice3A : vector<16x1xi32> to vector<16x1xi32>
    %broadcast_in_dim3A_409 = vector.broadcast %broadcast_in_dim3A_408 : vector<16x1xi32> to vector<16x32xi32>
    %select_n3A_410 = arith.select %eq3A_407, %broadcast_in_dim3A_409, %concatenate3A : vector<16x32xi1>, vector<16x32xi32>
    %swap3A = arith.constant 0 : index
    %swap3A_411 = arith.constant 0 : index
    %swap3A_412 = arith.constant 0 : index
    %swap3A_413 = vector.load %arg4[%swap3A, %swap3A_411, %swap3A_412] : memref<1x16x32xi32, #tpu.memory_space<vmem>>, vector<1x16x32xi32>
    %swap3A_414 = vector.shape_cast %swap3A_413 : vector<1x16x32xi32> to vector<16x32xi32>
    %swap3A_415 = vector.shape_cast %select_n3A_410 : vector<16x32xi32> to vector<1x16x32xi32>
    tpu.vector_store %arg4[%swap3A, %swap3A_411, %swap3A_412], %swap3A_415 {strides = array<i32>} : memref<1x16x32xi32, #tpu.memory_space<vmem>>, vector<1x16x32xi32>,
    return
  }
  func.func @transform_0(%arg0: i32, %arg1: i32) -> (i32, i32, i32) {
    %c0_i32 = arith.constant 0 : i32
    %c0_i32_0 = arith.constant 0 : i32
    return %arg0, %arg1, %c0_i32 : i32, i32, i32
  }
  func.func @transform_1(%arg0: i32, %arg1: i32) -> (i32, i32, i32) {
    %c0_i32 = arith.constant 0 : i32
    %c0_i32_0 = arith.constant 0 : i32
    %c0_i32_1 = arith.constant 0 : i32
    return %arg0, %c0_i32, %c0_i32_0 : i32, i32, i32
  }
  func.func @transform_2(%arg0: i32, %arg1: i32) -> (i32, i32, i32) {
    %c0_i32 = arith.constant 0 : i32
    %c0_i32_0 = arith.constant 0 : i32
    return %arg0, %arg1, %c0_i32 : i32, i32, i32
  }
}

module attributes {stable_mosaic.version = 14 : i64} {
  func.func @_knn3_kernel(%arg0: i32, %arg1: i32, %arg2: memref<1x64x16xf32, #tpu.memory_space<vmem>>, %arg3: memref<1x16x512xf32, #tpu.memory_space<vmem>>, %arg4: memref<1x64x512xf32, #tpu.memory_space<vmem>>) attributes {dimension_semantics = [#tpu.dimension_semantics<arbitrary>, #tpu.dimension_semantics<arbitrary>], iteration_bounds = array<i64: 2, 1>, scalar_prefetch = 0 : i64, scratch_operands = 0 : i64, tpu.core_type = #tpu.core_type<tc>, window_params = [{transform_indices = @transform_0, window_bounds = array<i64: 1, 64, 16>}, {transform_indices = @transform_1, window_bounds = array<i64: 1, 16, 512>}, {transform_indices = @transform_2, window_bounds = array<i64: 1, 64, 512>}]} {
    %get3A = arith.constant 0 : index
    %get3A_0 = arith.constant 0 : index
    %get3A_1 = arith.constant 0 : index
    %get3A_2 = vector.load %arg2[%get3A, %get3A_0, %get3A_1] : memref<1x64x16xf32, #tpu.memory_space<vmem>>, vector<1x64x16xf32>
    %get3A_3 = vector.shape_cast %get3A_2 : vector<1x64x16xf32> to vector<64x16xf32>
    %get3A_4 = arith.constant 0 : index
    %get3A_5 = arith.constant 0 : index
    %get3A_6 = arith.constant 0 : index
    %get3A_7 = vector.load %arg3[%get3A_4, %get3A_5, %get3A_6] : memref<1x16x512xf32, #tpu.memory_space<vmem>>, vector<1x16x512xf32>
    %get3A_8 = vector.shape_cast %get3A_7 : vector<1x16x512xf32> to vector<16x512xf32>
    %iota3A = tpu.iota {dimensions = array<i32: 1>} : vector<1x16xi32>
    %reduce_min3A = arith.constant dense<0x7F800000> : vector<64xf32>
    %reduce_min3A_9 = vector.multi_reduction <minimumf>, %get3A_3, %reduce_min3A [1] : vector<64x16xf32> to vector<64xf32>
    %broadcast_in_dim3A = vector.shape_cast %reduce_min3A_9 : vector<64xf32> to vector<64x1xf32>
    %eq3A = vector.broadcast %broadcast_in_dim3A : vector<64x1xf32> to vector<64x16xf32>
    %eq3A_10 = arith.cmpf oeq, %get3A_3, %eq3A : vector<64x16xf32>
    %jit3A = arith.constant 16 : i32
    %broadcast_in_dim3A_11 = vector.shape_cast %iota3A : vector<1x16xi32> to vector<1x16xi32>
    %broadcast_in_dim3A_12 = vector.broadcast %broadcast_in_dim3A_11 : vector<1x16xi32> to vector<64x16xi32>
    %broadcast_in_dim3A_13 = vector.broadcast %jit3A : i32 to vector<64x16xi32>
    %select_n3A = arith.select %eq3A_10, %broadcast_in_dim3A_12, %broadcast_in_dim3A_13 : vector<64x16xi1>, vector<64x16xi32>
    %reduce_min3A_14 = arith.constant dense<2147483647> : vector<64xi32>
    %reduce_min3A_15 = vector.multi_reduction <minsi>, %select_n3A, %reduce_min3A_14 [1] : vector<64x16xi32> to vector<64xi32>
    %broadcast_in_dim3A_16 = vector.shape_cast %reduce_min3A_15 : vector<64xi32> to vector<64x1xi32>
    %eq3A_17 = vector.broadcast %iota3A : vector<1x16xi32> to vector<64x16xi32>
    %eq3A_18 = vector.broadcast %broadcast_in_dim3A_16 : vector<64x1xi32> to vector<64x16xi32>
    %eq3A_19 = arith.cmpi eq, %eq3A_17, %eq3A_18 : vector<64x16xi32>
    %jit3A_20 = arith.constant 1.000000e+30 : f32
    %broadcast_in_dim3A_21 = vector.broadcast %jit3A_20 : f32 to vector<64x16xf32>
    %select_n3A_22 = arith.select %eq3A_19, %broadcast_in_dim3A_21, %get3A_3 : vector<64x16xi1>, vector<64x16xf32>
    %reduce_min3A_23 = arith.constant dense<0x7F800000> : vector<64xf32>
    %reduce_min3A_24 = vector.multi_reduction <minimumf>, %select_n3A_22, %reduce_min3A_23 [1] : vector<64x16xf32> to vector<64xf32>
    %broadcast_in_dim3A_25 = vector.shape_cast %reduce_min3A_24 : vector<64xf32> to vector<64x1xf32>
    %eq3A_26 = vector.broadcast %broadcast_in_dim3A_25 : vector<64x1xf32> to vector<64x16xf32>
    %eq3A_27 = arith.cmpf oeq, %select_n3A_22, %eq3A_26 : vector<64x16xf32>
    %jit3A_28 = arith.constant 16 : i32
    %broadcast_in_dim3A_29 = vector.shape_cast %iota3A : vector<1x16xi32> to vector<1x16xi32>
    %broadcast_in_dim3A_30 = vector.broadcast %broadcast_in_dim3A_29 : vector<1x16xi32> to vector<64x16xi32>
    %broadcast_in_dim3A_31 = vector.broadcast %jit3A_28 : i32 to vector<64x16xi32>
    %select_n3A_32 = arith.select %eq3A_27, %broadcast_in_dim3A_30, %broadcast_in_dim3A_31 : vector<64x16xi1>, vector<64x16xi32>
    %reduce_min3A_33 = arith.constant dense<2147483647> : vector<64xi32>
    %reduce_min3A_34 = vector.multi_reduction <minsi>, %select_n3A_32, %reduce_min3A_33 [1] : vector<64x16xi32> to vector<64xi32>
    %broadcast_in_dim3A_35 = vector.shape_cast %reduce_min3A_34 : vector<64xi32> to vector<64x1xi32>
    %eq3A_36 = vector.broadcast %iota3A : vector<1x16xi32> to vector<64x16xi32>
    %eq3A_37 = vector.broadcast %broadcast_in_dim3A_35 : vector<64x1xi32> to vector<64x16xi32>
    %eq3A_38 = arith.cmpi eq, %eq3A_36, %eq3A_37 : vector<64x16xi32>
    %jit3A_39 = arith.constant 1.000000e+30 : f32
    %broadcast_in_dim3A_40 = vector.broadcast %jit3A_39 : f32 to vector<64x16xf32>
    %select_n3A_41 = arith.select %eq3A_38, %broadcast_in_dim3A_40, %select_n3A_22 : vector<64x16xi1>, vector<64x16xf32>
    %reduce_min3A_42 = arith.constant dense<0x7F800000> : vector<64xf32>
    %reduce_min3A_43 = vector.multi_reduction <minimumf>, %select_n3A_41, %reduce_min3A_42 [1] : vector<64x16xf32> to vector<64xf32>
    %broadcast_in_dim3A_44 = vector.shape_cast %reduce_min3A_43 : vector<64xf32> to vector<64x1xf32>
    %eq3A_45 = vector.broadcast %broadcast_in_dim3A_44 : vector<64x1xf32> to vector<64x16xf32>
    %eq3A_46 = arith.cmpf oeq, %select_n3A_41, %eq3A_45 : vector<64x16xf32>
    %jit3A_47 = arith.constant 16 : i32
    %broadcast_in_dim3A_48 = vector.shape_cast %iota3A : vector<1x16xi32> to vector<1x16xi32>
    %broadcast_in_dim3A_49 = vector.broadcast %broadcast_in_dim3A_48 : vector<1x16xi32> to vector<64x16xi32>
    %broadcast_in_dim3A_50 = vector.broadcast %jit3A_47 : i32 to vector<64x16xi32>
    %select_n3A_51 = arith.select %eq3A_46, %broadcast_in_dim3A_49, %broadcast_in_dim3A_50 : vector<64x16xi1>, vector<64x16xi32>
    %reduce_min3A_52 = arith.constant dense<2147483647> : vector<64xi32>
    %reduce_min3A_53 = vector.multi_reduction <minsi>, %select_n3A_51, %reduce_min3A_52 [1] : vector<64x16xi32> to vector<64xi32>
    %broadcast_in_dim3A_54 = vector.shape_cast %reduce_min3A_53 : vector<64xi32> to vector<64x1xi32>
    %concatenate3A = tpu.concatenate %broadcast_in_dim3A, %broadcast_in_dim3A_25, %broadcast_in_dim3A_44 in 1 : vector<64x1xf32>, vector<64x1xf32>, vector<64x1xf32> -> vector<64x3xf32>
    %add3A = arith.constant 9.99999993E-9 : f32
    %add3A_55 = vector.broadcast %add3A : f32 to vector<64x3xf32>
    %add3A_56 = arith.addf %concatenate3A, %add3A_55 : vector<64x3xf32>
    %div3A = arith.constant 1.000000e+00 : f32
    %div3A_57 = vector.broadcast %div3A : f32 to vector<64x3xf32>
    %div3A_58 = arith.divf %div3A_57, %add3A_56 : vector<64x3xf32>
    %reduce_sum3A = arith.constant dense<0.000000e+00> : vector<64xf32>
    %reduce_sum3A_59 = vector.multi_reduction <add>, %div3A_58, %reduce_sum3A [1] : vector<64x3xf32> to vector<64xf32>
    %broadcast_in_dim3A_60 = vector.shape_cast %reduce_sum3A_59 : vector<64xf32> to vector<64x1xf32>
    %div3A_61 = vector.broadcast %broadcast_in_dim3A_60 : vector<64x1xf32> to vector<64x3xf32>
    %div3A_62 = arith.divf %div3A_58, %div3A_61 : vector<64x3xf32>
    %broadcast_in_dim3A_63 = arith.constant 0.000000e+00 : f32
    %broadcast_in_dim3A_64 = vector.broadcast %broadcast_in_dim3A_63 : f32 to vector<64x16xf32>
    %eq3A_65 = vector.broadcast %iota3A : vector<1x16xi32> to vector<64x16xi32>
    %eq3A_66 = vector.broadcast %broadcast_in_dim3A_16 : vector<64x1xi32> to vector<64x16xi32>
    %eq3A_67 = arith.cmpi eq, %eq3A_65, %eq3A_66 : vector<64x16xi32>
    %slice3A = vector.extract_strided_slice %div3A_62 {offsets = [0, 0], sizes = [64, 1], strides = [1, 1]} : vector<64x3xf32> to vector<64x1xf32>
    %jit3A_68 = arith.constant 0.000000e+00 : f32
    %broadcast_in_dim3A_69 = vector.shape_cast %slice3A : vector<64x1xf32> to vector<64x1xf32>
    %broadcast_in_dim3A_70 = vector.broadcast %broadcast_in_dim3A_69 : vector<64x1xf32> to vector<64x16xf32>
    %broadcast_in_dim3A_71 = vector.broadcast %jit3A_68 : f32 to vector<64x16xf32>
    %select_n3A_72 = arith.select %eq3A_67, %broadcast_in_dim3A_70, %broadcast_in_dim3A_71 : vector<64x16xi1>, vector<64x16xf32>
    %add3A_73 = arith.addf %broadcast_in_dim3A_64, %select_n3A_72 : vector<64x16xf32>
    %eq3A_74 = vector.broadcast %iota3A : vector<1x16xi32> to vector<64x16xi32>
    %eq3A_75 = vector.broadcast %broadcast_in_dim3A_35 : vector<64x1xi32> to vector<64x16xi32>
    %eq3A_76 = arith.cmpi eq, %eq3A_74, %eq3A_75 : vector<64x16xi32>
    %slice3A_77 = vector.extract_strided_slice %div3A_62 {offsets = [0, 1], sizes = [64, 1], strides = [1, 1]} : vector<64x3xf32> to vector<64x1xf32>
    %jit3A_78 = arith.constant 0.000000e+00 : f32
    %broadcast_in_dim3A_79 = vector.shape_cast %slice3A_77 : vector<64x1xf32> to vector<64x1xf32>
    %broadcast_in_dim3A_80 = vector.broadcast %broadcast_in_dim3A_79 : vector<64x1xf32> to vector<64x16xf32>
    %broadcast_in_dim3A_81 = vector.broadcast %jit3A_78 : f32 to vector<64x16xf32>
    %select_n3A_82 = arith.select %eq3A_76, %broadcast_in_dim3A_80, %broadcast_in_dim3A_81 : vector<64x16xi1>, vector<64x16xf32>
    %add3A_83 = arith.addf %add3A_73, %select_n3A_82 : vector<64x16xf32>
    %eq3A_84 = vector.broadcast %iota3A : vector<1x16xi32> to vector<64x16xi32>
    %eq3A_85 = vector.broadcast %broadcast_in_dim3A_54 : vector<64x1xi32> to vector<64x16xi32>
    %eq3A_86 = arith.cmpi eq, %eq3A_84, %eq3A_85 : vector<64x16xi32>
    %slice3A_87 = vector.extract_strided_slice %div3A_62 {offsets = [0, 2], sizes = [64, 1], strides = [1, 1]} : vector<64x3xf32> to vector<64x1xf32>
    %jit3A_88 = arith.constant 0.000000e+00 : f32
    %broadcast_in_dim3A_89 = vector.shape_cast %slice3A_87 : vector<64x1xf32> to vector<64x1xf32>
    %broadcast_in_dim3A_90 = vector.broadcast %broadcast_in_dim3A_89 : vector<64x1xf32> to vector<64x16xf32>
    %broadcast_in_dim3A_91 = vector.broadcast %jit3A_88 : f32 to vector<64x16xf32>
    %select_n3A_92 = arith.select %eq3A_86, %broadcast_in_dim3A_90, %broadcast_in_dim3A_91 : vector<64x16xi1>, vector<64x16xf32>
    %add3A_93 = arith.addf %add3A_83, %select_n3A_92 : vector<64x16xf32>
    %dot_general3A = arith.constant dense<0.000000e+00> : vector<64x512xf32>
    %dot_general3A_94 = tpu.matmul %add3A_93, %get3A_8, %dot_general3A {dimension_numbers = #tpu.dot_dimension_numbers<[1], [0], [0], [1], [0, 0, 1, 1], [], []>, precision = #tpu.contract_precision<fp32>, transpose_lhs_hint = false} : vector<64x16xf32>, vector<16x512xf32>, vector<64x512xf32> -> vector<64x512xf32>
    %swap3A = arith.constant 0 : index
    %swap3A_95 = arith.constant 0 : index
    %swap3A_96 = arith.constant 0 : index
    %swap3A_97 = vector.load %arg4[%swap3A, %swap3A_95, %swap3A_96] : memref<1x64x512xf32, #tpu.memory_space<vmem>>, vector<1x64x512xf32>
    %swap3A_98 = vector.shape_cast %swap3A_97 : vector<1x64x512xf32> to vector<64x512xf32>
    %swap3A_99 = vector.shape_cast %dot_general3A_94 : vector<64x512xf32> to vector<1x64x512xf32>
    tpu.vector_store %arg4[%swap3A, %swap3A_95, %swap3A_96], %swap3A_99 {strides = array<i32>} : memref<1x64x512xf32, #tpu.memory_space<vmem>>, vector<1x64x512xf32>,
    return
  }
  func.func @transform_0(%arg0: i32, %arg1: i32) -> (i32, i32, i32) {
    %c0_i32 = arith.constant 0 : i32
    %c0_i32_0 = arith.constant 0 : i32
    return %arg0, %arg1, %c0_i32 : i32, i32, i32
  }
  func.func @transform_1(%arg0: i32, %arg1: i32) -> (i32, i32, i32) {
    %c0_i32 = arith.constant 0 : i32
    %c0_i32_0 = arith.constant 0 : i32
    %c0_i32_1 = arith.constant 0 : i32
    return %arg0, %c0_i32, %c0_i32_0 : i32, i32, i32
  }
  func.func @transform_2(%arg0: i32, %arg1: i32) -> (i32, i32, i32) {
    %c0_i32 = arith.constant 0 : i32
    %c0_i32_0 = arith.constant 0 : i32
    return %arg0, %arg1, %c0_i32 : i32, i32, i32
  }
}

module attributes {stable_mosaic.version = 14 : i64} {
  func.func @_knn3_kernel(%arg0: i32, %arg1: i32, %arg2: memref<1x256x64xf32, #tpu.memory_space<vmem>>, %arg3: memref<1x64x256xf32, #tpu.memory_space<vmem>>, %arg4: memref<1x256x256xf32, #tpu.memory_space<vmem>>) attributes {dimension_semantics = [#tpu.dimension_semantics<arbitrary>, #tpu.dimension_semantics<arbitrary>], iteration_bounds = array<i64: 2, 1>, scalar_prefetch = 0 : i64, scratch_operands = 0 : i64, tpu.core_type = #tpu.core_type<tc>, window_params = [{transform_indices = @transform_0, window_bounds = array<i64: 1, 256, 64>}, {transform_indices = @transform_1, window_bounds = array<i64: 1, 64, 256>}, {transform_indices = @transform_2, window_bounds = array<i64: 1, 256, 256>}]} {
    %get3A = arith.constant 0 : index
    %get3A_0 = arith.constant 0 : index
    %get3A_1 = arith.constant 0 : index
    %get3A_2 = vector.load %arg2[%get3A, %get3A_0, %get3A_1] : memref<1x256x64xf32, #tpu.memory_space<vmem>>, vector<1x256x64xf32>
    %get3A_3 = vector.shape_cast %get3A_2 : vector<1x256x64xf32> to vector<256x64xf32>
    %get3A_4 = arith.constant 0 : index
    %get3A_5 = arith.constant 0 : index
    %get3A_6 = arith.constant 0 : index
    %get3A_7 = vector.load %arg3[%get3A_4, %get3A_5, %get3A_6] : memref<1x64x256xf32, #tpu.memory_space<vmem>>, vector<1x64x256xf32>
    %get3A_8 = vector.shape_cast %get3A_7 : vector<1x64x256xf32> to vector<64x256xf32>
    %iota3A = tpu.iota {dimensions = array<i32: 1>} : vector<1x64xi32>
    %reduce_min3A = arith.constant dense<0x7F800000> : vector<256xf32>
    %reduce_min3A_9 = vector.multi_reduction <minimumf>, %get3A_3, %reduce_min3A [1] : vector<256x64xf32> to vector<256xf32>
    %broadcast_in_dim3A = vector.shape_cast %reduce_min3A_9 : vector<256xf32> to vector<256x1xf32>
    %eq3A = vector.broadcast %broadcast_in_dim3A : vector<256x1xf32> to vector<256x64xf32>
    %eq3A_10 = arith.cmpf oeq, %get3A_3, %eq3A : vector<256x64xf32>
    %jit3A = arith.constant 64 : i32
    %broadcast_in_dim3A_11 = vector.shape_cast %iota3A : vector<1x64xi32> to vector<1x64xi32>
    %broadcast_in_dim3A_12 = vector.broadcast %broadcast_in_dim3A_11 : vector<1x64xi32> to vector<256x64xi32>
    %broadcast_in_dim3A_13 = vector.broadcast %jit3A : i32 to vector<256x64xi32>
    %select_n3A = arith.select %eq3A_10, %broadcast_in_dim3A_12, %broadcast_in_dim3A_13 : vector<256x64xi1>, vector<256x64xi32>
    %reduce_min3A_14 = arith.constant dense<2147483647> : vector<256xi32>
    %reduce_min3A_15 = vector.multi_reduction <minsi>, %select_n3A, %reduce_min3A_14 [1] : vector<256x64xi32> to vector<256xi32>
    %broadcast_in_dim3A_16 = vector.shape_cast %reduce_min3A_15 : vector<256xi32> to vector<256x1xi32>
    %eq3A_17 = vector.broadcast %iota3A : vector<1x64xi32> to vector<256x64xi32>
    %eq3A_18 = vector.broadcast %broadcast_in_dim3A_16 : vector<256x1xi32> to vector<256x64xi32>
    %eq3A_19 = arith.cmpi eq, %eq3A_17, %eq3A_18 : vector<256x64xi32>
    %jit3A_20 = arith.constant 1.000000e+30 : f32
    %broadcast_in_dim3A_21 = vector.broadcast %jit3A_20 : f32 to vector<256x64xf32>
    %select_n3A_22 = arith.select %eq3A_19, %broadcast_in_dim3A_21, %get3A_3 : vector<256x64xi1>, vector<256x64xf32>
    %reduce_min3A_23 = arith.constant dense<0x7F800000> : vector<256xf32>
    %reduce_min3A_24 = vector.multi_reduction <minimumf>, %select_n3A_22, %reduce_min3A_23 [1] : vector<256x64xf32> to vector<256xf32>
    %broadcast_in_dim3A_25 = vector.shape_cast %reduce_min3A_24 : vector<256xf32> to vector<256x1xf32>
    %eq3A_26 = vector.broadcast %broadcast_in_dim3A_25 : vector<256x1xf32> to vector<256x64xf32>
    %eq3A_27 = arith.cmpf oeq, %select_n3A_22, %eq3A_26 : vector<256x64xf32>
    %jit3A_28 = arith.constant 64 : i32
    %broadcast_in_dim3A_29 = vector.shape_cast %iota3A : vector<1x64xi32> to vector<1x64xi32>
    %broadcast_in_dim3A_30 = vector.broadcast %broadcast_in_dim3A_29 : vector<1x64xi32> to vector<256x64xi32>
    %broadcast_in_dim3A_31 = vector.broadcast %jit3A_28 : i32 to vector<256x64xi32>
    %select_n3A_32 = arith.select %eq3A_27, %broadcast_in_dim3A_30, %broadcast_in_dim3A_31 : vector<256x64xi1>, vector<256x64xi32>
    %reduce_min3A_33 = arith.constant dense<2147483647> : vector<256xi32>
    %reduce_min3A_34 = vector.multi_reduction <minsi>, %select_n3A_32, %reduce_min3A_33 [1] : vector<256x64xi32> to vector<256xi32>
    %broadcast_in_dim3A_35 = vector.shape_cast %reduce_min3A_34 : vector<256xi32> to vector<256x1xi32>
    %eq3A_36 = vector.broadcast %iota3A : vector<1x64xi32> to vector<256x64xi32>
    %eq3A_37 = vector.broadcast %broadcast_in_dim3A_35 : vector<256x1xi32> to vector<256x64xi32>
    %eq3A_38 = arith.cmpi eq, %eq3A_36, %eq3A_37 : vector<256x64xi32>
    %jit3A_39 = arith.constant 1.000000e+30 : f32
    %broadcast_in_dim3A_40 = vector.broadcast %jit3A_39 : f32 to vector<256x64xf32>
    %select_n3A_41 = arith.select %eq3A_38, %broadcast_in_dim3A_40, %select_n3A_22 : vector<256x64xi1>, vector<256x64xf32>
    %reduce_min3A_42 = arith.constant dense<0x7F800000> : vector<256xf32>
    %reduce_min3A_43 = vector.multi_reduction <minimumf>, %select_n3A_41, %reduce_min3A_42 [1] : vector<256x64xf32> to vector<256xf32>
    %broadcast_in_dim3A_44 = vector.shape_cast %reduce_min3A_43 : vector<256xf32> to vector<256x1xf32>
    %eq3A_45 = vector.broadcast %broadcast_in_dim3A_44 : vector<256x1xf32> to vector<256x64xf32>
    %eq3A_46 = arith.cmpf oeq, %select_n3A_41, %eq3A_45 : vector<256x64xf32>
    %jit3A_47 = arith.constant 64 : i32
    %broadcast_in_dim3A_48 = vector.shape_cast %iota3A : vector<1x64xi32> to vector<1x64xi32>
    %broadcast_in_dim3A_49 = vector.broadcast %broadcast_in_dim3A_48 : vector<1x64xi32> to vector<256x64xi32>
    %broadcast_in_dim3A_50 = vector.broadcast %jit3A_47 : i32 to vector<256x64xi32>
    %select_n3A_51 = arith.select %eq3A_46, %broadcast_in_dim3A_49, %broadcast_in_dim3A_50 : vector<256x64xi1>, vector<256x64xi32>
    %reduce_min3A_52 = arith.constant dense<2147483647> : vector<256xi32>
    %reduce_min3A_53 = vector.multi_reduction <minsi>, %select_n3A_51, %reduce_min3A_52 [1] : vector<256x64xi32> to vector<256xi32>
    %broadcast_in_dim3A_54 = vector.shape_cast %reduce_min3A_53 : vector<256xi32> to vector<256x1xi32>
    %concatenate3A = tpu.concatenate %broadcast_in_dim3A, %broadcast_in_dim3A_25, %broadcast_in_dim3A_44 in 1 : vector<256x1xf32>, vector<256x1xf32>, vector<256x1xf32> -> vector<256x3xf32>
    %add3A = arith.constant 9.99999993E-9 : f32
    %add3A_55 = vector.broadcast %add3A : f32 to vector<256x3xf32>
    %add3A_56 = arith.addf %concatenate3A, %add3A_55 : vector<256x3xf32>
    %div3A = arith.constant 1.000000e+00 : f32
    %div3A_57 = vector.broadcast %div3A : f32 to vector<256x3xf32>
    %div3A_58 = arith.divf %div3A_57, %add3A_56 : vector<256x3xf32>
    %reduce_sum3A = arith.constant dense<0.000000e+00> : vector<256xf32>
    %reduce_sum3A_59 = vector.multi_reduction <add>, %div3A_58, %reduce_sum3A [1] : vector<256x3xf32> to vector<256xf32>
    %broadcast_in_dim3A_60 = vector.shape_cast %reduce_sum3A_59 : vector<256xf32> to vector<256x1xf32>
    %div3A_61 = vector.broadcast %broadcast_in_dim3A_60 : vector<256x1xf32> to vector<256x3xf32>
    %div3A_62 = arith.divf %div3A_58, %div3A_61 : vector<256x3xf32>
    %broadcast_in_dim3A_63 = arith.constant 0.000000e+00 : f32
    %broadcast_in_dim3A_64 = vector.broadcast %broadcast_in_dim3A_63 : f32 to vector<256x64xf32>
    %eq3A_65 = vector.broadcast %iota3A : vector<1x64xi32> to vector<256x64xi32>
    %eq3A_66 = vector.broadcast %broadcast_in_dim3A_16 : vector<256x1xi32> to vector<256x64xi32>
    %eq3A_67 = arith.cmpi eq, %eq3A_65, %eq3A_66 : vector<256x64xi32>
    %slice3A = vector.extract_strided_slice %div3A_62 {offsets = [0, 0], sizes = [256, 1], strides = [1, 1]} : vector<256x3xf32> to vector<256x1xf32>
    %jit3A_68 = arith.constant 0.000000e+00 : f32
    %broadcast_in_dim3A_69 = vector.shape_cast %slice3A : vector<256x1xf32> to vector<256x1xf32>
    %broadcast_in_dim3A_70 = vector.broadcast %broadcast_in_dim3A_69 : vector<256x1xf32> to vector<256x64xf32>
    %broadcast_in_dim3A_71 = vector.broadcast %jit3A_68 : f32 to vector<256x64xf32>
    %select_n3A_72 = arith.select %eq3A_67, %broadcast_in_dim3A_70, %broadcast_in_dim3A_71 : vector<256x64xi1>, vector<256x64xf32>
    %add3A_73 = arith.addf %broadcast_in_dim3A_64, %select_n3A_72 : vector<256x64xf32>
    %eq3A_74 = vector.broadcast %iota3A : vector<1x64xi32> to vector<256x64xi32>
    %eq3A_75 = vector.broadcast %broadcast_in_dim3A_35 : vector<256x1xi32> to vector<256x64xi32>
    %eq3A_76 = arith.cmpi eq, %eq3A_74, %eq3A_75 : vector<256x64xi32>
    %slice3A_77 = vector.extract_strided_slice %div3A_62 {offsets = [0, 1], sizes = [256, 1], strides = [1, 1]} : vector<256x3xf32> to vector<256x1xf32>
    %jit3A_78 = arith.constant 0.000000e+00 : f32
    %broadcast_in_dim3A_79 = vector.shape_cast %slice3A_77 : vector<256x1xf32> to vector<256x1xf32>
    %broadcast_in_dim3A_80 = vector.broadcast %broadcast_in_dim3A_79 : vector<256x1xf32> to vector<256x64xf32>
    %broadcast_in_dim3A_81 = vector.broadcast %jit3A_78 : f32 to vector<256x64xf32>
    %select_n3A_82 = arith.select %eq3A_76, %broadcast_in_dim3A_80, %broadcast_in_dim3A_81 : vector<256x64xi1>, vector<256x64xf32>
    %add3A_83 = arith.addf %add3A_73, %select_n3A_82 : vector<256x64xf32>
    %eq3A_84 = vector.broadcast %iota3A : vector<1x64xi32> to vector<256x64xi32>
    %eq3A_85 = vector.broadcast %broadcast_in_dim3A_54 : vector<256x1xi32> to vector<256x64xi32>
    %eq3A_86 = arith.cmpi eq, %eq3A_84, %eq3A_85 : vector<256x64xi32>
    %slice3A_87 = vector.extract_strided_slice %div3A_62 {offsets = [0, 2], sizes = [256, 1], strides = [1, 1]} : vector<256x3xf32> to vector<256x1xf32>
    %jit3A_88 = arith.constant 0.000000e+00 : f32
    %broadcast_in_dim3A_89 = vector.shape_cast %slice3A_87 : vector<256x1xf32> to vector<256x1xf32>
    %broadcast_in_dim3A_90 = vector.broadcast %broadcast_in_dim3A_89 : vector<256x1xf32> to vector<256x64xf32>
    %broadcast_in_dim3A_91 = vector.broadcast %jit3A_88 : f32 to vector<256x64xf32>
    %select_n3A_92 = arith.select %eq3A_86, %broadcast_in_dim3A_90, %broadcast_in_dim3A_91 : vector<256x64xi1>, vector<256x64xf32>
    %add3A_93 = arith.addf %add3A_83, %select_n3A_92 : vector<256x64xf32>
    %dot_general3A = arith.constant dense<0.000000e+00> : vector<256x256xf32>
    %dot_general3A_94 = tpu.matmul %add3A_93, %get3A_8, %dot_general3A {dimension_numbers = #tpu.dot_dimension_numbers<[1], [0], [0], [1], [0, 0, 1, 1], [], []>, precision = #tpu.contract_precision<fp32>, transpose_lhs_hint = false} : vector<256x64xf32>, vector<64x256xf32>, vector<256x256xf32> -> vector<256x256xf32>
    %swap3A = arith.constant 0 : index
    %swap3A_95 = arith.constant 0 : index
    %swap3A_96 = arith.constant 0 : index
    %swap3A_97 = vector.load %arg4[%swap3A, %swap3A_95, %swap3A_96] : memref<1x256x256xf32, #tpu.memory_space<vmem>>, vector<1x256x256xf32>
    %swap3A_98 = vector.shape_cast %swap3A_97 : vector<1x256x256xf32> to vector<256x256xf32>
    %swap3A_99 = vector.shape_cast %dot_general3A_94 : vector<256x256xf32> to vector<1x256x256xf32>
    tpu.vector_store %arg4[%swap3A, %swap3A_95, %swap3A_96], %swap3A_99 {strides = array<i32>} : memref<1x256x256xf32, #tpu.memory_space<vmem>>, vector<1x256x256xf32>,
    return
  }
  func.func @transform_0(%arg0: i32, %arg1: i32) -> (i32, i32, i32) {
    %c0_i32 = arith.constant 0 : i32
    %c0_i32_0 = arith.constant 0 : i32
    return %arg0, %arg1, %c0_i32 : i32, i32, i32
  }
  func.func @transform_1(%arg0: i32, %arg1: i32) -> (i32, i32, i32) {
    %c0_i32 = arith.constant 0 : i32
    %c0_i32_0 = arith.constant 0 : i32
    %c0_i32_1 = arith.constant 0 : i32
    return %arg0, %c0_i32, %c0_i32_0 : i32, i32, i32
  }
  func.func @transform_2(%arg0: i32, %arg1: i32) -> (i32, i32, i32) {
    %c0_i32 = arith.constant 0 : i32
    %c0_i32_0 = arith.constant 0 : i32
    return %arg0, %arg1, %c0_i32 : i32, i32, i32
  }
}

module attributes {stable_mosaic.version = 14 : i64} {
  func.func @_knn3_kernel(%arg0: i32, %arg1: i32, %arg2: memref<1x512x256xf32, #tpu.memory_space<vmem>>, %arg3: memref<1x256x256xf32, #tpu.memory_space<vmem>>, %arg4: memref<1x512x256xf32, #tpu.memory_space<vmem>>) attributes {dimension_semantics = [#tpu.dimension_semantics<arbitrary>, #tpu.dimension_semantics<arbitrary>], iteration_bounds = array<i64: 2, 2>, scalar_prefetch = 0 : i64, scratch_operands = 0 : i64, tpu.core_type = #tpu.core_type<tc>, window_params = [{transform_indices = @transform_0, window_bounds = array<i64: 1, 512, 256>}, {transform_indices = @transform_1, window_bounds = array<i64: 1, 256, 256>}, {transform_indices = @transform_2, window_bounds = array<i64: 1, 512, 256>}]} {
    %get3A = arith.constant 0 : index
    %get3A_0 = arith.constant 0 : index
    %get3A_1 = arith.constant 0 : index
    %get3A_2 = vector.load %arg2[%get3A, %get3A_0, %get3A_1] : memref<1x512x256xf32, #tpu.memory_space<vmem>>, vector<1x512x256xf32>
    %get3A_3 = vector.shape_cast %get3A_2 : vector<1x512x256xf32> to vector<512x256xf32>
    %get3A_4 = arith.constant 0 : index
    %get3A_5 = arith.constant 0 : index
    %get3A_6 = arith.constant 0 : index
    %get3A_7 = vector.load %arg3[%get3A_4, %get3A_5, %get3A_6] : memref<1x256x256xf32, #tpu.memory_space<vmem>>, vector<1x256x256xf32>
    %get3A_8 = vector.shape_cast %get3A_7 : vector<1x256x256xf32> to vector<256x256xf32>
    %iota3A = tpu.iota {dimensions = array<i32: 1>} : vector<1x256xi32>
    %reduce_min3A = arith.constant dense<0x7F800000> : vector<512xf32>
    %reduce_min3A_9 = vector.multi_reduction <minimumf>, %get3A_3, %reduce_min3A [1] : vector<512x256xf32> to vector<512xf32>
    %broadcast_in_dim3A = vector.shape_cast %reduce_min3A_9 : vector<512xf32> to vector<512x1xf32>
    %eq3A = vector.broadcast %broadcast_in_dim3A : vector<512x1xf32> to vector<512x256xf32>
    %eq3A_10 = arith.cmpf oeq, %get3A_3, %eq3A : vector<512x256xf32>
    %jit3A = arith.constant 256 : i32
    %broadcast_in_dim3A_11 = vector.shape_cast %iota3A : vector<1x256xi32> to vector<1x256xi32>
    %broadcast_in_dim3A_12 = vector.broadcast %broadcast_in_dim3A_11 : vector<1x256xi32> to vector<512x256xi32>
    %broadcast_in_dim3A_13 = vector.broadcast %jit3A : i32 to vector<512x256xi32>
    %select_n3A = arith.select %eq3A_10, %broadcast_in_dim3A_12, %broadcast_in_dim3A_13 : vector<512x256xi1>, vector<512x256xi32>
    %reduce_min3A_14 = arith.constant dense<2147483647> : vector<512xi32>
    %reduce_min3A_15 = vector.multi_reduction <minsi>, %select_n3A, %reduce_min3A_14 [1] : vector<512x256xi32> to vector<512xi32>
    %broadcast_in_dim3A_16 = vector.shape_cast %reduce_min3A_15 : vector<512xi32> to vector<512x1xi32>
    %eq3A_17 = vector.broadcast %iota3A : vector<1x256xi32> to vector<512x256xi32>
    %eq3A_18 = vector.broadcast %broadcast_in_dim3A_16 : vector<512x1xi32> to vector<512x256xi32>
    %eq3A_19 = arith.cmpi eq, %eq3A_17, %eq3A_18 : vector<512x256xi32>
    %jit3A_20 = arith.constant 1.000000e+30 : f32
    %broadcast_in_dim3A_21 = vector.broadcast %jit3A_20 : f32 to vector<512x256xf32>
    %select_n3A_22 = arith.select %eq3A_19, %broadcast_in_dim3A_21, %get3A_3 : vector<512x256xi1>, vector<512x256xf32>
    %reduce_min3A_23 = arith.constant dense<0x7F800000> : vector<512xf32>
    %reduce_min3A_24 = vector.multi_reduction <minimumf>, %select_n3A_22, %reduce_min3A_23 [1] : vector<512x256xf32> to vector<512xf32>
    %broadcast_in_dim3A_25 = vector.shape_cast %reduce_min3A_24 : vector<512xf32> to vector<512x1xf32>
    %eq3A_26 = vector.broadcast %broadcast_in_dim3A_25 : vector<512x1xf32> to vector<512x256xf32>
    %eq3A_27 = arith.cmpf oeq, %select_n3A_22, %eq3A_26 : vector<512x256xf32>
    %jit3A_28 = arith.constant 256 : i32
    %broadcast_in_dim3A_29 = vector.shape_cast %iota3A : vector<1x256xi32> to vector<1x256xi32>
    %broadcast_in_dim3A_30 = vector.broadcast %broadcast_in_dim3A_29 : vector<1x256xi32> to vector<512x256xi32>
    %broadcast_in_dim3A_31 = vector.broadcast %jit3A_28 : i32 to vector<512x256xi32>
    %select_n3A_32 = arith.select %eq3A_27, %broadcast_in_dim3A_30, %broadcast_in_dim3A_31 : vector<512x256xi1>, vector<512x256xi32>
    %reduce_min3A_33 = arith.constant dense<2147483647> : vector<512xi32>
    %reduce_min3A_34 = vector.multi_reduction <minsi>, %select_n3A_32, %reduce_min3A_33 [1] : vector<512x256xi32> to vector<512xi32>
    %broadcast_in_dim3A_35 = vector.shape_cast %reduce_min3A_34 : vector<512xi32> to vector<512x1xi32>
    %eq3A_36 = vector.broadcast %iota3A : vector<1x256xi32> to vector<512x256xi32>
    %eq3A_37 = vector.broadcast %broadcast_in_dim3A_35 : vector<512x1xi32> to vector<512x256xi32>
    %eq3A_38 = arith.cmpi eq, %eq3A_36, %eq3A_37 : vector<512x256xi32>
    %jit3A_39 = arith.constant 1.000000e+30 : f32
    %broadcast_in_dim3A_40 = vector.broadcast %jit3A_39 : f32 to vector<512x256xf32>
    %select_n3A_41 = arith.select %eq3A_38, %broadcast_in_dim3A_40, %select_n3A_22 : vector<512x256xi1>, vector<512x256xf32>
    %reduce_min3A_42 = arith.constant dense<0x7F800000> : vector<512xf32>
    %reduce_min3A_43 = vector.multi_reduction <minimumf>, %select_n3A_41, %reduce_min3A_42 [1] : vector<512x256xf32> to vector<512xf32>
    %broadcast_in_dim3A_44 = vector.shape_cast %reduce_min3A_43 : vector<512xf32> to vector<512x1xf32>
    %eq3A_45 = vector.broadcast %broadcast_in_dim3A_44 : vector<512x1xf32> to vector<512x256xf32>
    %eq3A_46 = arith.cmpf oeq, %select_n3A_41, %eq3A_45 : vector<512x256xf32>
    %jit3A_47 = arith.constant 256 : i32
    %broadcast_in_dim3A_48 = vector.shape_cast %iota3A : vector<1x256xi32> to vector<1x256xi32>
    %broadcast_in_dim3A_49 = vector.broadcast %broadcast_in_dim3A_48 : vector<1x256xi32> to vector<512x256xi32>
    %broadcast_in_dim3A_50 = vector.broadcast %jit3A_47 : i32 to vector<512x256xi32>
    %select_n3A_51 = arith.select %eq3A_46, %broadcast_in_dim3A_49, %broadcast_in_dim3A_50 : vector<512x256xi1>, vector<512x256xi32>
    %reduce_min3A_52 = arith.constant dense<2147483647> : vector<512xi32>
    %reduce_min3A_53 = vector.multi_reduction <minsi>, %select_n3A_51, %reduce_min3A_52 [1] : vector<512x256xi32> to vector<512xi32>
    %broadcast_in_dim3A_54 = vector.shape_cast %reduce_min3A_53 : vector<512xi32> to vector<512x1xi32>
    %concatenate3A = tpu.concatenate %broadcast_in_dim3A, %broadcast_in_dim3A_25, %broadcast_in_dim3A_44 in 1 : vector<512x1xf32>, vector<512x1xf32>, vector<512x1xf32> -> vector<512x3xf32>
    %add3A = arith.constant 9.99999993E-9 : f32
    %add3A_55 = vector.broadcast %add3A : f32 to vector<512x3xf32>
    %add3A_56 = arith.addf %concatenate3A, %add3A_55 : vector<512x3xf32>
    %div3A = arith.constant 1.000000e+00 : f32
    %div3A_57 = vector.broadcast %div3A : f32 to vector<512x3xf32>
    %div3A_58 = arith.divf %div3A_57, %add3A_56 : vector<512x3xf32>
    %reduce_sum3A = arith.constant dense<0.000000e+00> : vector<512xf32>
    %reduce_sum3A_59 = vector.multi_reduction <add>, %div3A_58, %reduce_sum3A [1] : vector<512x3xf32> to vector<512xf32>
    %broadcast_in_dim3A_60 = vector.shape_cast %reduce_sum3A_59 : vector<512xf32> to vector<512x1xf32>
    %div3A_61 = vector.broadcast %broadcast_in_dim3A_60 : vector<512x1xf32> to vector<512x3xf32>
    %div3A_62 = arith.divf %div3A_58, %div3A_61 : vector<512x3xf32>
    %broadcast_in_dim3A_63 = arith.constant 0.000000e+00 : f32
    %broadcast_in_dim3A_64 = vector.broadcast %broadcast_in_dim3A_63 : f32 to vector<512x256xf32>
    %eq3A_65 = vector.broadcast %iota3A : vector<1x256xi32> to vector<512x256xi32>
    %eq3A_66 = vector.broadcast %broadcast_in_dim3A_16 : vector<512x1xi32> to vector<512x256xi32>
    %eq3A_67 = arith.cmpi eq, %eq3A_65, %eq3A_66 : vector<512x256xi32>
    %slice3A = vector.extract_strided_slice %div3A_62 {offsets = [0, 0], sizes = [512, 1], strides = [1, 1]} : vector<512x3xf32> to vector<512x1xf32>
    %jit3A_68 = arith.constant 0.000000e+00 : f32
    %broadcast_in_dim3A_69 = vector.shape_cast %slice3A : vector<512x1xf32> to vector<512x1xf32>
    %broadcast_in_dim3A_70 = vector.broadcast %broadcast_in_dim3A_69 : vector<512x1xf32> to vector<512x256xf32>
    %broadcast_in_dim3A_71 = vector.broadcast %jit3A_68 : f32 to vector<512x256xf32>
    %select_n3A_72 = arith.select %eq3A_67, %broadcast_in_dim3A_70, %broadcast_in_dim3A_71 : vector<512x256xi1>, vector<512x256xf32>
    %add3A_73 = arith.addf %broadcast_in_dim3A_64, %select_n3A_72 : vector<512x256xf32>
    %eq3A_74 = vector.broadcast %iota3A : vector<1x256xi32> to vector<512x256xi32>
    %eq3A_75 = vector.broadcast %broadcast_in_dim3A_35 : vector<512x1xi32> to vector<512x256xi32>
    %eq3A_76 = arith.cmpi eq, %eq3A_74, %eq3A_75 : vector<512x256xi32>
    %slice3A_77 = vector.extract_strided_slice %div3A_62 {offsets = [0, 1], sizes = [512, 1], strides = [1, 1]} : vector<512x3xf32> to vector<512x1xf32>
    %jit3A_78 = arith.constant 0.000000e+00 : f32
    %broadcast_in_dim3A_79 = vector.shape_cast %slice3A_77 : vector<512x1xf32> to vector<512x1xf32>
    %broadcast_in_dim3A_80 = vector.broadcast %broadcast_in_dim3A_79 : vector<512x1xf32> to vector<512x256xf32>
    %broadcast_in_dim3A_81 = vector.broadcast %jit3A_78 : f32 to vector<512x256xf32>
    %select_n3A_82 = arith.select %eq3A_76, %broadcast_in_dim3A_80, %broadcast_in_dim3A_81 : vector<512x256xi1>, vector<512x256xf32>
    %add3A_83 = arith.addf %add3A_73, %select_n3A_82 : vector<512x256xf32>
    %eq3A_84 = vector.broadcast %iota3A : vector<1x256xi32> to vector<512x256xi32>
    %eq3A_85 = vector.broadcast %broadcast_in_dim3A_54 : vector<512x1xi32> to vector<512x256xi32>
    %eq3A_86 = arith.cmpi eq, %eq3A_84, %eq3A_85 : vector<512x256xi32>
    %slice3A_87 = vector.extract_strided_slice %div3A_62 {offsets = [0, 2], sizes = [512, 1], strides = [1, 1]} : vector<512x3xf32> to vector<512x1xf32>
    %jit3A_88 = arith.constant 0.000000e+00 : f32
    %broadcast_in_dim3A_89 = vector.shape_cast %slice3A_87 : vector<512x1xf32> to vector<512x1xf32>
    %broadcast_in_dim3A_90 = vector.broadcast %broadcast_in_dim3A_89 : vector<512x1xf32> to vector<512x256xf32>
    %broadcast_in_dim3A_91 = vector.broadcast %jit3A_88 : f32 to vector<512x256xf32>
    %select_n3A_92 = arith.select %eq3A_86, %broadcast_in_dim3A_90, %broadcast_in_dim3A_91 : vector<512x256xi1>, vector<512x256xf32>
    %add3A_93 = arith.addf %add3A_83, %select_n3A_92 : vector<512x256xf32>
    %dot_general3A = arith.constant dense<0.000000e+00> : vector<512x256xf32>
    %dot_general3A_94 = tpu.matmul %add3A_93, %get3A_8, %dot_general3A {dimension_numbers = #tpu.dot_dimension_numbers<[1], [0], [0], [1], [0, 0, 1, 1], [], []>, precision = #tpu.contract_precision<fp32>, transpose_lhs_hint = false} : vector<512x256xf32>, vector<256x256xf32>, vector<512x256xf32> -> vector<512x256xf32>
    %swap3A = arith.constant 0 : index
    %swap3A_95 = arith.constant 0 : index
    %swap3A_96 = arith.constant 0 : index
    %swap3A_97 = vector.load %arg4[%swap3A, %swap3A_95, %swap3A_96] : memref<1x512x256xf32, #tpu.memory_space<vmem>>, vector<1x512x256xf32>
    %swap3A_98 = vector.shape_cast %swap3A_97 : vector<1x512x256xf32> to vector<512x256xf32>
    %swap3A_99 = vector.shape_cast %dot_general3A_94 : vector<512x256xf32> to vector<1x512x256xf32>
    tpu.vector_store %arg4[%swap3A, %swap3A_95, %swap3A_96], %swap3A_99 {strides = array<i32>} : memref<1x512x256xf32, #tpu.memory_space<vmem>>, vector<1x512x256xf32>,
    return
  }
  func.func @transform_0(%arg0: i32, %arg1: i32) -> (i32, i32, i32) {
    %c0_i32 = arith.constant 0 : i32
    %c0_i32_0 = arith.constant 0 : i32
    return %arg0, %arg1, %c0_i32 : i32, i32, i32
  }
  func.func @transform_1(%arg0: i32, %arg1: i32) -> (i32, i32, i32) {
    %c0_i32 = arith.constant 0 : i32
    %c0_i32_0 = arith.constant 0 : i32
    %c0_i32_1 = arith.constant 0 : i32
    return %arg0, %c0_i32, %c0_i32_0 : i32, i32, i32
  }
  func.func @transform_2(%arg0: i32, %arg1: i32) -> (i32, i32, i32) {
    %c0_i32 = arith.constant 0 : i32
    %c0_i32_0 = arith.constant 0 : i32
    return %arg0, %arg1, %c0_i32 : i32, i32, i32
  }
}

module attributes {stable_mosaic.version = 14 : i64} {
  func.func @_knn3_kernel(%arg0: i32, %arg1: i32, %arg2: memref<1x512x1024xf32, #tpu.memory_space<vmem>>, %arg3: memref<1x1024x128xf32, #tpu.memory_space<vmem>>, %arg4: memref<1x512x128xf32, #tpu.memory_space<vmem>>) attributes {dimension_semantics = [#tpu.dimension_semantics<arbitrary>, #tpu.dimension_semantics<arbitrary>], iteration_bounds = array<i64: 2, 16>, scalar_prefetch = 0 : i64, scratch_operands = 0 : i64, tpu.core_type = #tpu.core_type<tc>, window_params = [{transform_indices = @transform_0, window_bounds = array<i64: 1, 512, 1024>}, {transform_indices = @transform_1, window_bounds = array<i64: 1, 1024, 128>}, {transform_indices = @transform_2, window_bounds = array<i64: 1, 512, 128>}]} {
    %get3A = arith.constant 0 : index
    %get3A_0 = arith.constant 0 : index
    %get3A_1 = arith.constant 0 : index
    %get3A_2 = vector.load %arg2[%get3A, %get3A_0, %get3A_1] : memref<1x512x1024xf32, #tpu.memory_space<vmem>>, vector<1x512x1024xf32>
    %get3A_3 = vector.shape_cast %get3A_2 : vector<1x512x1024xf32> to vector<512x1024xf32>
    %get3A_4 = arith.constant 0 : index
    %get3A_5 = arith.constant 0 : index
    %get3A_6 = arith.constant 0 : index
    %get3A_7 = vector.load %arg3[%get3A_4, %get3A_5, %get3A_6] : memref<1x1024x128xf32, #tpu.memory_space<vmem>>, vector<1x1024x128xf32>
    %get3A_8 = vector.shape_cast %get3A_7 : vector<1x1024x128xf32> to vector<1024x128xf32>
    %iota3A = tpu.iota {dimensions = array<i32: 1>} : vector<1x1024xi32>
    %reduce_min3A = arith.constant dense<0x7F800000> : vector<512xf32>
    %reduce_min3A_9 = vector.multi_reduction <minimumf>, %get3A_3, %reduce_min3A [1] : vector<512x1024xf32> to vector<512xf32>
    %broadcast_in_dim3A = vector.shape_cast %reduce_min3A_9 : vector<512xf32> to vector<512x1xf32>
    %eq3A = vector.broadcast %broadcast_in_dim3A : vector<512x1xf32> to vector<512x1024xf32>
    %eq3A_10 = arith.cmpf oeq, %get3A_3, %eq3A : vector<512x1024xf32>
    %jit3A = arith.constant 1024 : i32
    %broadcast_in_dim3A_11 = vector.shape_cast %iota3A : vector<1x1024xi32> to vector<1x1024xi32>
    %broadcast_in_dim3A_12 = vector.broadcast %broadcast_in_dim3A_11 : vector<1x1024xi32> to vector<512x1024xi32>
    %broadcast_in_dim3A_13 = vector.broadcast %jit3A : i32 to vector<512x1024xi32>
    %select_n3A = arith.select %eq3A_10, %broadcast_in_dim3A_12, %broadcast_in_dim3A_13 : vector<512x1024xi1>, vector<512x1024xi32>
    %reduce_min3A_14 = arith.constant dense<2147483647> : vector<512xi32>
    %reduce_min3A_15 = vector.multi_reduction <minsi>, %select_n3A, %reduce_min3A_14 [1] : vector<512x1024xi32> to vector<512xi32>
    %broadcast_in_dim3A_16 = vector.shape_cast %reduce_min3A_15 : vector<512xi32> to vector<512x1xi32>
    %eq3A_17 = vector.broadcast %iota3A : vector<1x1024xi32> to vector<512x1024xi32>
    %eq3A_18 = vector.broadcast %broadcast_in_dim3A_16 : vector<512x1xi32> to vector<512x1024xi32>
    %eq3A_19 = arith.cmpi eq, %eq3A_17, %eq3A_18 : vector<512x1024xi32>
    %jit3A_20 = arith.constant 1.000000e+30 : f32
    %broadcast_in_dim3A_21 = vector.broadcast %jit3A_20 : f32 to vector<512x1024xf32>
    %select_n3A_22 = arith.select %eq3A_19, %broadcast_in_dim3A_21, %get3A_3 : vector<512x1024xi1>, vector<512x1024xf32>
    %reduce_min3A_23 = arith.constant dense<0x7F800000> : vector<512xf32>
    %reduce_min3A_24 = vector.multi_reduction <minimumf>, %select_n3A_22, %reduce_min3A_23 [1] : vector<512x1024xf32> to vector<512xf32>
    %broadcast_in_dim3A_25 = vector.shape_cast %reduce_min3A_24 : vector<512xf32> to vector<512x1xf32>
    %eq3A_26 = vector.broadcast %broadcast_in_dim3A_25 : vector<512x1xf32> to vector<512x1024xf32>
    %eq3A_27 = arith.cmpf oeq, %select_n3A_22, %eq3A_26 : vector<512x1024xf32>
    %jit3A_28 = arith.constant 1024 : i32
    %broadcast_in_dim3A_29 = vector.shape_cast %iota3A : vector<1x1024xi32> to vector<1x1024xi32>
    %broadcast_in_dim3A_30 = vector.broadcast %broadcast_in_dim3A_29 : vector<1x1024xi32> to vector<512x1024xi32>
    %broadcast_in_dim3A_31 = vector.broadcast %jit3A_28 : i32 to vector<512x1024xi32>
    %select_n3A_32 = arith.select %eq3A_27, %broadcast_in_dim3A_30, %broadcast_in_dim3A_31 : vector<512x1024xi1>, vector<512x1024xi32>
    %reduce_min3A_33 = arith.constant dense<2147483647> : vector<512xi32>
    %reduce_min3A_34 = vector.multi_reduction <minsi>, %select_n3A_32, %reduce_min3A_33 [1] : vector<512x1024xi32> to vector<512xi32>
    %broadcast_in_dim3A_35 = vector.shape_cast %reduce_min3A_34 : vector<512xi32> to vector<512x1xi32>
    %eq3A_36 = vector.broadcast %iota3A : vector<1x1024xi32> to vector<512x1024xi32>
    %eq3A_37 = vector.broadcast %broadcast_in_dim3A_35 : vector<512x1xi32> to vector<512x1024xi32>
    %eq3A_38 = arith.cmpi eq, %eq3A_36, %eq3A_37 : vector<512x1024xi32>
    %jit3A_39 = arith.constant 1.000000e+30 : f32
    %broadcast_in_dim3A_40 = vector.broadcast %jit3A_39 : f32 to vector<512x1024xf32>
    %select_n3A_41 = arith.select %eq3A_38, %broadcast_in_dim3A_40, %select_n3A_22 : vector<512x1024xi1>, vector<512x1024xf32>
    %reduce_min3A_42 = arith.constant dense<0x7F800000> : vector<512xf32>
    %reduce_min3A_43 = vector.multi_reduction <minimumf>, %select_n3A_41, %reduce_min3A_42 [1] : vector<512x1024xf32> to vector<512xf32>
    %broadcast_in_dim3A_44 = vector.shape_cast %reduce_min3A_43 : vector<512xf32> to vector<512x1xf32>
    %eq3A_45 = vector.broadcast %broadcast_in_dim3A_44 : vector<512x1xf32> to vector<512x1024xf32>
    %eq3A_46 = arith.cmpf oeq, %select_n3A_41, %eq3A_45 : vector<512x1024xf32>
    %jit3A_47 = arith.constant 1024 : i32
    %broadcast_in_dim3A_48 = vector.shape_cast %iota3A : vector<1x1024xi32> to vector<1x1024xi32>
    %broadcast_in_dim3A_49 = vector.broadcast %broadcast_in_dim3A_48 : vector<1x1024xi32> to vector<512x1024xi32>
    %broadcast_in_dim3A_50 = vector.broadcast %jit3A_47 : i32 to vector<512x1024xi32>
    %select_n3A_51 = arith.select %eq3A_46, %broadcast_in_dim3A_49, %broadcast_in_dim3A_50 : vector<512x1024xi1>, vector<512x1024xi32>
    %reduce_min3A_52 = arith.constant dense<2147483647> : vector<512xi32>
    %reduce_min3A_53 = vector.multi_reduction <minsi>, %select_n3A_51, %reduce_min3A_52 [1] : vector<512x1024xi32> to vector<512xi32>
    %broadcast_in_dim3A_54 = vector.shape_cast %reduce_min3A_53 : vector<512xi32> to vector<512x1xi32>
    %concatenate3A = tpu.concatenate %broadcast_in_dim3A, %broadcast_in_dim3A_25, %broadcast_in_dim3A_44 in 1 : vector<512x1xf32>, vector<512x1xf32>, vector<512x1xf32> -> vector<512x3xf32>
    %add3A = arith.constant 9.99999993E-9 : f32
    %add3A_55 = vector.broadcast %add3A : f32 to vector<512x3xf32>
    %add3A_56 = arith.addf %concatenate3A, %add3A_55 : vector<512x3xf32>
    %div3A = arith.constant 1.000000e+00 : f32
    %div3A_57 = vector.broadcast %div3A : f32 to vector<512x3xf32>
    %div3A_58 = arith.divf %div3A_57, %add3A_56 : vector<512x3xf32>
    %reduce_sum3A = arith.constant dense<0.000000e+00> : vector<512xf32>
    %reduce_sum3A_59 = vector.multi_reduction <add>, %div3A_58, %reduce_sum3A [1] : vector<512x3xf32> to vector<512xf32>
    %broadcast_in_dim3A_60 = vector.shape_cast %reduce_sum3A_59 : vector<512xf32> to vector<512x1xf32>
    %div3A_61 = vector.broadcast %broadcast_in_dim3A_60 : vector<512x1xf32> to vector<512x3xf32>
    %div3A_62 = arith.divf %div3A_58, %div3A_61 : vector<512x3xf32>
    %broadcast_in_dim3A_63 = arith.constant 0.000000e+00 : f32
    %broadcast_in_dim3A_64 = vector.broadcast %broadcast_in_dim3A_63 : f32 to vector<512x1024xf32>
    %eq3A_65 = vector.broadcast %iota3A : vector<1x1024xi32> to vector<512x1024xi32>
    %eq3A_66 = vector.broadcast %broadcast_in_dim3A_16 : vector<512x1xi32> to vector<512x1024xi32>
    %eq3A_67 = arith.cmpi eq, %eq3A_65, %eq3A_66 : vector<512x1024xi32>
    %slice3A = vector.extract_strided_slice %div3A_62 {offsets = [0, 0], sizes = [512, 1], strides = [1, 1]} : vector<512x3xf32> to vector<512x1xf32>
    %jit3A_68 = arith.constant 0.000000e+00 : f32
    %broadcast_in_dim3A_69 = vector.shape_cast %slice3A : vector<512x1xf32> to vector<512x1xf32>
    %broadcast_in_dim3A_70 = vector.broadcast %broadcast_in_dim3A_69 : vector<512x1xf32> to vector<512x1024xf32>
    %broadcast_in_dim3A_71 = vector.broadcast %jit3A_68 : f32 to vector<512x1024xf32>
    %select_n3A_72 = arith.select %eq3A_67, %broadcast_in_dim3A_70, %broadcast_in_dim3A_71 : vector<512x1024xi1>, vector<512x1024xf32>
    %add3A_73 = arith.addf %broadcast_in_dim3A_64, %select_n3A_72 : vector<512x1024xf32>
    %eq3A_74 = vector.broadcast %iota3A : vector<1x1024xi32> to vector<512x1024xi32>
    %eq3A_75 = vector.broadcast %broadcast_in_dim3A_35 : vector<512x1xi32> to vector<512x1024xi32>
    %eq3A_76 = arith.cmpi eq, %eq3A_74, %eq3A_75 : vector<512x1024xi32>
    %slice3A_77 = vector.extract_strided_slice %div3A_62 {offsets = [0, 1], sizes = [512, 1], strides = [1, 1]} : vector<512x3xf32> to vector<512x1xf32>
    %jit3A_78 = arith.constant 0.000000e+00 : f32
    %broadcast_in_dim3A_79 = vector.shape_cast %slice3A_77 : vector<512x1xf32> to vector<512x1xf32>
    %broadcast_in_dim3A_80 = vector.broadcast %broadcast_in_dim3A_79 : vector<512x1xf32> to vector<512x1024xf32>
    %broadcast_in_dim3A_81 = vector.broadcast %jit3A_78 : f32 to vector<512x1024xf32>
    %select_n3A_82 = arith.select %eq3A_76, %broadcast_in_dim3A_80, %broadcast_in_dim3A_81 : vector<512x1024xi1>, vector<512x1024xf32>
    %add3A_83 = arith.addf %add3A_73, %select_n3A_82 : vector<512x1024xf32>
    %eq3A_84 = vector.broadcast %iota3A : vector<1x1024xi32> to vector<512x1024xi32>
    %eq3A_85 = vector.broadcast %broadcast_in_dim3A_54 : vector<512x1xi32> to vector<512x1024xi32>
    %eq3A_86 = arith.cmpi eq, %eq3A_84, %eq3A_85 : vector<512x1024xi32>
    %slice3A_87 = vector.extract_strided_slice %div3A_62 {offsets = [0, 2], sizes = [512, 1], strides = [1, 1]} : vector<512x3xf32> to vector<512x1xf32>
    %jit3A_88 = arith.constant 0.000000e+00 : f32
    %broadcast_in_dim3A_89 = vector.shape_cast %slice3A_87 : vector<512x1xf32> to vector<512x1xf32>
    %broadcast_in_dim3A_90 = vector.broadcast %broadcast_in_dim3A_89 : vector<512x1xf32> to vector<512x1024xf32>
    %broadcast_in_dim3A_91 = vector.broadcast %jit3A_88 : f32 to vector<512x1024xf32>
    %select_n3A_92 = arith.select %eq3A_86, %broadcast_in_dim3A_90, %broadcast_in_dim3A_91 : vector<512x1024xi1>, vector<512x1024xf32>
    %add3A_93 = arith.addf %add3A_83, %select_n3A_92 : vector<512x1024xf32>
    %dot_general3A = arith.constant dense<0.000000e+00> : vector<512x128xf32>
    %dot_general3A_94 = tpu.matmul %add3A_93, %get3A_8, %dot_general3A {dimension_numbers = #tpu.dot_dimension_numbers<[1], [0], [0], [1], [0, 0, 1, 1], [], []>, precision = #tpu.contract_precision<fp32>, transpose_lhs_hint = false} : vector<512x1024xf32>, vector<1024x128xf32>, vector<512x128xf32> -> vector<512x128xf32>
    %swap3A = arith.constant 0 : index
    %swap3A_95 = arith.constant 0 : index
    %swap3A_96 = arith.constant 0 : index
    %swap3A_97 = vector.load %arg4[%swap3A, %swap3A_95, %swap3A_96] : memref<1x512x128xf32, #tpu.memory_space<vmem>>, vector<1x512x128xf32>
    %swap3A_98 = vector.shape_cast %swap3A_97 : vector<1x512x128xf32> to vector<512x128xf32>
    %swap3A_99 = vector.shape_cast %dot_general3A_94 : vector<512x128xf32> to vector<1x512x128xf32>
    tpu.vector_store %arg4[%swap3A, %swap3A_95, %swap3A_96], %swap3A_99 {strides = array<i32>} : memref<1x512x128xf32, #tpu.memory_space<vmem>>, vector<1x512x128xf32>,
    return
  }
  func.func @transform_0(%arg0: i32, %arg1: i32) -> (i32, i32, i32) {
    %c0_i32 = arith.constant 0 : i32
    %c0_i32_0 = arith.constant 0 : i32
    return %arg0, %arg1, %c0_i32 : i32, i32, i32
  }
  func.func @transform_1(%arg0: i32, %arg1: i32) -> (i32, i32, i32) {
    %c0_i32 = arith.constant 0 : i32
    %c0_i32_0 = arith.constant 0 : i32
    %c0_i32_1 = arith.constant 0 : i32
    return %arg0, %c0_i32, %c0_i32_0 : i32, i32, i32
  }
  func.func @transform_2(%arg0: i32, %arg1: i32) -> (i32, i32, i32) {
    %c0_i32 = arith.constant 0 : i32
    %c0_i32_0 = arith.constant 0 : i32
    return %arg0, %arg1, %c0_i32 : i32, i32, i32
  }
}

</mosaic_0001>

<sc_bundles>
// kernel: gather_offload_async_start
scs
__scs_entry_jumppad:
0x0: {  	(pc) =	sbr.rel $0x88, $3  }
0x1: {  	(tag) =	ssettag $0x0;
	lr =	simm.s32 $0x1  }
0x2: {  	[smem:$0x3F3E] =	sst lr;
	_ =	strace $0xD0000000  }
0x3: {  	_ = 	snop  }
0x4: {  	_ = 	snop  }
0x5: {  	_ = 	snop  }
0x6: {  	_ = 	snop  }
0x7: {  	_ = 	snop  }
__scs_overlays_trampoline_lowered:
0x8: {  	[smem:$0x3F4D] =	sst s0  }
0x9: {  	[smem:$0x3F4E] =	sst s1  }
0xa: {  	[smem:$0x3F4F] =	sst s2  }
0xb: {  	[smem:$0x3F50] =	sst s3  }
0xc: {  	[smem:$0x3F51] =	sst s4  }
0xd: {  	[smem:$0x3F52] =	sst s5  }
0xe: {  	[smem:$0x3F53] =	sst s6  }
0xf: {  	[smem:$0x3F54] =	sst s7  }
0x10: {  	[smem:$0x3F55] =	sst s8  }
0x11: {  	[smem:$0x3F56] =	sst s9;
	s0 =	simm.s32 @!p0 $0x0  }
0x12: {  	s1 =	sld [smem:$0x3F3C];
	s0 =	simm.s32 @p0 $0x1  }
0x13: {  	[smem:$0x3F57] =	sst s0;
	s0 =	simm.s32 @!p1 $0x0  }
0x14: {  	s2 =	sld [smem:$0x3F3B];
	s0 =	simm.s32 @p1 $0x1  }
0x15: {  	[smem:$0x3F58] =	sst s0;
	s0 =	simm.s32 @!p2 $0x0  }
0x16: {  	s3 =	sld [smem:$0x3FDB];
	s0 =	simm.s32 @p2 $0x1  }
0x17: {  	s4 =	simm.s32 $0x1BF5;
	[smem:$0x3F5A] =	sst s0  }
0x18: {  	s0 =	sld [smem:$0x3F3D];
	_ =	swait.ge [sflag:s4], $0x0  }
0x19: {  	s7 =	sld [smem:$0x3F3E]  }
0x1a: {  	s8 =	sadd.s32 $0xFFFFE003, lr  }
0x1b: {  	s9 =	sadd.s32 $0xFFFFFEF7, lr;
	s5 =	simm.s32 $0xFFFFFFFF;
	p2 =	slt.u32 s8, $0xFFFFF086  }
0x1c: {  	p1 =	slt.u32 s9, $0xF7A;
	s5 =	simm.s32 @!p2 $0x0  }
0x1d: {  	s5 =	simm.s32 @p1 $0x1;
	p0 =	seq.s32 s7, s2  }
0x1e: {  	s7 =	smul.u32 @!p0 $0xF7A, s2;
	p2 =	seq.s32 @!p0 s5, $0x0  }
0x1f: {  	s9 =	smul.u32 $0xF7A, s1;
	s8 =	simm.s32 @!p0 $0x1BF5;
	p2 =	por !p2, p0  }
0x20: {  	[sflag:s8] =	ssyncset.s32 @!p0 $0xFFFFF086;
	s6 =	sadd.s32 @!p0 s3, s7;
	s7 =	simm.s32 @!p0 $0x108  }
0x21: {  	s3 =	sadd.s32 s3, s9;
	s6 =	sadd.s32 @!p0 $0x88, s6;
	s7 =	simm.s32 @p2 $0x1082  }
0x22: {  	[simem:s7], [sflag:s8] =	dma.local @!p0 [hbm:s6], $0xF7A  }
0x23: {  	s9 =	sor.u32 $0xD0000000, s2;
	s6 =	simm.s32 $0x108;
	_ =	swait.ge @!p0 [sflag:s8], $0x0  }
0x24: {  	s3 =	sadd.s32 $0x88, s3;
	s6 =	simm.s32 @!p1 $0x1082;
	[sflag:s4] =	ssyncset.s32 $0xFFFFF086  }
0x25: {  	[simem:s6], [sflag:s4] =	dma.local [hbm:s3], $0xF7A  }
0x26: {  	[smem:$0x3F3E] =	sst s1;
	(tag) =	ssettag s2;
	_ =	strace s9  }
0x27: {  	s1 =	sld [smem:$0x3F4E]  }
0x28: {  	s2 =	sld [smem:$0x3F4F]  }
0x29: {  	s4 =	sld [smem:$0x3F51]  }
0x2a: {  	p0 =	seq.s32 s5, $0x0;
	s5 =	sld [smem:$0x3F52]  }
0x2b: {  	s6 =	sld [smem:$0x3F53]  }
0x2c: {  	s7 =	sld [smem:$0x3F54]  }
0x2d: {  	s3 =	simm.s32 $0x108;
	s8 =	sld [smem:$0x3F55]  }
0x2e: {  	s3 =	simm.s32 @!p0 $0x1082;
	s9 =	sld [smem:$0x3F56]  }
0x2f: {  	lr =	sadd.s32 s0, s3;
	s0 =	sld [smem:$0x3F4D]  }
0x30: {  	s3 =	sld [smem:$0x3F50]  }
0x31: {  	[smem:$0x3F59] =	sst s10  }
0x32: {  	s10 =	sld [smem:$0x3F57];
	_ =	sdelay $0x3  }
0x33: {  	p0 =	seq.s32 s10, $0x1;
	s10 =	sld [smem:$0x3F59];
	_ =	sdelay $0x3  }
0x34: {  	[smem:$0x3F59] =	sst s10  }
0x35: {  	s10 =	sld [smem:$0x3F58];
	_ =	sdelay $0x3  }
0x36: {  	p1 =	seq.s32 s10, $0x1;
	s10 =	sld [smem:$0x3F59];
	_ =	sdelay $0x3  }
0x37: {  	[smem:$0x3F59] =	sst s10  }
0x38: {  	s10 =	sld [smem:$0x3F5A]  }
0x39: {  	_ = 	snop;
	(pc) =	sbr.ind lr, $3  }
0x3a: {  	_ = 	snop  }
0x3b: {  	_ = 	snop  }
0x3c: {  	p2 =	seq.s32 s10, $0x1;
	s10 =	sld [smem:$0x3F59]  }
0x3d: {  	_ =	shalt  }
0x3e: {  	_ =	shalt  }
0x3f: {  	_ =	shalt  }
0x40: {  	_ =	shalt  }
0x41: {  	_ =	shalt  }
0x42: {  	_ =	shalt  }
0x43: {  	_ =	shalt  }
0x44: {  	_ =	shalt  }
0x45: {  	_ =	shalt  }
0x46: {  	_ =	shalt  }
0x47: {  	_ =	shalt  }
0x48: {  	_ =	shalt  }
0x49: {  	_ =	shalt  }
0x4a: {  	_ =	shalt  }
0x4b: {  	_ =	shalt  }
0x4c: {  	_ =	shalt  }
0x4d: {  	_ =	shalt  }
0x4e: {  	_ =	shalt  }
0x4f: {  	_ =	shalt  }
0x50: {  	_ =	shalt  }
0x51: {  	_ =	shalt  }
0x52: {  	_ =	shalt  }
0x53: {  	_ =	shalt  }
0x54: {  	_ =	shalt  }
0x55: {  	_ =	shalt  }
0x56: {  	_ =	shalt  }
0x57: {  	_ =	shalt  }
0x58: {  	_ =	shalt  }
0x59: {  	_ =	shalt  }
0x5a: {  	_ =	shalt  }
0x5b: {  	_ =	shalt  }
0x5c: {  	_ =	shalt  }
0x5d: {  	_ =	shalt  }
0x5e: {  	_ =	shalt  }
0x5f: {  	_ =	shalt  }
0x60: {  	_ =	shalt  }
0x61: {  	_ =	shalt  }
0x62: {  	_ =	shalt  }
0x63: {  	_ =	shalt  }
0x64: {  	_ =	shalt  }
0x65: {  	_ =	shalt  }
0x66: {  	_ =	shalt  }
0x67: {  	_ =	shalt  }
0x68: {  	_ =	shalt  }
0x69: {  	_ =	shalt  }
0x6a: {  	_ =	shalt  }
0x6b: {  	_ =	shalt  }
0x6c: {  	_ =	shalt  }
0x6d: {  	_ =	shalt  }
0x6e: {  	_ =	shalt  }
0x6f: {  	_ =	shalt  }
0x70: {  	_ =	shalt  }
0x71: {  	_ =	shalt  }
0x72: {  	_ =	shalt  }
0x73: {  	_ =	shalt  }
0x74: {  	_ =	shalt  }
0x75: {  	_ =	shalt  }
0x76: {  	_ =	shalt  }
0x77: {  	_ =	shalt  }
0x78: {  	_ =	shalt  }
0x79: {  	_ =	shalt  }
0x7a: {  	_ =	shalt  }
0x7b: {  	_ =	shalt  }
0x7c: {  	_ =	shalt  }
0x7d: {  	_ =	shalt  }
0x7e: {  	_ =	shalt  }
0x7f: {  	_ =	shalt  }
0x80: {  	_ =	shalt  }
0x81: {  	_ =	shalt  }
0x82: {  	_ =	shalt  }
0x83: {  	_ =	shalt  }
0x84: {  	_ =	shalt  }
0x85: {  	_ =	shalt  }
0x86: {  	_ =	shalt  }
0x87: {  	_ =	shalt  }
.Lfunc_end0:
.L_simem_size_0:
called_computation_lowered:
.L_overlay_start_0:
0x88: {  	s2 =	sld [smem:$0x3FD9]  }
0x89: {  	s3 =	sld [smem:$0x3FFE];
	_ =	sdelay $0x1  }
0x8a: {  	s1 =	srdreg.scid  }
0x8b: {  	s0 =	sand.u32 $0x1, s1  }
0x8c: {  	s15 =	sshll.u32 s0, $0xA;
	s2 =	sadd.s32 s3, s2  }
0x8d: {  	s2 =	sadd.s32 s2, s15  }
0x8e: {  	[smem:$0x3F65] =	sst s2  }
0x8f: {  	_ = 	snop  }
0x90: {  	s2 =	sld [smem:$0x3FD0];
	_ =	sdelay $0x2  }
0x91: {  	s16 =	simm.s32 $0xA;
	s4 =	simm.s32 $0x10  }
0x92: {  	[smem:s4], [sflag:s16] =	dma.local [hbm:s2], $0x1  }
0x93: {  	_ =	swait.eq [sflag:s16], $0x1  }
0x94: {  	s17 =	sld [smem:$0x10];
	[sflag:s16] =	ssyncset.done $0x0  }
0x95: {  	s18 =	sld [smem:$0x11];
	[sflag:s16] =	ssyncadd.s32 $0xFFFFFFFF  }
0x96: {  	s19 =	sld [smem:$0x13];
	(tm) =	ssettm $0x1  }
0x97: {  	s5 =	sld [smem:$0x3FFB];
	_ =	sdelay $0x3  }
0x98: {  	_ =	strace s5  }
0x99: {  	s5 =	sld [smem:$0x3FFC];
	_ =	sdelay $0x3  }
0x9a: {  	_ =	strace s5  }
0x9b: {  	s5 =	sld [smem:$0x3FFD];
	_ =	sdelay $0x3  }
0x9c: {  	_ =	strace s5  }
0x9d: {  	_ =	strace $0x8FFFFFFF  }
0x9e: {  	s20 =	sld [smem:$0x3FDB];
	_ =	sdelay $0x1  }
0x9f: {  	s6 =	simm.s32 $_scs_section_size  }
0xa0: {  	s7 =	simm.s32 $_size__tile_overlayer_lowered;
	s8 =	simm.s32 $_tile_overlayer_lowered  }
0xa1: {  	s23 =	simm.s32 $0x1BFF;
	s22 =	sshll.u32 s8, $0x1;
	s5 =	sadd.s32 s6, s20  }
0xa2: {  	s9 =	simm.s32 $0x0;
	s21 =	sshll.u32 s7, $0x1;
	s7 =	sadd.s32 s22, s5  }
0xa3: {  	[timem:s9], [sflag:s23] =	dma.local [hbm:s7], s21  }
0xa4: {  	_ =	swait.ge [sflag:s23], s21  }
0xa5: {  	s6 =	ssub.s32 $0x0, s21;
	[sflag:s23] =	ssyncset.done $0x0  }
0xa6: {  	[sflag:s23] =	ssyncadd.s32 s6;
	_ =	sdelay $0x1  }
0xa7: {  	s24 =	simm.s32 $0x1B8B  }
0xa8: {  	_ =	swait.ge [sflag:s24], $0x1  }
0xa9: {  	[sflag:s24] =	ssyncset.done $0x0  }
0xaa: {  	s25 =	simm.s32 $0x1B8E;
	[sflag:s24] =	ssyncadd.s32 $0xFFFFFFFF  }
0xab: {  	s26 =	simm.s32 $execute0_lowered;
	[smem:$0x3FD2] =	sst s25  }
0xac: {  	s6 =	sshll.u32 s26, $0x1;
	_ =	strace $0x80000046;
	[dreg:$0x1] =	wrdreg $0xFFFFFFFF  }
0xad: {  	s28 =	simm.s32 $_size_execute0_lowered;
	s5 =	sadd.s32 s5, s6;
	[dreg:$0x0] =	wrdreg $0x0  }
0xae: {  	s6 =	sshll.u32 s28, $0x1;
	[dreg:$0x2] =	wrdreg s5  }
0xaf: {  	[dreg:$0x3] =	wrdreg s6  }
0xb0: {  	[dreg:$0x4] =	wrdreg $0xC0  }
0xb1: {  	_ =	task [dreg:s9], $0x5FFFF  }
0xb2: {  	[dreg:$0x1] =	wrdreg $0xFFFFFFFF  }
0xb3: {  	[dreg:$0x0] =	wrdreg $0x60  }
0xb4: {  	[dreg:$0x2] =	wrdreg s19  }
0xb5: {  	[dreg:$0x3] =	wrdreg s18  }
0xb6: {  	[dreg:$0x4] =	wrdreg s17  }
0xb7: {  	[dreg:$0x5] =	wrdreg $0x9  }
0xb8: {  	_ =	task.clear_ibuf [dreg:s9], $0x6FFFF;
	_ =	strace $0x90000046  }
0xb9: {  	s29 =	simm.s32 $0x9;
	_ =	strace $0x80000048  }
0xba: {  	_ =	swait.ge [sflag:s29], $0x1  }
0xbb: {  	[sflag:s29] =	ssyncadd.s32 $0xFFFFFFFF  }
0xbc: {  	_ =	strace $0x90000048  }
0xbd: {  	_ =	sfence  }
0xbe: {  	s30 =	sld [smem:$0x0];
	_ =	sdelay $0x2  }
0xbf: {  	s31 =	sshll.u32 s1, $0xD;
	s1 =	sshrl.u32 s1, $0x2  }
0xc0: {  	s3 =	sand.u32 $0x4000, s31;
	s1 =	sadd.s32 s1, s30  }
0xc1: {  	s0 =	sor.u32 s3, s0;
	s1 =	sshll.u32 s1, $0x11  }
0xc2: {  	s0 =	sor.u32 s1, s0  }
0xc3: {  	s0 =	sadd.s32 $0x8F2B, s0  }
0xc4: {  	[sflag:s0] =	ssyncadd.remote.s32 $0x1  }
0xc5: {  	_ =	sfence.sel $0xFFFF  }
0xc6: {  	[dreg:$0x0] =	wrdreg $0xFFFFFFFF;
	(pc) =	sbr.abs _section_cstart, $3  }
0xc7: {  	[dreg:$0x1] =	wrdreg $0xFFFFFFFF  }
0xc8: {  	_ =	task.clear_ibuf [dreg:s9], $0x2FFFF;
	_ =	strace $0x9FFFFFFF  }
0xc9: {  	(tm) =	ssettm $0x7FFFFFFF  }
tec
execute0_lowered:
.L_overlay_start_1:
0x0: {  	(tag) =	ssettag $0x1  }
0x1: {  	s2 =	rddreg [dreg:$0x0]  }
0x2: {  	s3 =	rddreg [dreg:$0x1]  }
0x3: {  	s4 =	rddreg [dreg:$0x2]  }
0x4: {  	s0 =	rddreg [dreg:$0x3];
	s1 =	srdreg.scid  }
0x5: {  	_ =	strace $0x80000047;
	s5 =	simm.s32 $0x1;
	s6 =	sshll.u32 s1, $0x4  }
.Ltmp0:
0x6: {  	s1 =	stileid.u32;
	s6 =	sand.u32 $0x10, s6;
	(pc) =	sbr.rel .LBB2_1-.Ltmp0, $4  }
0x7: {  	s9 =	simm.s32 $0x3;
	s12 =	simm.s32 $0x0;
	s7 =	sor.u32 s1, s6  }
0x8: {  	[sflag:s5] =	ssyncpa.u1 $0x0;
	s6 =	simm.s32 $0x2;
	s7 =	sshll.u32 s7, $0x6  }
0x9: {  	s10 =	simm.s32 $0x0;
	[sflag:s6] =	ssyncpa.u1 $0x0;
	s8 =	sadd.s32 $0x40, s7  }
0xa: {  	vm0 =	vmmov $0xff;
	vm1 =	vcmask $0x3F20;
	[sflag:s9] =	ssyncpa.u1 $0x0;
	s9 =	simm.s32 $0x40;
	s11 =	smov.u32 s7  }
.LBB2_9:
0xb: {  	p0 =	seq.s32 s10, $0x2  }
.Ltmp1:
0xc: {  	_ = 	snop;
	(pc) =	sbr.rel @p0 .LBB2_11-.Ltmp1, $1  }
0xd: {  	_ =	sdelay $0x3  }
.LBB2_10:
0xe: {  	s12 =	sadd.s32 $0x40, s11  }
0xf: {  	s13 =	smov.u32 s7;
	p0 =	slt.s32 s12, s8  }
0x10: {  	s13 =	smov.u32 @p0 s12  }
0x11: {  	s10 =	sadd.s32 $0x1, s10;
	s12 =	smov.u32 s11;
	s11 =	smov.u32 s13  }
.LBB2_1:
0x12: {  	p0 =	sne.s32 s10, $0x0  }
.Ltmp2:
0x13: {  	_ = 	snop;
	(pc) =	sbr.rel @!p0 .LBB2_2-.Ltmp2, $1  }
0x14: {  	_ =	sdelay $0x3  }
0x15: {  	s13 =	sand.u32 $0x1, s10  }
0x16: {  	p0 =	seq.s32 s13, $0x0  }
.Ltmp3:
0x17: {  	_ = 	snop;
	(pc) =	sbr.rel @p0 .LBB2_9-.Ltmp3, $1  }
0x18: {  	_ =	sdelay $0x3  }
0x19: {  	_ =	swait.ge [sflag:s6], $0x40  }
0x1a: {  	[sflag:s6] =	ssyncset.done $0x0  }
0x1b: {  	s13 =	simm.s32 $0x0;
	[sflag:s6] =	ssyncadd.s32 $0xFFFFFFC0  }
0x1c: {  	v0 =	vld.msk [tilespmem:s13+$0x40 ss:$0x1], $0xffff;
	_ =	sdelay $0x4  }
0x1d: {  	v1 =	vshll.u32 v0, $0x6  }
0x1e: {  	vm2 =	veq.s32 v0, $0x80000000;
	v0 =	vshll.u32 v0, $0x14;
	v1 =	vand.u32 $0xFFF80, v1  }
0x1f: {  	v0 =	vand.u32 $0x100000, v0;
	v1 =	vsel vm2, $0xFFFFFF80, v1  }
0x20: {  	v0 =	vsel vm2, $0xFFF00000, v0;
	v2 =	vand.u32 $0xFFFFFC00, v1  }
0x21: {  	v1 =	vand.u32 $0x380, v1;
	v0 =	vadd.s32 v0, v2  }
0x22: {  	v0 =	vor.u32 v1, v0  }
0x23: {  	v0 =	vshrl.u32 v0, $0x3;
	_ =	sdelay $0x3  }
0x24: {  	s13 =	simm.s32 $0x2080  }
0x25: {  	[tilespmem:s13], [sflag:$0x1] =	stream.indirect_vreg.gather [hbm:s2], $0x80, v0, vm0, $0x38;
	[tilespmem:$0x4080] =	vst v63  }
0x26: {  	s14 =	simm.s32 $0x2480;
	s31 =	simm.s32 $0x10  }
0x27: {  	[tilespmem:s14], [sflag:$0x1] =	stream.indirect_vreg.gather [hbm:s2], $0x80, v0, vm1, $0x38;
	[tilespmem:$0x4080] =	vst v63  }
0x28: {  	s14 =	simm.s32 $0x80;
	v0 =	vld.msk [tilespmem:s31+$0x40 ss:$0x1], $0xffff  }
.LBB2_5:
0x29: {  	p0 =	sne.s32 s14, $0xC0;
	_ =	sdelay $0x4  }
0x2a: {  	v1 =	vshll.u32 v0, $0x6  }
0x2b: {  	vm2 =	veq.s32 v0, $0x80000000;
	v0 =	vshll.u32 v0, $0x14;
	v1 =	vand.u32 $0xFFF80, v1  }
0x2c: {  	v0 =	vand.u32 $0x100000, v0;
	v1 =	vsel vm2, $0xFFFFFF80, v1  }
0x2d: {  	v0 =	vsel vm2, $0xFFF00000, v0;
	v2 =	vand.u32 $0xFFFFFC00, v1  }
0x2e: {  	v1 =	vand.u32 $0x380, v1;
	v0 =	vadd.s32 v0, v2  }
0x2f: {  	v0 =	vor.u32 v1, v0  }
0x30: {  	v0 =	vshrl.u32 v0, $0x3;
	_ =	sdelay $0x3  }
.Ltmp4:
0x31: {  	s13 =	sadd.s32 $0x800, s13;
	(pc) =	sbr.rel @p0 .LBB2_5-.Ltmp4, $4  }
0x32: {  	[tilespmem:s13], [sflag:$0x1] =	stream.indirect_vreg.gather [hbm:s2], $0x80, v0, vm0, $0x38;
	[tilespmem:$0x4080] =	vst v63  }
0x33: {  	s15 =	sshra.s32 s14, $0x2;
	s16 =	sadd.s32 $0x400, s13  }
0x34: {  	[tilespmem:s16], [sflag:$0x1] =	stream.indirect_vreg.gather [hbm:s2], $0x80, v0, vm1, $0x38;
	[tilespmem:$0x4080] =	vst v63  }
0x35: {  	s14 =	sadd.s32 $0x40, s14;
	v0 =	vld.msk [tilespmem:s15+$0x40 ss:$0x1], $0xffff  }
0x36: {  	_ =	sdelay $0x3  }
0x37: {  	v1 =	vshll.u32 v0, $0x6  }
0x38: {  	vm2 =	veq.s32 v0, $0x80000000;
	v63 =	vshll.u32 v0, $0x14;
	v1 =	vand.u32 $0xFFF80, v1  }
0x39: {  	v0 =	vand.u32 $0x100000, v63;
	v1 =	vsel vm2, $0xFFFFFF80, v1  }
0x3a: {  	v0 =	vsel vm2, $0xFFF00000, v0;
	v2 =	vand.u32 $0xFFFFFC00, v1  }
0x3b: {  	v1 =	vand.u32 $0x380, v1;
	v0 =	vadd.s32 v0, v2  }
0x3c: {  	v0 =	vor.u32 v1, v0  }
0x3d: {  	v0 =	vshrl.u32 v0, $0x3;
	_ =	sdelay $0x3  }
0x3e: {  	s13 =	sadd.s32 $0x800, s13  }
0x3f: {  	[tilespmem:s13], [sflag:$0x1] =	stream.indirect_vreg.gather [hbm:s2], $0x80, v0, vm0, $0x38;
	[tilespmem:$0x4080] =	vst v63  }
0x40: {  	s13 =	sadd.s32 $0x400, s13  }
0x41: {  	[tilespmem:s13], [sflag:$0x1] =	stream.indirect_vreg.gather [hbm:s2], $0x80, v0, vm1, $0x38;
	[tilespmem:$0x4080] =	vst v63  }
0x42: {  	s12 =	sshll.u32 s12, $0x4;
	s14 =	simm.s32 $0x80;
	_ =	swait.ge [sflag:s5], $0x2000  }
0x43: {  	s15 =	simm.s32 $0x2480;
	s12 =	sadd.s32 s12, s4;
	[sflag:s5] =	ssyncset.done $0x0  }
0x44: {  	s16 =	sadd.s32 $0x0, s12;
	s13 =	simm.s32 $0x2080;
	[sflag:s5] =	ssyncadd.s32 $0xFFFFE000  }
.LBB2_7:
0x45: {  	[hbm:s16] =	stream.linear.scatter [tilespmem:s13], [sflag:$0x3], $0x400, $0x38;
	[tilespmem:$0x4080] =	vst v63  }
0x46: {  	s16 =	smov.u32 s14;
	s13 =	smov.u32 s15;
	p0 =	sne.s32 s14, $0x380  }
.Ltmp5:
0x47: {  	s14 =	sadd.s32 $0x80, s14;
	(pc) =	sbr.rel @p0 .LBB2_7-.Ltmp5, $2  }
0x48: {  	_ =	sdelay $0x2  }
0x49: {  	s15 =	sadd.s32 $0x400, s15;
	s16 =	sadd.s32 s16, s12  }
.Ltmp6:
0x4a: {  	(pc) =	sbr.rel .LBB2_9-.Ltmp6, $2  }
0x4b: {  	_ =	sdelay $0x2  }
0x4c: {  	[hbm:s16] =	stream.linear.scatter [tilespmem:s13], [sflag:$0x3], $0x400, $0x38;
	[tilespmem:$0x4080] =	vst v63  }
.LBB2_2:
.Ltmp7:
0x4d: {  	(pc) =	sbr.rel .LBB2_10-.Ltmp7, $4  }
0x4e: {  	_ = 	snop  }
0x4f: {  	s12 =	sshrl.u32 s11, $0x3  }
0x50: {  	s13 =	sand.u32 $0x7, s11;
	s12 =	sadd.s32 s3, s12  }
0x51: {  	[tilespmem:s9], [sflag:$0x2] =	stream.linear.gather [hbm4b:s12+s13], $0x40, $0x38;
	[tilespmem:$0x4080] =	vst v63  }
.LBB2_11:
0x52: {  	s2 =	simm.s32 $0x3  }
0x53: {  	_ =	swait.ge [sflag:s2], $0x2000  }
0x54: {  	[sflag:s2] =	ssyncset.done $0x0  }
0x55: {  	[sflag:s2] =	ssyncadd.s32 $0xFFFFE000  }
0x56: {  	_ =	sfence.sel $0x180000  }
0x57: {  	s3 =	simm.s32 $0x2;
	[bflag:$0x0] =	sbarrier.arrive $0xFFFF  }
0x58: {  	[sflag:s3] =	ssyncpa.u1 $0x1  }
0x59: {  	s31 =	simm.s32 $0x1;
	[sflag:s2] =	ssyncpa.u1 $0x1  }
0x5a: {  	[sflag:s31] =	ssyncpa.u1 $0x1  }
0x5b: {  	p0 =	sne.s32 s1, $0x0;
	_ =	strace $0x90000047  }
0x5c: {  	s0 =	sadd.s32 @!p0 $0x100000, s0;
	[bflag:$0x2] =	sbarrier.arrive $0xFFFF  }
0x5d: {  	[sflag:s0] =	ssyncadd.tile.s32 @!p0 $0x1;
	_ =	shalt  }
.Lfunc_end2:
_tile_overlayer_lowered:
.L_overlay_start_2:
0x5e: {  	(tag) =	ssettag $0x2  }
0x5f: {  	s0 =	rddreg [dreg:$0x0];
	s2 =	stileid.u32  }
0x60: {  	s1 =	rddreg [dreg:$0x1];
	p0 =	sne.s32 s2, $0x0  }
0x61: {  	s3 =	rddreg [dreg:$0x2];
	[bflag:$0x3] =	sbarrier.arrive $0xFFFF;
	s2 =	simm.s32 @!p0 $0x1C01  }
0x62: {  	[timem:s3], [sflag:s2] =	dma.local @!p0 [hbm:s0], s1  }
0x63: {  	s0 =	simm.s32 @!p0 $0x1  }
0x64: {  	_ =	swait.ge @!p0 [sflag:s0], s1  }
0x65: {  	s1 =	ssub.s32 @!p0 $0x0, s1;
	[sflag:s0] =	ssyncset.done @!p0 $0x0  }
0x66: {  	[sflag:s0] =	ssyncadd.s32 @!p0 s1  }
0x67: {  	[bflag:$0x3] =	sbarrier.arrive $0xFFFF  }
0x68: {  	_ =	shalt  }

</sc_bundles>
